<compile_context>
chip_gen: v7x
topology: tpu7x:2x2x1
jax: 0.10.2.dev20260603
libtpu: 0.0.44.dev20260713+nightly
codegen_flags: <defaults>
</compile_context>

<pallas_src>
import functools
import jax
import jax.numpy as jnp
from jax import lax
from jax.experimental import pallas as pl
from jax.experimental.pallas import tpu as pltpu
from jax.experimental.pallas import tpu_sc as plsc

B, N, D = 4, 8192, 32
NPOINT, NSAMPLE = 2048, 32
EPS = 1e-5

TS = 256
BIGF = 3.0e38
NW = 32
RPW = (B * NPOINT) // NW
NCH = N // 16
CAP = N + 16



def _dist_body(q_ref, p_ref, d_ref, t_ref):
    q = q_ref[...]
    p = p_ref[0]
    dg = lax.dot_general(q, p, (((1,), (1,)), ((), ())),
                         preferred_element_type=jnp.float32)
    q2 = jnp.sum(q * q, axis=1, keepdims=True)
    p2 = jnp.sum(p * p, axis=1)[None, :]
    d = (-2.0 * dg + q2) + p2
    d_ref[...] = d
    cm = jnp.min(d.reshape(TS, 32, 256), axis=2)
    t_ref[0, 0] = jnp.max(cm, axis=1)


def _dist(new_points, points):
    nst = (B * NPOINT) // TS
    return pl.pallas_call(
        _dist_body,
        grid=(nst,),
        in_specs=[
            pl.BlockSpec((TS, D), lambda g: (g, 0)),
            pl.BlockSpec((1, N, D), lambda g: (g // (NPOINT // TS), 0, 0)),
        ],
        out_specs=[
            pl.BlockSpec((TS, N), lambda g: (g, 0)),
            pl.BlockSpec((1, 1, TS), lambda g: (g, 0, 0)),
        ],
        out_shape=[
            jax.ShapeDtypeStruct((B * NPOINT, N), jnp.float32),
            jax.ShapeDtypeStruct((nst, 1, TS), jnp.float32),
        ],
    )(new_points.reshape(B * NPOINT, D), points)



def _vgather(x, idx):
    dnums = lax.GatherDimensionNumbers(offset_dims=(), collapsed_slice_dims=(0,),
                                       start_index_map=(0,))
    return lax.gather(x, idx[:, None], dnums, (1,),
                      mode=lax.GatherScatterMode.PROMISE_IN_BOUNDS)


def _merge16(A, Ai, B, Bi, c, ci, iot):
    cmpm = B <= c
    W = jnp.where(cmpm, B, c)
    Wi = jnp.where(cmpm, Bi, ci)
    c16 = A <= W
    A2, A2i = jnp.where(c16, A, W), jnp.where(c16, Ai, Wi)
    B2, B2i = jnp.where(c16, W, A), jnp.where(c16, Wi, Ai)

    def stage(v, vi, d):
        pidx = iot ^ d
        vp = _vgather(v, pidx)
        vip = _vgather(vi, pidx)
        keepmin = (iot & d) == 0
        takep = jnp.where(keepmin, vp < v, vp > v)
        return jnp.where(takep, vp, v), jnp.where(takep, vip, vi)

    for d in (8, 4, 2, 1):
        A2, A2i = stage(A2, A2i, d)
        B2, B2i = stage(B2, B2i, d)
    return A2, A2i, B2, B2i


SCAN_U = 8


def _sc_body(dist, thr, out, thr_v, rowb, candv, candi, seli, sem0, sem1):
    wid = lax.axis_index("s") * 2 + lax.axis_index("c")
    base = wid * RPW
    pltpu.sync_copy(thr.at[pl.ds(base, RPW)], thr_v)
    iot = lax.iota(jnp.int32, 16)
    bigv = jnp.full((16,), BIGF, jnp.float32)
    zi = jnp.zeros((16,), jnp.int32)
    ones = jnp.full((16,), 1, jnp.int32)

    def process(r, rb):
        row = base + r
        tv = thr_v[pl.ds((r // 16) * 16, 16)]
        tsp = _vgather(tv, jnp.full((16,), r % 16, jnp.int32))

        def chunk_fn(c8, pos_v):
            pv = pos_v
            for u in range(SCAN_U):
                c = c8 * SCAN_U + u
                v = rb[pl.ds(c * 16, 16)]
                msk = v <= tsp
                incl = plsc.cumsum(ones, mask=msk)
                positions = pv + incl - 1
                plsc.store_scatter(candv, [positions], v, mask=msk)
                plsc.store_scatter(candi, [positions], iot + c * 16, mask=msk)
                pv = pv + plsc.all_reduce_population_count(msk)
            return pv

        pos_v = lax.fori_loop(0, NCH // SCAN_U, chunk_fn, zi)
        plsc.store_scatter(candv, [pos_v + iot], bigv)
        nv = (jnp.max(pos_v) + 15) // 16
        bofs = (row // NPOINT) * N

        def mfn(j, st):
            A, Ai, B, Bi = st
            v = candv[pl.ds(j * 16, 16)]
            vi = candi[pl.ds(j * 16, 16)]
            ks, vs = plsc.sort_key_val(v, vi, descending=True)
            return _merge16(A, Ai, B, Bi, ks, vs, iot)

        A, Ai, B, Bi = lax.fori_loop(0, nv, mfn, (bigv, zi, bigv, zi))
        seli[pl.ds(0, 16)] = Ai + bofs
        seli[pl.ds(16, 16)] = Bi + bofs
        pltpu.sync_copy(seli, out.at[pl.ds(row * NSAMPLE, NSAMPLE)])

    pltpu.async_copy(dist.at[base], rowb.at[pl.ds(0, N)], sem0)

    def rowpair_fn(rp, carry):
        r0 = 2 * rp
        r1 = r0 + 1
        pltpu.make_async_copy(dist.at[base + r0], rowb.at[pl.ds(0, N)], sem0).wait()
        pltpu.async_copy(dist.at[base + r1], rowb.at[pl.ds(N, N)], sem1)
        process(r0, rowb.at[pl.ds(0, N)])
        pltpu.make_async_copy(dist.at[base + r1], rowb.at[pl.ds(N, N)], sem1).wait()

        @pl.when(r1 + 1 < RPW)
        def _pref():
            pltpu.async_copy(dist.at[base + r1 + 1], rowb.at[pl.ds(0, N)], sem0)

        process(r1, rowb.at[pl.ds(N, N)])
        return carry

    lax.fori_loop(0, RPW // 2, rowpair_fn, jnp.int32(0))


def _sc_topk(dist, thr):
    mesh = plsc.VectorSubcoreMesh(core_axis_name="c", subcore_axis_name="s")
    f = functools.partial(
        pl.kernel,
        out_type=jax.ShapeDtypeStruct((B * NPOINT * NSAMPLE,), jnp.int32),
        mesh=mesh,
        compiler_params=pltpu.CompilerParams(needs_layout_passes=False),
        scratch_types=[
            pltpu.VMEM((RPW,), jnp.float32),
            pltpu.VMEM((2 * N,), jnp.float32),
            pltpu.VMEM((CAP,), jnp.float32),
            pltpu.VMEM((CAP,), jnp.int32),
            pltpu.VMEM((NSAMPLE,), jnp.int32),
            pltpu.SemaphoreType.DMA,
            pltpu.SemaphoreType.DMA,
        ],
    )(_sc_body)
    return f(dist, thr)


GCH = 2048
GPW = (B * NPOINT * NSAMPLE) // NW


def _gather_body(idx, table, out, idx_v, rows_v, sem):
    wid = lax.axis_index("s") * 2 + lax.axis_index("c")
    base = wid * GPW

    def chunk_fn(c, carry):
        off = base + c * GCH
        pltpu.sync_copy(idx.at[pl.ds(off, GCH)], idx_v)
        pltpu.async_copy(table.at[idx_v], rows_v, sem).wait()
        pltpu.sync_copy(rows_v, out.at[pl.ds(off, GCH)])
        return carry

    lax.fori_loop(0, GPW // GCH, chunk_fn, jnp.int32(0))


def _sc_gather(idx, table):
    mesh = plsc.VectorSubcoreMesh(core_axis_name="c", subcore_axis_name="s")
    f = functools.partial(
        pl.kernel,
        out_type=jax.ShapeDtypeStruct((B * NPOINT * NSAMPLE, D), jnp.float32),
        mesh=mesh,
        compiler_params=pltpu.CompilerParams(needs_layout_passes=False,
                                             use_tc_tiling_on_sc=False),
        scratch_types=[
            pltpu.VMEM((GCH,), jnp.int32),
            pltpu.VMEM((GCH, D), jnp.float32),
            pltpu.SemaphoreType.DMA,
        ],
    )(_gather_body)
    return f(idx, table)



MT = 8192


def _layer_body(first, cin, cout, x_ref, w_ref, bb_ref, st_ref, y_ref, acc_ref):
    g = pl.program_id(0)
    x = x_ref[...]
    if not first:
        mu = st_ref[0, :cin][None, :]
        inv = st_ref[1, :cin][None, :]
        gm = st_ref[2, :cin][None, :]
        be = st_ref[3, :cin][None, :]
        x = jnp.maximum((x - mu) * inv * gm + be, 0.0)
    w = w_ref[...]
    y = lax.dot_general(x, w, (((1,), (1,)), ((), ())),
                        preferred_element_type=jnp.float32)
    y = y + bb_ref[0, :cout][None, :]
    y_ref[...] = y
    s1 = jnp.sum(y, axis=0)
    s2 = jnp.sum(y * y, axis=0)
    part = jnp.concatenate([s1[None, :], s2[None, :],
                            jnp.zeros((6, cout), jnp.float32)], axis=0)

    @pl.when(g == 0)
    def _init():
        acc_ref[...] = jnp.zeros_like(acc_ref)

    acc_ref[...] += part


def _layer(x, w, bvec, stats, first):
    m, cin = x.shape
    cout = w.shape[0]
    nsteps = m // MT
    body = functools.partial(_layer_body, first, cin, cout)
    bb = jnp.broadcast_to(bvec[None, :], (8, cout))
    y, acc = pl.pallas_call(
        body,
        grid=(nsteps,),
        in_specs=[
            pl.BlockSpec((MT, cin), lambda g: (g, 0)),
            pl.BlockSpec((cout, cin), lambda g: (0, 0)),
            pl.BlockSpec((8, cout), lambda g: (0, 0)),
            pl.BlockSpec((4, cin), lambda g: (0, 0)),
        ],
        out_specs=[
            pl.BlockSpec((MT, cout), lambda g: (g, 0)),
            pl.BlockSpec((8, cout), lambda g: (0, 0)),
        ],
        out_shape=[
            jax.ShapeDtypeStruct((m, cout), jnp.float32),
            jax.ShapeDtypeStruct((8, cout), jnp.float32),
        ],
    )(x, w, bb, stats)
    return y, acc


def _final_body(cin, st_ref, x_ref, o_ref):
    mu = st_ref[0, :cin][None, None, :]
    inv = st_ref[1, :cin][None, None, :]
    gm = st_ref[2, :cin][None, None, :]
    be = st_ref[3, :cin][None, None, :]
    x = x_ref[...]
    x = jnp.maximum((x - mu) * inv * gm + be, 0.0)
    o_ref[...] = jnp.max(x, axis=1)


def _final(x3, stats):
    rows, k, cin = x3.shape
    ts2 = 256
    body = functools.partial(_final_body, cin)
    return pl.pallas_call(
        body,
        grid=(rows // ts2,),
        in_specs=[
            pl.BlockSpec((4, cin), lambda g: (0, 0)),
            pl.BlockSpec((ts2, k, cin), lambda g: (g, 0, 0)),
        ],
        out_specs=pl.BlockSpec((ts2, cin), lambda g: (g, 0)),
        out_shape=jax.ShapeDtypeStruct((rows, cin), jnp.float32),
    )(stats, x3)


def _stats_from_acc(acc, m, g, be):
    s1 = acc[0]
    s2 = acc[1]
    mu = s1 / m
    var = s2 / m - mu * mu
    inv = 1.0 / jnp.sqrt(var + EPS)
    return jnp.stack([mu, inv, g, be], axis=0)


def kernel(xyz, points, W0, b0, gamma0, beta0, W1, b1, gamma1, beta1,
           W2, b2, gamma2, beta2):
    idx_perm = jax.random.permutation(jax.random.key(42), N)[:NPOINT]
    new_xyz = xyz[:, idx_perm, :]
    new_points = points[:, idx_perm, :]

    dist, thr = _dist(new_points, points)
    gidx = _sc_topk(dist, thr.reshape(B * NPOINT))
    grouped = _sc_gather(gidx, points.reshape(B * N, D))

    m = B * NPOINT * NSAMPLE
    dummy = jnp.zeros((4, D), jnp.float32)
    y0, acc0 = _layer(grouped, W0, b0, dummy, first=True)
    st0 = _stats_from_acc(acc0, m, gamma0, beta0)
    y1, acc1 = _layer(y0, W1, b1, st0, first=False)
    st1 = _stats_from_acc(acc1, m, gamma1, beta1)
    y2, acc2 = _layer(y1, W2, b2, st1, first=False)
    st2 = _stats_from_acc(acc2, m, gamma2, beta2)

    x3 = y2.reshape(B * NPOINT, NSAMPLE, W2.shape[0])
    out = _final(x3, st2)
    return (new_xyz, out.reshape(B, NPOINT, W2.shape[0]))

# --- scband reference (transcript-rebuilt; emitter-appended) ---
"""Pipeline reference for scband-point-net-set-abstraction-17085379904242 (READ-ONLY COPY).

The authoritative reference and input builder live on the scoring server;
editing this copy changes nothing except your own understanding.
"""

import jax, jax.numpy as jnp
import numpy as np

B, N, D = 4, 8192, 32
NPOINT, NSAMPLE = 2048, 32
MLP = [32, 32, 64]
EPS = 1e-5


def setup_inputs(seed: int = 0) -> dict:
    key = jax.random.key(seed)
    ks = jax.random.split(key, 2 + 2 * len(MLP))
    inp = {}
    inp['xyz'] = jax.random.normal(ks[0], (B, N, 3), dtype=jnp.float32)
    inp['points'] = jax.random.normal(ks[1], (B, N, D), dtype=jnp.float32)
    last = D
    for i, oc in enumerate(MLP):
        inp['W%d' % i] = jax.random.normal(ks[2 + 2 * i], (oc, last), dtype=jnp.float32) * (1.0 / np.sqrt(last))
        inp['b%d' % i] = jnp.zeros((oc,), dtype=jnp.float32)
        inp['gamma%d' % i] = jnp.ones((oc,), dtype=jnp.float32)
        inp['beta%d' % i] = jnp.zeros((oc,), dtype=jnp.float32)
        last = oc
    return inp


def reference(xyz, points, W0, b0, gamma0, beta0, W1, b1, gamma1, beta1, W2, b2, gamma2, beta2):
    # sample npoint centroids via (deterministic) random permutation, mirroring torch.randperm(N)[:npoint]
    idx_perm = jax.random.permutation(jax.random.key(42), N)[:NPOINT]
    new_xyz = xyz[:, idx_perm, :]
    new_points = points[:, idx_perm, :]
    # knn_point: squared distances [B, S, N]
    sqrdists = (-2.0 * jnp.einsum('bsd,bnd->bsn', new_points, points)
                + jnp.sum(new_points ** 2, axis=-1)[:, :, None]
                + jnp.sum(points ** 2, axis=-1)[:, None, :])
    _, group_idx = jax.lax.top_k(-sqrdists, NSAMPLE)  # smallest distances
    # index_points: gather [B, S, K, D]
    bidx = jnp.arange(B)[:, None, None]
    grouped = points[bidx, group_idx]
    x = grouped  # [B, S, K, D]
    params = [(W0, b0, gamma0, beta0), (W1, b1, gamma1, beta1), (W2, b2, gamma2, beta2)]
    for (W, b, g, be) in params:
        x = jnp.einsum('bskd,od->bsko', x, W) + b  # 1x1 conv over channels
        mean = jnp.mean(x, axis=(0, 1, 2))
        var = jnp.var(x, axis=(0, 1, 2))  # biased, matches torch BN training normalization
        x = (x - mean) / jnp.sqrt(var + EPS) * g + be
        x = jax.nn.relu(x)
    new_points_out = jnp.max(x, axis=2)  # max over nsample -> [B, S, C_out]
    return (new_xyz, new_points_out)

if __name__ == "__main__":
    import jax
    _d = setup_inputs()
    print(jax.jit(kernel)(*tuple(_d.values())))

</pallas_src>

<mosaic_0001>
#map = affine_map<(d0, d1) -> (0)>
#map1 = affine_map<(d0, d1) -> (0, 0)>
module attributes {stable_mosaic.version = 14 : i64} {
  func.func @_gather_body(%arg0: i32, %arg1: i32, %arg2: memref<262144xi32, #tpu.memory_space<hbm>>, %arg3: memref<32768x32xf32, #tpu.memory_space<hbm>>, %arg4: memref<262144x32xf32, #tpu.memory_space<hbm>>, %arg5: memref<2048xi32, #tpu.memory_space<vmem>>, %arg6: memref<2048x32xf32, #tpu.memory_space<vmem>>, %arg7: memref<!tpu.dma_semaphore, #tpu.memory_space<semaphore_mem>>) attributes {dimension_semantics = [#tpu.dimension_semantics<core_parallel>, #tpu.dimension_semantics<subcore_parallel>], iteration_bounds = array<i64: 2, 16>, scalar_prefetch = 0 : i64, scratch_operands = 3 : i64, tpu.core_type = #tpu.core_type<sc_vector_subcore>, window_params = [{transform_indices = #map}, {transform_indices = #map1}, {transform_indices = #map1}]} {
    %mul3A = arith.constant 2 : i32
    %mul3A_0 = arith.muli %arg1, %mul3A : i32
    %add3A = arith.addi %mul3A_0, %arg0 : i32
    %mul3A_1 = arith.constant 8192 : i32
    %mul3A_2 = arith.muli %add3A, %mul3A_1 : i32
    %scan3A = arith.constant 0 : i32
    %scan3A_3 = arith.constant 0 : i32
    %scan3A_4 = arith.constant 4 : i32
    %scan3A_5 = arith.addi %scan3A_3, %scan3A_4 : i32
    %scan3A_6 = arith.constant 1 : i32
    scf.for %scan3A_8 = %scan3A_3 to %scan3A_5 step %scan3A_6  : i32 {
      %mul3A_9 = arith.constant 2048 : i32
      %mul3A_10 = arith.muli %scan3A_8, %mul3A_9 : i32
      %add3A_11 = arith.addi %mul3A_2, %mul3A_10 : i32
      "tpu.region"() ({
        %run_scoped3A = tpu.sem_alloc : memref<!tpu.dma_semaphore, #tpu.memory_space<semaphore_mem>>
        %dma_start3A_16 = tpu.memref_slice %arg2[%add3A_11] : memref<262144xi32, #tpu.memory_space<hbm>> -> memref<2048xi32, #tpu.memory_space<hbm>>
        %dma_start3A_17 = tpu.memref_slice %arg2[%add3A_11] : memref<262144xi32, #tpu.memory_space<hbm>> -> memref<2048xi32, #tpu.memory_space<hbm>>
        tpu.enqueue_dma source(%dma_start3A_17 : memref<2048xi32, #tpu.memory_space<hbm>>) target(%arg5 : memref<2048xi32, #tpu.memory_space<vmem>>) target_semaphore(%run_scoped3A : memref<!tpu.dma_semaphore, #tpu.memory_space<semaphore_mem>>)
        %dma_wait3A_18 = tpu.memref_slice %arg2[%add3A_11] : memref<262144xi32, #tpu.memory_space<hbm>> -> memref<2048xi32, #tpu.memory_space<hbm>>
        %dma_wait3A_19 = tpu.memref_slice %arg2[%add3A_11] : memref<262144xi32, #tpu.memory_space<hbm>> -> memref<2048xi32, #tpu.memory_space<hbm>>
        tpu.wait_dma2 semaphore(%run_scoped3A : memref<!tpu.dma_semaphore, #tpu.memory_space<semaphore_mem>>) src(%dma_wait3A_19 : memref<2048xi32, #tpu.memory_space<hbm>>) dst(%arg5 : memref<2048xi32, #tpu.memory_space<vmem>>)
        tpu.yield
      }) : () -> ()
      %dma_start3A = arith.constant 0 : i32
      %dma_start3A_12 = arith.constant 0 : i32
      %dma_start3A_13 = tpu.memref_slice %arg3[%dma_start3A, %dma_start3A_12] : memref<32768x32xf32, #tpu.memory_space<hbm>> -> memref<32768x32xf32, #tpu.memory_space<hbm>>
      tpu.enqueue_indirect_dma source(%dma_start3A_13 : memref<32768x32xf32, #tpu.memory_space<hbm>>) target(%arg6 : memref<2048x32xf32, #tpu.memory_space<vmem>>) offsets(%arg5 : memref<2048xi32, #tpu.memory_space<vmem>>) semaphore(%arg7 : memref<!tpu.dma_semaphore, #tpu.memory_space<semaphore_mem>>)
      %dma_wait3A = arith.constant 0 : i32
      %dma_wait3A_14 = arith.constant 0 : i32
      %dma_wait3A_15 = tpu.memref_slice %arg3[%dma_wait3A, %dma_wait3A_14] : memref<32768x32xf32, #tpu.memory_space<hbm>> -> memref<32768x32xf32, #tpu.memory_space<hbm>>
      tpu.wait_indirect_dma semaphore(%arg7 : memref<!tpu.dma_semaphore, #tpu.memory_space<semaphore_mem>>) src(%dma_wait3A_15 : memref<32768x32xf32, #tpu.memory_space<hbm>>) dst(%arg6 : memref<2048x32xf32, #tpu.memory_space<vmem>>)
      "tpu.region"() ({
        %run_scoped3A = tpu.sem_alloc : memref<!tpu.dma_semaphore, #tpu.memory_space<semaphore_mem>>
        %dma_start3A_16 = arith.constant 0 : i32
        %dma_start3A_17 = tpu.memref_slice %arg4[%add3A_11, %dma_start3A_16] : memref<262144x32xf32, #tpu.memory_space<hbm>> -> memref<2048x32xf32, #tpu.memory_space<hbm>>
        %dma_start3A_18 = arith.constant 0 : i32
        %dma_start3A_19 = tpu.memref_slice %arg4[%add3A_11, %dma_start3A_18] : memref<262144x32xf32, #tpu.memory_space<hbm>> -> memref<2048x32xf32, #tpu.memory_space<hbm>>
        tpu.enqueue_dma source(%arg6 : memref<2048x32xf32, #tpu.memory_space<vmem>>) target(%dma_start3A_19 : memref<2048x32xf32, #tpu.memory_space<hbm>>) target_semaphore(%run_scoped3A : memref<!tpu.dma_semaphore, #tpu.memory_space<semaphore_mem>>)
        %dma_wait3A_20 = arith.constant 0 : i32
        %dma_wait3A_21 = tpu.memref_slice %arg4[%add3A_11, %dma_wait3A_20] : memref<262144x32xf32, #tpu.memory_space<hbm>> -> memref<2048x32xf32, #tpu.memory_space<hbm>>
        %dma_wait3A_22 = arith.constant 0 : i32
        %dma_wait3A_23 = tpu.memref_slice %arg4[%add3A_11, %dma_wait3A_22] : memref<262144x32xf32, #tpu.memory_space<hbm>> -> memref<2048x32xf32, #tpu.memory_space<hbm>>
        tpu.wait_dma2 semaphore(%run_scoped3A : memref<!tpu.dma_semaphore, #tpu.memory_space<semaphore_mem>>) src(%arg6 : memref<2048x32xf32, #tpu.memory_space<vmem>>) dst(%dma_wait3A_23 : memref<2048x32xf32, #tpu.memory_space<hbm>>)
        tpu.yield
      }) : () -> ()
    }
    %scan3A_7 = arith.constant 4 : i32
    return
  }
}

#map = affine_map<(d0, d1) -> (0, 0)>
#map1 = affine_map<(d0, d1) -> (0)>
module attributes {stable_mosaic.version = 14 : i64} {
  func.func @_sc_body(%arg0: i32, %arg1: i32, %arg2: memref<8192x8192xf32, #tpu.memory_space<hbm>>, %arg3: memref<8192xf32, #tpu.memory_space<hbm>>, %arg4: memref<262144xi32, #tpu.memory_space<hbm>>, %arg5: memref<256xf32, #tpu.memory_space<vmem>>, %arg6: memref<16384xf32, #tpu.memory_space<vmem>>, %arg7: memref<8208xf32, #tpu.memory_space<vmem>>, %arg8: memref<8208xi32, #tpu.memory_space<vmem>>, %arg9: memref<32xi32, #tpu.memory_space<vmem>>, %arg10: memref<!tpu.dma_semaphore, #tpu.memory_space<semaphore_mem>>, %arg11: memref<!tpu.dma_semaphore, #tpu.memory_space<semaphore_mem>>) attributes {dimension_semantics = [#tpu.dimension_semantics<core_parallel>, #tpu.dimension_semantics<subcore_parallel>], iteration_bounds = array<i64: 2, 16>, scalar_prefetch = 0 : i64, scratch_operands = 7 : i64, tpu.core_type = #tpu.core_type<sc_vector_subcore>, window_params = [{transform_indices = #map}, {transform_indices = #map1}, {transform_indices = #map1}]} {
    %mul3A = arith.constant 2 : i32
    %mul3A_0 = arith.muli %arg1, %mul3A : i32
    %add3A = arith.addi %mul3A_0, %arg0 : i32
    %mul3A_1 = arith.constant 256 : i32
    %mul3A_2 = arith.muli %add3A, %mul3A_1 : i32
    "tpu.region"() ({
      %run_scoped3A = tpu.sem_alloc : memref<!tpu.dma_semaphore, #tpu.memory_space<semaphore_mem>>
      %dma_start3A_22 = tpu.memref_slice %arg3[%mul3A_2] : memref<8192xf32, #tpu.memory_space<hbm>> -> memref<256xf32, #tpu.memory_space<hbm>>
      %dma_start3A_23 = tpu.memref_slice %arg3[%mul3A_2] : memref<8192xf32, #tpu.memory_space<hbm>> -> memref<256xf32, #tpu.memory_space<hbm>>
      tpu.enqueue_dma source(%dma_start3A_23 : memref<256xf32, #tpu.memory_space<hbm>>) target(%arg5 : memref<256xf32, #tpu.memory_space<vmem>>) target_semaphore(%run_scoped3A : memref<!tpu.dma_semaphore, #tpu.memory_space<semaphore_mem>>)
      %dma_wait3A = tpu.memref_slice %arg3[%mul3A_2] : memref<8192xf32, #tpu.memory_space<hbm>> -> memref<256xf32, #tpu.memory_space<hbm>>
      %dma_wait3A_24 = tpu.memref_slice %arg3[%mul3A_2] : memref<8192xf32, #tpu.memory_space<hbm>> -> memref<256xf32, #tpu.memory_space<hbm>>
      tpu.wait_dma2 semaphore(%run_scoped3A : memref<!tpu.dma_semaphore, #tpu.memory_space<semaphore_mem>>) src(%dma_wait3A_24 : memref<256xf32, #tpu.memory_space<hbm>>) dst(%arg5 : memref<256xf32, #tpu.memory_space<vmem>>)
      tpu.yield
    }) : () -> ()
    %iota3A = tpu.iota {dimensions = array<i32: 0>} : vector<16xi32>
    %broadcast_in_dim3A = arith.constant 3.000000e+38 : f32
    %broadcast_in_dim3A_3 = vector.broadcast %broadcast_in_dim3A : f32 to vector<16xf32>
    %broadcast_in_dim3A_4 = arith.constant 0 : i32
    %broadcast_in_dim3A_5 = vector.broadcast %broadcast_in_dim3A_4 : i32 to vector<16xi32>
    %broadcast_in_dim3A_6 = arith.constant 1 : i32
    %broadcast_in_dim3A_7 = vector.broadcast %broadcast_in_dim3A_6 : i32 to vector<16xi32>
    %dma_start3A = arith.constant 0 : i32
    %dma_start3A_8 = tpu.memref_slice %arg6[%dma_start3A] : memref<16384xf32, #tpu.memory_space<vmem>> -> memref<8192xf32, #tpu.memory_space<vmem>>
    %dma_start3A_9 = arith.constant 0 : i32
    %dma_start3A_10 = tpu.memref_slice %arg2[%mul3A_2, %dma_start3A_9] : memref<8192x8192xf32, #tpu.memory_space<hbm>> -> memref<1x8192xf32, #tpu.memory_space<hbm>>
    %dma_start3A_11 = tpu.memref_squeeze %dma_start3A_10 : memref<1x8192xf32, #tpu.memory_space<hbm>> -> memref<8192xf32, #tpu.memory_space<hbm>>
    %dma_start3A_12 = arith.constant 0 : i32
    %dma_start3A_13 = tpu.memref_slice %arg6[%dma_start3A_12] : memref<16384xf32, #tpu.memory_space<vmem>> -> memref<8192xf32, #tpu.memory_space<vmem>>
    %dma_start3A_14 = arith.constant 0 : i32
    %dma_start3A_15 = tpu.memref_slice %arg2[%mul3A_2, %dma_start3A_14] : memref<8192x8192xf32, #tpu.memory_space<hbm>> -> memref<1x8192xf32, #tpu.memory_space<hbm>>
    %dma_start3A_16 = tpu.memref_squeeze %dma_start3A_15 : memref<1x8192xf32, #tpu.memory_space<hbm>> -> memref<8192xf32, #tpu.memory_space<hbm>>
    tpu.enqueue_dma source(%dma_start3A_16 : memref<8192xf32, #tpu.memory_space<hbm>>) target(%dma_start3A_13 : memref<8192xf32, #tpu.memory_space<vmem>>) target_semaphore(%arg10 : memref<!tpu.dma_semaphore, #tpu.memory_space<semaphore_mem>>)
    %scan3A = arith.constant 0 : i32
    %scan3A_17 = arith.constant 0 : i32
    %scan3A_18 = arith.constant 128 : i32
    %scan3A_19 = arith.addi %scan3A_17, %scan3A_18 : i32
    %scan3A_20 = arith.constant 1 : i32
    scf.for %scan3A_22 = %scan3A_17 to %scan3A_19 step %scan3A_20  : i32 {
      %mul3A_23 = arith.constant 2 : i32
      %mul3A_24 = arith.muli %mul3A_23, %scan3A_22 : i32
      %add3A_25 = arith.constant 1 : i32
      %add3A_26 = arith.addi %mul3A_24, %add3A_25 : i32
      %add3A_27 = arith.addi %mul3A_2, %mul3A_24 : i32
      %dma_wait3A = arith.constant 0 : i32
      %dma_wait3A_28 = tpu.memref_slice %arg6[%dma_wait3A] : memref<16384xf32, #tpu.memory_space<vmem>> -> memref<8192xf32, #tpu.memory_space<vmem>>
      %dma_wait3A_29 = arith.constant 0 : i32
      %dma_wait3A_30 = tpu.memref_slice %arg2[%add3A_27, %dma_wait3A_29] : memref<8192x8192xf32, #tpu.memory_space<hbm>> -> memref<1x8192xf32, #tpu.memory_space<hbm>>
      %dma_wait3A_31 = tpu.memref_squeeze %dma_wait3A_30 : memref<1x8192xf32, #tpu.memory_space<hbm>> -> memref<8192xf32, #tpu.memory_space<hbm>>
      %dma_wait3A_32 = arith.constant 0 : i32
      %dma_wait3A_33 = tpu.memref_slice %arg6[%dma_wait3A_32] : memref<16384xf32, #tpu.memory_space<vmem>> -> memref<8192xf32, #tpu.memory_space<vmem>>
      %dma_wait3A_34 = arith.constant 0 : i32
      %dma_wait3A_35 = tpu.memref_slice %arg2[%add3A_27, %dma_wait3A_34] : memref<8192x8192xf32, #tpu.memory_space<hbm>> -> memref<1x8192xf32, #tpu.memory_space<hbm>>
      %dma_wait3A_36 = tpu.memref_squeeze %dma_wait3A_35 : memref<1x8192xf32, #tpu.memory_space<hbm>> -> memref<8192xf32, #tpu.memory_space<hbm>>
      tpu.wait_dma2 semaphore(%arg10 : memref<!tpu.dma_semaphore, #tpu.memory_space<semaphore_mem>>) src(%dma_wait3A_36 : memref<8192xf32, #tpu.memory_space<hbm>>) dst(%dma_wait3A_33 : memref<8192xf32, #tpu.memory_space<vmem>>)
      %add3A_37 = arith.addi %mul3A_2, %add3A_26 : i32
      %dma_start3A_38 = arith.constant 8192 : i32
      %dma_start3A_39 = tpu.memref_slice %arg6[%dma_start3A_38] : memref<16384xf32, #tpu.memory_space<vmem>> -> memref<8192xf32, #tpu.memory_space<vmem>>
      %dma_start3A_40 = arith.constant 0 : i32
      %dma_start3A_41 = tpu.memref_slice %arg2[%add3A_37, %dma_start3A_40] : memref<8192x8192xf32, #tpu.memory_space<hbm>> -> memref<1x8192xf32, #tpu.memory_space<hbm>>
      %dma_start3A_42 = tpu.memref_squeeze %dma_start3A_41 : memref<1x8192xf32, #tpu.memory_space<hbm>> -> memref<8192xf32, #tpu.memory_space<hbm>>
      %dma_start3A_43 = arith.constant 8192 : i32
      %dma_start3A_44 = tpu.memref_slice %arg6[%dma_start3A_43] : memref<16384xf32, #tpu.memory_space<vmem>> -> memref<8192xf32, #tpu.memory_space<vmem>>
      %dma_start3A_45 = arith.constant 0 : i32
      %dma_start3A_46 = tpu.memref_slice %arg2[%add3A_37, %dma_start3A_45] : memref<8192x8192xf32, #tpu.memory_space<hbm>> -> memref<1x8192xf32, #tpu.memory_space<hbm>>
      %dma_start3A_47 = tpu.memref_squeeze %dma_start3A_46 : memref<1x8192xf32, #tpu.memory_space<hbm>> -> memref<8192xf32, #tpu.memory_space<hbm>>
      tpu.enqueue_dma source(%dma_start3A_47 : memref<8192xf32, #tpu.memory_space<hbm>>) target(%dma_start3A_44 : memref<8192xf32, #tpu.memory_space<vmem>>) target_semaphore(%arg11 : memref<!tpu.dma_semaphore, #tpu.memory_space<semaphore_mem>>)
      %add3A_48 = arith.addi %mul3A_2, %mul3A_24 : i32
      %jit3A = arith.constant 16 : i32
      %div3A = arith.divsi %mul3A_24, %jit3A : i32
      %sign3A = arith.constant 0 : i32
      %sign3A_49 = arith.cmpi sgt, %mul3A_24, %sign3A : i32
      %sign3A_50 = arith.extui %sign3A_49 : i1 to i32
      %sign3A_51 = arith.constant 0 : i32
      %sign3A_52 = arith.cmpi slt, %mul3A_24, %sign3A_51 : i32
      %sign3A_53 = arith.extui %sign3A_52 : i1 to i32
      %sign3A_54 = arith.subi %sign3A_50, %sign3A_53 : i32
      %sign3A_55 = arith.constant 0 : i32
      %sign3A_56 = arith.cmpi sgt, %jit3A, %sign3A_55 : i32
      %sign3A_57 = arith.extui %sign3A_56 : i1 to i32
      %sign3A_58 = arith.constant 0 : i32
      %sign3A_59 = arith.cmpi slt, %jit3A, %sign3A_58 : i32
      %sign3A_60 = arith.extui %sign3A_59 : i1 to i32
      %sign3A_61 = arith.subi %sign3A_57, %sign3A_60 : i32
      %ne3A = arith.cmpi ne, %sign3A_54, %sign3A_61 : i32
      %rem3A = arith.remsi %mul3A_24, %jit3A : i32
      %ne3A_62 = arith.constant 0 : i32
      %ne3A_63 = arith.cmpi ne, %rem3A, %ne3A_62 : i32
      %and3A = arith.andi %ne3A, %ne3A_63 : i1
      %sub3A = arith.constant 1 : i32
      %sub3A_64 = arith.subi %div3A, %sub3A : i32
      %select_n3A = arith.select %and3A, %sub3A_64, %div3A : i32
      %mul3A_65 = arith.constant 16 : i32
      %mul3A_66 = arith.muli %select_n3A, %mul3A_65 : i32
      %get3A = arith.index_cast %mul3A_66 : i32 to index
      %get3A_67 = tpu.vector_load %arg5[%get3A] {strides = array<i32>} : memref<256xf32, #tpu.memory_space<vmem>>, vector<16xf32>,
      %jit3A_68 = arith.constant 16 : i32
      %eq3A = arith.constant 0 : i32
      %eq3A_69 = arith.cmpi eq, %jit3A_68, %eq3A : i32
      %jit3A_70 = arith.constant 1 : i32
      %select_n3A_71 = arith.select %eq3A_69, %jit3A_70, %jit3A_68 : i32
      %rem3A_72 = arith.remsi %mul3A_24, %select_n3A_71 : i32
      %ne3A_73 = arith.constant 0 : i32
      %ne3A_74 = arith.cmpi ne, %rem3A_72, %ne3A_73 : i32
      %lt3A = arith.constant 0 : i32
      %lt3A_75 = arith.cmpi slt, %rem3A_72, %lt3A : i32
      %lt3A_76 = arith.constant 0 : i32
      %lt3A_77 = arith.cmpi slt, %select_n3A_71, %lt3A_76 : i32
      %ne3A_78 = arith.xori %lt3A_75, %lt3A_77 : i1
      %and3A_79 = arith.andi %ne3A_78, %ne3A_74 : i1
      %add3A_80 = arith.addi %rem3A_72, %select_n3A_71 : i32
      %select_n3A_81 = arith.select %and3A_79, %add3A_80, %rem3A_72 : i32
      %broadcast_in_dim3A_82 = vector.broadcast %select_n3A_81 : i32 to vector<16xi32>
      %broadcast_in_dim3A_83 = vector.shape_cast %broadcast_in_dim3A_82 : vector<16xi32> to vector<16x1xi32>
      %gather3A = vector.shape_cast %broadcast_in_dim3A_83 : vector<16x1xi32> to vector<16xi32>
      %gather3A_84 = tpu.dynamic_gather %get3A_67[%gather3A] in [0] : vector<16xf32>, vector<16xi32> -> vector<16xf32>
      %scan3A_85 = arith.constant 0 : i32
      %scan3A_86 = arith.constant 64 : i32
      %scan3A_87 = arith.addi %scan3A_85, %scan3A_86 : i32
      %scan3A_88 = arith.constant 1 : i32
      %scan3A_89 = scf.for %scan3A_323 = %scan3A_85 to %scan3A_87 step %scan3A_88 iter_args(%scan3A_324 = %broadcast_in_dim3A_5) -> (vector<16xi32>)  : i32 {
        %mul3A_325 = arith.constant 8 : i32
        %mul3A_326 = arith.muli %scan3A_323, %mul3A_325 : i32
        %add3A_327 = arith.constant 0 : i32
        %add3A_328 = arith.addi %mul3A_326, %add3A_327 : i32
        %mul3A_329 = arith.constant 16 : i32
        %mul3A_330 = arith.muli %add3A_328, %mul3A_329 : i32
        %get3A_331 = arith.constant 0 : i32
        %get3A_332 = tpu.memref_slice %arg6[%get3A_331] : memref<16384xf32, #tpu.memory_space<vmem>> -> memref<8192xf32, #tpu.memory_space<vmem>>
        %get3A_333 = arith.index_cast %mul3A_330 : i32 to index
        %get3A_334 = tpu.vector_load %get3A_332[%get3A_333] {strides = array<i32>} : memref<8192xf32, #tpu.memory_space<vmem>>, vector<16xf32>,
        %le3A = arith.cmpf ole, %get3A_334, %gather3A_84 : vector<16xf32>
        %masked_cumsum3A = tpu.scan <sum>, %broadcast_in_dim3A_7 masked %le3A : vector<16xi32>, vector<16xi1> -> vector<16xi32>
        %add3A_335 = arith.addi %scan3A_324, %masked_cumsum3A : vector<16xi32>
        %sub3A_336 = arith.constant 1 : i32
        %sub3A_337 = vector.broadcast %sub3A_336 : i32 to vector<16xi32>
        %sub3A_338 = arith.subi %add3A_335, %sub3A_337 : vector<16xi32>
        tpu.vector_store_idx %arg7[%sub3A_338], %get3A_334 masked %le3A : memref<8208xf32, #tpu.memory_space<vmem>>[vector<16xi32>], vector<16xf32>, vector<16xi1>
        %mul3A_339 = arith.constant 16 : i32
        %mul3A_340 = arith.muli %add3A_328, %mul3A_339 : i32
        %add3A_341 = vector.broadcast %mul3A_340 : i32 to vector<16xi32>
        %add3A_342 = arith.addi %iota3A, %add3A_341 : vector<16xi32>
        tpu.vector_store_idx %arg8[%sub3A_338], %add3A_342 masked %le3A : memref<8208xi32, #tpu.memory_space<vmem>>[vector<16xi32>], vector<16xi32>, vector<16xi1>
        %all_reduce_population_count3A = tpu.all_reduce %le3A {dim = 0 : i64, kind = #tpu.reduction_kind<sum>} : vector<16xi1> -> vector<16xi32>
        %add3A_343 = arith.addi %scan3A_324, %all_reduce_population_count3A : vector<16xi32>
        %mul3A_344 = arith.constant 8 : i32
        %mul3A_345 = arith.muli %scan3A_323, %mul3A_344 : i32
        %add3A_346 = arith.constant 1 : i32
        %add3A_347 = arith.addi %mul3A_345, %add3A_346 : i32
        %mul3A_348 = arith.constant 16 : i32
        %mul3A_349 = arith.muli %add3A_347, %mul3A_348 : i32
        %get3A_350 = arith.constant 0 : i32
        %get3A_351 = tpu.memref_slice %arg6[%get3A_350] : memref<16384xf32, #tpu.memory_space<vmem>> -> memref<8192xf32, #tpu.memory_space<vmem>>
        %get3A_352 = arith.index_cast %mul3A_349 : i32 to index
        %get3A_353 = tpu.vector_load %get3A_351[%get3A_352] {strides = array<i32>} : memref<8192xf32, #tpu.memory_space<vmem>>, vector<16xf32>,
        %le3A_354 = arith.cmpf ole, %get3A_353, %gather3A_84 : vector<16xf32>
        %masked_cumsum3A_355 = tpu.scan <sum>, %broadcast_in_dim3A_7 masked %le3A_354 : vector<16xi32>, vector<16xi1> -> vector<16xi32>
        %add3A_356 = arith.addi %add3A_343, %masked_cumsum3A_355 : vector<16xi32>
        %sub3A_357 = arith.constant 1 : i32
        %sub3A_358 = vector.broadcast %sub3A_357 : i32 to vector<16xi32>
        %sub3A_359 = arith.subi %add3A_356, %sub3A_358 : vector<16xi32>
        tpu.vector_store_idx %arg7[%sub3A_359], %get3A_353 masked %le3A_354 : memref<8208xf32, #tpu.memory_space<vmem>>[vector<16xi32>], vector<16xf32>, vector<16xi1>
        %mul3A_360 = arith.constant 16 : i32
        %mul3A_361 = arith.muli %add3A_347, %mul3A_360 : i32
        %add3A_362 = vector.broadcast %mul3A_361 : i32 to vector<16xi32>
        %add3A_363 = arith.addi %iota3A, %add3A_362 : vector<16xi32>
        tpu.vector_store_idx %arg8[%sub3A_359], %add3A_363 masked %le3A_354 : memref<8208xi32, #tpu.memory_space<vmem>>[vector<16xi32>], vector<16xi32>, vector<16xi1>
        %all_reduce_population_count3A_364 = tpu.all_reduce %le3A_354 {dim = 0 : i64, kind = #tpu.reduction_kind<sum>} : vector<16xi1> -> vector<16xi32>
        %add3A_365 = arith.addi %add3A_343, %all_reduce_population_count3A_364 : vector<16xi32>
        %mul3A_366 = arith.constant 8 : i32
        %mul3A_367 = arith.muli %scan3A_323, %mul3A_366 : i32
        %add3A_368 = arith.constant 2 : i32
        %add3A_369 = arith.addi %mul3A_367, %add3A_368 : i32
        %mul3A_370 = arith.constant 16 : i32
        %mul3A_371 = arith.muli %add3A_369, %mul3A_370 : i32
        %get3A_372 = arith.constant 0 : i32
        %get3A_373 = tpu.memref_slice %arg6[%get3A_372] : memref<16384xf32, #tpu.memory_space<vmem>> -> memref<8192xf32, #tpu.memory_space<vmem>>
        %get3A_374 = arith.index_cast %mul3A_371 : i32 to index
        %get3A_375 = tpu.vector_load %get3A_373[%get3A_374] {strides = array<i32>} : memref<8192xf32, #tpu.memory_space<vmem>>, vector<16xf32>,
        %le3A_376 = arith.cmpf ole, %get3A_375, %gather3A_84 : vector<16xf32>
        %masked_cumsum3A_377 = tpu.scan <sum>, %broadcast_in_dim3A_7 masked %le3A_376 : vector<16xi32>, vector<16xi1> -> vector<16xi32>
        %add3A_378 = arith.addi %add3A_365, %masked_cumsum3A_377 : vector<16xi32>
        %sub3A_379 = arith.constant 1 : i32
        %sub3A_380 = vector.broadcast %sub3A_379 : i32 to vector<16xi32>
        %sub3A_381 = arith.subi %add3A_378, %sub3A_380 : vector<16xi32>
        tpu.vector_store_idx %arg7[%sub3A_381], %get3A_375 masked %le3A_376 : memref<8208xf32, #tpu.memory_space<vmem>>[vector<16xi32>], vector<16xf32>, vector<16xi1>
        %mul3A_382 = arith.constant 16 : i32
        %mul3A_383 = arith.muli %add3A_369, %mul3A_382 : i32
        %add3A_384 = vector.broadcast %mul3A_383 : i32 to vector<16xi32>
        %add3A_385 = arith.addi %iota3A, %add3A_384 : vector<16xi32>
        tpu.vector_store_idx %arg8[%sub3A_381], %add3A_385 masked %le3A_376 : memref<8208xi32, #tpu.memory_space<vmem>>[vector<16xi32>], vector<16xi32>, vector<16xi1>
        %all_reduce_population_count3A_386 = tpu.all_reduce %le3A_376 {dim = 0 : i64, kind = #tpu.reduction_kind<sum>} : vector<16xi1> -> vector<16xi32>
        %add3A_387 = arith.addi %add3A_365, %all_reduce_population_count3A_386 : vector<16xi32>
        %mul3A_388 = arith.constant 8 : i32
        %mul3A_389 = arith.muli %scan3A_323, %mul3A_388 : i32
        %add3A_390 = arith.constant 3 : i32
        %add3A_391 = arith.addi %mul3A_389, %add3A_390 : i32
        %mul3A_392 = arith.constant 16 : i32
        %mul3A_393 = arith.muli %add3A_391, %mul3A_392 : i32
        %get3A_394 = arith.constant 0 : i32
        %get3A_395 = tpu.memref_slice %arg6[%get3A_394] : memref<16384xf32, #tpu.memory_space<vmem>> -> memref<8192xf32, #tpu.memory_space<vmem>>
        %get3A_396 = arith.index_cast %mul3A_393 : i32 to index
        %get3A_397 = tpu.vector_load %get3A_395[%get3A_396] {strides = array<i32>} : memref<8192xf32, #tpu.memory_space<vmem>>, vector<16xf32>,
        %le3A_398 = arith.cmpf ole, %get3A_397, %gather3A_84 : vector<16xf32>
        %masked_cumsum3A_399 = tpu.scan <sum>, %broadcast_in_dim3A_7 masked %le3A_398 : vector<16xi32>, vector<16xi1> -> vector<16xi32>
        %add3A_400 = arith.addi %add3A_387, %masked_cumsum3A_399 : vector<16xi32>
        %sub3A_401 = arith.constant 1 : i32
        %sub3A_402 = vector.broadcast %sub3A_401 : i32 to vector<16xi32>
        %sub3A_403 = arith.subi %add3A_400, %sub3A_402 : vector<16xi32>
        tpu.vector_store_idx %arg7[%sub3A_403], %get3A_397 masked %le3A_398 : memref<8208xf32, #tpu.memory_space<vmem>>[vector<16xi32>], vector<16xf32>, vector<16xi1>
        %mul3A_404 = arith.constant 16 : i32
        %mul3A_405 = arith.muli %add3A_391, %mul3A_404 : i32
        %add3A_406 = vector.broadcast %mul3A_405 : i32 to vector<16xi32>
        %add3A_407 = arith.addi %iota3A, %add3A_406 : vector<16xi32>
        tpu.vector_store_idx %arg8[%sub3A_403], %add3A_407 masked %le3A_398 : memref<8208xi32, #tpu.memory_space<vmem>>[vector<16xi32>], vector<16xi32>, vector<16xi1>
        %all_reduce_population_count3A_408 = tpu.all_reduce %le3A_398 {dim = 0 : i64, kind = #tpu.reduction_kind<sum>} : vector<16xi1> -> vector<16xi32>
        %add3A_409 = arith.addi %add3A_387, %all_reduce_population_count3A_408 : vector<16xi32>
        %mul3A_410 = arith.constant 8 : i32
        %mul3A_411 = arith.muli %scan3A_323, %mul3A_410 : i32
        %add3A_412 = arith.constant 4 : i32
        %add3A_413 = arith.addi %mul3A_411, %add3A_412 : i32
        %mul3A_414 = arith.constant 16 : i32
        %mul3A_415 = arith.muli %add3A_413, %mul3A_414 : i32
        %get3A_416 = arith.constant 0 : i32
        %get3A_417 = tpu.memref_slice %arg6[%get3A_416] : memref<16384xf32, #tpu.memory_space<vmem>> -> memref<8192xf32, #tpu.memory_space<vmem>>
        %get3A_418 = arith.index_cast %mul3A_415 : i32 to index
        %get3A_419 = tpu.vector_load %get3A_417[%get3A_418] {strides = array<i32>} : memref<8192xf32, #tpu.memory_space<vmem>>, vector<16xf32>,
        %le3A_420 = arith.cmpf ole, %get3A_419, %gather3A_84 : vector<16xf32>
        %masked_cumsum3A_421 = tpu.scan <sum>, %broadcast_in_dim3A_7 masked %le3A_420 : vector<16xi32>, vector<16xi1> -> vector<16xi32>
        %add3A_422 = arith.addi %add3A_409, %masked_cumsum3A_421 : vector<16xi32>
        %sub3A_423 = arith.constant 1 : i32
        %sub3A_424 = vector.broadcast %sub3A_423 : i32 to vector<16xi32>
        %sub3A_425 = arith.subi %add3A_422, %sub3A_424 : vector<16xi32>
        tpu.vector_store_idx %arg7[%sub3A_425], %get3A_419 masked %le3A_420 : memref<8208xf32, #tpu.memory_space<vmem>>[vector<16xi32>], vector<16xf32>, vector<16xi1>
        %mul3A_426 = arith.constant 16 : i32
        %mul3A_427 = arith.muli %add3A_413, %mul3A_426 : i32
        %add3A_428 = vector.broadcast %mul3A_427 : i32 to vector<16xi32>
        %add3A_429 = arith.addi %iota3A, %add3A_428 : vector<16xi32>
        tpu.vector_store_idx %arg8[%sub3A_425], %add3A_429 masked %le3A_420 : memref<8208xi32, #tpu.memory_space<vmem>>[vector<16xi32>], vector<16xi32>, vector<16xi1>
        %all_reduce_population_count3A_430 = tpu.all_reduce %le3A_420 {dim = 0 : i64, kind = #tpu.reduction_kind<sum>} : vector<16xi1> -> vector<16xi32>
        %add3A_431 = arith.addi %add3A_409, %all_reduce_population_count3A_430 : vector<16xi32>
        %mul3A_432 = arith.constant 8 : i32
        %mul3A_433 = arith.muli %scan3A_323, %mul3A_432 : i32
        %add3A_434 = arith.constant 5 : i32
        %add3A_435 = arith.addi %mul3A_433, %add3A_434 : i32
        %mul3A_436 = arith.constant 16 : i32
        %mul3A_437 = arith.muli %add3A_435, %mul3A_436 : i32
        %get3A_438 = arith.constant 0 : i32
        %get3A_439 = tpu.memref_slice %arg6[%get3A_438] : memref<16384xf32, #tpu.memory_space<vmem>> -> memref<8192xf32, #tpu.memory_space<vmem>>
        %get3A_440 = arith.index_cast %mul3A_437 : i32 to index
        %get3A_441 = tpu.vector_load %get3A_439[%get3A_440] {strides = array<i32>} : memref<8192xf32, #tpu.memory_space<vmem>>, vector<16xf32>,
        %le3A_442 = arith.cmpf ole, %get3A_441, %gather3A_84 : vector<16xf32>
        %masked_cumsum3A_443 = tpu.scan <sum>, %broadcast_in_dim3A_7 masked %le3A_442 : vector<16xi32>, vector<16xi1> -> vector<16xi32>
        %add3A_444 = arith.addi %add3A_431, %masked_cumsum3A_443 : vector<16xi32>
        %sub3A_445 = arith.constant 1 : i32
        %sub3A_446 = vector.broadcast %sub3A_445 : i32 to vector<16xi32>
        %sub3A_447 = arith.subi %add3A_444, %sub3A_446 : vector<16xi32>
        tpu.vector_store_idx %arg7[%sub3A_447], %get3A_441 masked %le3A_442 : memref<8208xf32, #tpu.memory_space<vmem>>[vector<16xi32>], vector<16xf32>, vector<16xi1>
        %mul3A_448 = arith.constant 16 : i32
        %mul3A_449 = arith.muli %add3A_435, %mul3A_448 : i32
        %add3A_450 = vector.broadcast %mul3A_449 : i32 to vector<16xi32>
        %add3A_451 = arith.addi %iota3A, %add3A_450 : vector<16xi32>
        tpu.vector_store_idx %arg8[%sub3A_447], %add3A_451 masked %le3A_442 : memref<8208xi32, #tpu.memory_space<vmem>>[vector<16xi32>], vector<16xi32>, vector<16xi1>
        %all_reduce_population_count3A_452 = tpu.all_reduce %le3A_442 {dim = 0 : i64, kind = #tpu.reduction_kind<sum>} : vector<16xi1> -> vector<16xi32>
        %add3A_453 = arith.addi %add3A_431, %all_reduce_population_count3A_452 : vector<16xi32>
        %mul3A_454 = arith.constant 8 : i32
        %mul3A_455 = arith.muli %scan3A_323, %mul3A_454 : i32
        %add3A_456 = arith.constant 6 : i32
        %add3A_457 = arith.addi %mul3A_455, %add3A_456 : i32
        %mul3A_458 = arith.constant 16 : i32
        %mul3A_459 = arith.muli %add3A_457, %mul3A_458 : i32
        %get3A_460 = arith.constant 0 : i32
        %get3A_461 = tpu.memref_slice %arg6[%get3A_460] : memref<16384xf32, #tpu.memory_space<vmem>> -> memref<8192xf32, #tpu.memory_space<vmem>>
        %get3A_462 = arith.index_cast %mul3A_459 : i32 to index
        %get3A_463 = tpu.vector_load %get3A_461[%get3A_462] {strides = array<i32>} : memref<8192xf32, #tpu.memory_space<vmem>>, vector<16xf32>,
        %le3A_464 = arith.cmpf ole, %get3A_463, %gather3A_84 : vector<16xf32>
        %masked_cumsum3A_465 = tpu.scan <sum>, %broadcast_in_dim3A_7 masked %le3A_464 : vector<16xi32>, vector<16xi1> -> vector<16xi32>
        %add3A_466 = arith.addi %add3A_453, %masked_cumsum3A_465 : vector<16xi32>
        %sub3A_467 = arith.constant 1 : i32
        %sub3A_468 = vector.broadcast %sub3A_467 : i32 to vector<16xi32>
        %sub3A_469 = arith.subi %add3A_466, %sub3A_468 : vector<16xi32>
        tpu.vector_store_idx %arg7[%sub3A_469], %get3A_463 masked %le3A_464 : memref<8208xf32, #tpu.memory_space<vmem>>[vector<16xi32>], vector<16xf32>, vector<16xi1>
        %mul3A_470 = arith.constant 16 : i32
        %mul3A_471 = arith.muli %add3A_457, %mul3A_470 : i32
        %add3A_472 = vector.broadcast %mul3A_471 : i32 to vector<16xi32>
        %add3A_473 = arith.addi %iota3A, %add3A_472 : vector<16xi32>
        tpu.vector_store_idx %arg8[%sub3A_469], %add3A_473 masked %le3A_464 : memref<8208xi32, #tpu.memory_space<vmem>>[vector<16xi32>], vector<16xi32>, vector<16xi1>
        %all_reduce_population_count3A_474 = tpu.all_reduce %le3A_464 {dim = 0 : i64, kind = #tpu.reduction_kind<sum>} : vector<16xi1> -> vector<16xi32>
        %add3A_475 = arith.addi %add3A_453, %all_reduce_population_count3A_474 : vector<16xi32>
        %mul3A_476 = arith.constant 8 : i32
        %mul3A_477 = arith.muli %scan3A_323, %mul3A_476 : i32
        %add3A_478 = arith.constant 7 : i32
        %add3A_479 = arith.addi %mul3A_477, %add3A_478 : i32
        %mul3A_480 = arith.constant 16 : i32
        %mul3A_481 = arith.muli %add3A_479, %mul3A_480 : i32
        %get3A_482 = arith.constant 0 : i32
        %get3A_483 = tpu.memref_slice %arg6[%get3A_482] : memref<16384xf32, #tpu.memory_space<vmem>> -> memref<8192xf32, #tpu.memory_space<vmem>>
        %get3A_484 = arith.index_cast %mul3A_481 : i32 to index
        %get3A_485 = tpu.vector_load %get3A_483[%get3A_484] {strides = array<i32>} : memref<8192xf32, #tpu.memory_space<vmem>>, vector<16xf32>,
        %le3A_486 = arith.cmpf ole, %get3A_485, %gather3A_84 : vector<16xf32>
        %masked_cumsum3A_487 = tpu.scan <sum>, %broadcast_in_dim3A_7 masked %le3A_486 : vector<16xi32>, vector<16xi1> -> vector<16xi32>
        %add3A_488 = arith.addi %add3A_475, %masked_cumsum3A_487 : vector<16xi32>
        %sub3A_489 = arith.constant 1 : i32
        %sub3A_490 = vector.broadcast %sub3A_489 : i32 to vector<16xi32>
        %sub3A_491 = arith.subi %add3A_488, %sub3A_490 : vector<16xi32>
        tpu.vector_store_idx %arg7[%sub3A_491], %get3A_485 masked %le3A_486 : memref<8208xf32, #tpu.memory_space<vmem>>[vector<16xi32>], vector<16xf32>, vector<16xi1>
        %mul3A_492 = arith.constant 16 : i32
        %mul3A_493 = arith.muli %add3A_479, %mul3A_492 : i32
        %add3A_494 = vector.broadcast %mul3A_493 : i32 to vector<16xi32>
        %add3A_495 = arith.addi %iota3A, %add3A_494 : vector<16xi32>
        tpu.vector_store_idx %arg8[%sub3A_491], %add3A_495 masked %le3A_486 : memref<8208xi32, #tpu.memory_space<vmem>>[vector<16xi32>], vector<16xi32>, vector<16xi1>
        %all_reduce_population_count3A_496 = tpu.all_reduce %le3A_486 {dim = 0 : i64, kind = #tpu.reduction_kind<sum>} : vector<16xi1> -> vector<16xi32>
        %add3A_497 = arith.addi %add3A_475, %all_reduce_population_count3A_496 : vector<16xi32>
        scf.yield %add3A_497 : vector<16xi32>
      }
      %scan3A_90 = arith.constant 64 : i32
      %add3A_91 = arith.addi %scan3A_89, %iota3A : vector<16xi32>
      tpu.vector_store_idx %arg7[%add3A_91], %broadcast_in_dim3A_3 : memref<8208xf32, #tpu.memory_space<vmem>>[vector<16xi32>], vector<16xf32>,
      %reduce_max3A = arith.constant true
      %reduce_max3A_92 = vector.broadcast %reduce_max3A : i1 to vector<16xi1>
      %reduce_max3A_93 = arith.constant -2147483648 : i32
      %reduce_max3A_94 = vector.broadcast %reduce_max3A_93 : i32 to vector<16xi32>
      %reduce_max3A_95 = arith.xori %scan3A_89, %reduce_max3A_94 : vector<16xi32>
      %reduce_max3A_96 = tpu.scan <max>, %reduce_max3A_95 masked %reduce_max3A_92 : vector<16xi32>, vector<16xi1> -> vector<16xi32>
      %reduce_max3A_97 = arith.xori %reduce_max3A_96, %reduce_max3A_94 : vector<16xi32>
      %reduce_max3A_98 = vector.extract %reduce_max3A_97[15] : i32 from vector<16xi32>
      %add3A_99 = arith.constant 15 : i32
      %add3A_100 = arith.addi %reduce_max3A_98, %add3A_99 : i32
      %jit3A_101 = arith.constant 16 : i32
      %div3A_102 = arith.divsi %add3A_100, %jit3A_101 : i32
      %sign3A_103 = arith.constant 0 : i32
      %sign3A_104 = arith.cmpi sgt, %add3A_100, %sign3A_103 : i32
      %sign3A_105 = arith.extui %sign3A_104 : i1 to i32
      %sign3A_106 = arith.constant 0 : i32
      %sign3A_107 = arith.cmpi slt, %add3A_100, %sign3A_106 : i32
      %sign3A_108 = arith.extui %sign3A_107 : i1 to i32
      %sign3A_109 = arith.subi %sign3A_105, %sign3A_108 : i32
      %sign3A_110 = arith.constant 0 : i32
      %sign3A_111 = arith.cmpi sgt, %jit3A_101, %sign3A_110 : i32
      %sign3A_112 = arith.extui %sign3A_111 : i1 to i32
      %sign3A_113 = arith.constant 0 : i32
      %sign3A_114 = arith.cmpi slt, %jit3A_101, %sign3A_113 : i32
      %sign3A_115 = arith.extui %sign3A_114 : i1 to i32
      %sign3A_116 = arith.subi %sign3A_112, %sign3A_115 : i32
      %ne3A_117 = arith.cmpi ne, %sign3A_109, %sign3A_116 : i32
      %rem3A_118 = arith.remsi %add3A_100, %jit3A_101 : i32
      %ne3A_119 = arith.constant 0 : i32
      %ne3A_120 = arith.cmpi ne, %rem3A_118, %ne3A_119 : i32
      %and3A_121 = arith.andi %ne3A_117, %ne3A_120 : i1
      %sub3A_122 = arith.constant 1 : i32
      %sub3A_123 = arith.subi %div3A_102, %sub3A_122 : i32
      %select_n3A_124 = arith.select %and3A_121, %sub3A_123, %div3A_102 : i32
      %jit3A_125 = arith.constant 2048 : i32
      %div3A_126 = arith.divsi %add3A_48, %jit3A_125 : i32
      %sign3A_127 = arith.constant 0 : i32
      %sign3A_128 = arith.cmpi sgt, %add3A_48, %sign3A_127 : i32
      %sign3A_129 = arith.extui %sign3A_128 : i1 to i32
      %sign3A_130 = arith.constant 0 : i32
      %sign3A_131 = arith.cmpi slt, %add3A_48, %sign3A_130 : i32
      %sign3A_132 = arith.extui %sign3A_131 : i1 to i32
      %sign3A_133 = arith.subi %sign3A_129, %sign3A_132 : i32
      %sign3A_134 = arith.constant 0 : i32
      %sign3A_135 = arith.cmpi sgt, %jit3A_125, %sign3A_134 : i32
      %sign3A_136 = arith.extui %sign3A_135 : i1 to i32
      %sign3A_137 = arith.constant 0 : i32
      %sign3A_138 = arith.cmpi slt, %jit3A_125, %sign3A_137 : i32
      %sign3A_139 = arith.extui %sign3A_138 : i1 to i32
      %sign3A_140 = arith.subi %sign3A_136, %sign3A_139 : i32
      %ne3A_141 = arith.cmpi ne, %sign3A_133, %sign3A_140 : i32
      %rem3A_142 = arith.remsi %add3A_48, %jit3A_125 : i32
      %ne3A_143 = arith.constant 0 : i32
      %ne3A_144 = arith.cmpi ne, %rem3A_142, %ne3A_143 : i32
      %and3A_145 = arith.andi %ne3A_141, %ne3A_144 : i1
      %sub3A_146 = arith.constant 1 : i32
      %sub3A_147 = arith.subi %div3A_126, %sub3A_146 : i32
      %select_n3A_148 = arith.select %and3A_145, %sub3A_147, %div3A_126 : i32
      %mul3A_149 = arith.constant 8192 : i32
      %mul3A_150 = arith.muli %select_n3A_148, %mul3A_149 : i32
      %while3A = arith.constant 0 : i32
      %while3A_151 = arith.subi %select_n3A_124, %while3A : i32
      %while3A_152 = arith.addi %while3A, %while3A_151 : i32
      %while3A_153 = arith.constant 1 : i32
      %while3A_154 = arith.divsi %while3A_151, %while3A_153 : i32
      %while3A_155 = arith.muli %while3A_154, %while3A_153 : i32
      %while3A_156 = arith.addi %while3A, %while3A_155 : i32
      %while3A_157 = arith.constant 1 : i32
      %while3A_158:4 = scf.for %while3A_323 = %while3A to %while3A_156 step %while3A_157 iter_args(%while3A_324 = %broadcast_in_dim3A_3, %while3A_325 = %broadcast_in_dim3A_5, %while3A_326 = %broadcast_in_dim3A_3, %while3A_327 = %broadcast_in_dim3A_5) -> (vector<16xf32>, vector<16xi32>, vector<16xf32>, vector<16xi32>)  : i32 {
        %mul3A_328 = arith.constant 16 : i32
        %mul3A_329 = arith.muli %while3A_323, %mul3A_328 : i32
        %get3A_330 = arith.index_cast %mul3A_329 : i32 to index
        %get3A_331 = tpu.vector_load %arg7[%get3A_330] {strides = array<i32>} : memref<8208xf32, #tpu.memory_space<vmem>>, vector<16xf32>,
        %mul3A_332 = arith.constant 16 : i32
        %mul3A_333 = arith.muli %while3A_323, %mul3A_332 : i32
        %get3A_334 = arith.index_cast %mul3A_333 : i32 to index
        %get3A_335 = tpu.vector_load %arg8[%get3A_334] {strides = array<i32>} : memref<8208xi32, #tpu.memory_space<vmem>>, vector<16xi32>,
        %masked_sort3A = arith.constant dense<true> : vector<16xi1>
        %masked_sort3A_336, %masked_sort3A_337, %masked_sort3A_338 = tpu.sort %get3A_331, %get3A_335 masked %masked_sort3A {descending = true} : (vector<16xf32>, vector<16xi32>, vector<16xi1>) -> (vector<16xi1>, vector<16xf32>, vector<16xi32>)
        %le3A = arith.cmpf ole, %while3A_326, %masked_sort3A_337 : vector<16xf32>
        %select_n3A_339 = arith.select %le3A, %while3A_326, %masked_sort3A_337 : vector<16xi1>, vector<16xf32>
        %select_n3A_340 = arith.select %le3A, %while3A_327, %masked_sort3A_338 : vector<16xi1>, vector<16xi32>
        %le3A_341 = arith.cmpf ole, %while3A_324, %select_n3A_339 : vector<16xf32>
        %select_n3A_342 = arith.select %le3A_341, %while3A_324, %select_n3A_339 : vector<16xi1>, vector<16xf32>
        %select_n3A_343 = arith.select %le3A_341, %while3A_325, %select_n3A_340 : vector<16xi1>, vector<16xi32>
        %select_n3A_344 = arith.select %le3A_341, %select_n3A_339, %while3A_324 : vector<16xi1>, vector<16xf32>
        %select_n3A_345 = arith.select %le3A_341, %select_n3A_340, %while3A_325 : vector<16xi1>, vector<16xi32>
        %xor3A = arith.constant 8 : i32
        %xor3A_346 = vector.broadcast %xor3A : i32 to vector<16xi32>
        %xor3A_347 = arith.xori %iota3A, %xor3A_346 : vector<16xi32>
        %broadcast_in_dim3A_348 = vector.shape_cast %xor3A_347 : vector<16xi32> to vector<16x1xi32>
        %gather3A_349 = vector.shape_cast %broadcast_in_dim3A_348 : vector<16x1xi32> to vector<16xi32>
        %gather3A_350 = tpu.dynamic_gather %select_n3A_342[%gather3A_349] in [0] : vector<16xf32>, vector<16xi32> -> vector<16xf32>
        %broadcast_in_dim3A_351 = vector.shape_cast %xor3A_347 : vector<16xi32> to vector<16x1xi32>
        %gather3A_352 = vector.shape_cast %broadcast_in_dim3A_351 : vector<16x1xi32> to vector<16xi32>
        %gather3A_353 = tpu.dynamic_gather %select_n3A_343[%gather3A_352] in [0] : vector<16xi32>, vector<16xi32> -> vector<16xi32>
        %and3A_354 = arith.constant 8 : i32
        %and3A_355 = vector.broadcast %and3A_354 : i32 to vector<16xi32>
        %and3A_356 = arith.andi %iota3A, %and3A_355 : vector<16xi32>
        %eq3A_357 = arith.constant 0 : i32
        %eq3A_358 = vector.broadcast %eq3A_357 : i32 to vector<16xi32>
        %eq3A_359 = arith.cmpi eq, %and3A_356, %eq3A_358 : vector<16xi32>
        %lt3A_360 = arith.cmpf olt, %gather3A_350, %select_n3A_342 : vector<16xf32>
        %gt3A = arith.cmpf ogt, %gather3A_350, %select_n3A_342 : vector<16xf32>
        %select_n3A_361 = arith.select %eq3A_359, %lt3A_360, %gt3A : vector<16xi1>, vector<16xi1>
        %select_n3A_362 = arith.select %select_n3A_361, %gather3A_350, %select_n3A_342 : vector<16xi1>, vector<16xf32>
        %select_n3A_363 = arith.select %select_n3A_361, %gather3A_353, %select_n3A_343 : vector<16xi1>, vector<16xi32>
        %xor3A_364 = arith.constant 8 : i32
        %xor3A_365 = vector.broadcast %xor3A_364 : i32 to vector<16xi32>
        %xor3A_366 = arith.xori %iota3A, %xor3A_365 : vector<16xi32>
        %broadcast_in_dim3A_367 = vector.shape_cast %xor3A_366 : vector<16xi32> to vector<16x1xi32>
        %gather3A_368 = vector.shape_cast %broadcast_in_dim3A_367 : vector<16x1xi32> to vector<16xi32>
        %gather3A_369 = tpu.dynamic_gather %select_n3A_344[%gather3A_368] in [0] : vector<16xf32>, vector<16xi32> -> vector<16xf32>
        %broadcast_in_dim3A_370 = vector.shape_cast %xor3A_366 : vector<16xi32> to vector<16x1xi32>
        %gather3A_371 = vector.shape_cast %broadcast_in_dim3A_370 : vector<16x1xi32> to vector<16xi32>
        %gather3A_372 = tpu.dynamic_gather %select_n3A_345[%gather3A_371] in [0] : vector<16xi32>, vector<16xi32> -> vector<16xi32>
        %and3A_373 = arith.constant 8 : i32
        %and3A_374 = vector.broadcast %and3A_373 : i32 to vector<16xi32>
        %and3A_375 = arith.andi %iota3A, %and3A_374 : vector<16xi32>
        %eq3A_376 = arith.constant 0 : i32
        %eq3A_377 = vector.broadcast %eq3A_376 : i32 to vector<16xi32>
        %eq3A_378 = arith.cmpi eq, %and3A_375, %eq3A_377 : vector<16xi32>
        %lt3A_379 = arith.cmpf olt, %gather3A_369, %select_n3A_344 : vector<16xf32>
        %gt3A_380 = arith.cmpf ogt, %gather3A_369, %select_n3A_344 : vector<16xf32>
        %select_n3A_381 = arith.select %eq3A_378, %lt3A_379, %gt3A_380 : vector<16xi1>, vector<16xi1>
        %select_n3A_382 = arith.select %select_n3A_381, %gather3A_369, %select_n3A_344 : vector<16xi1>, vector<16xf32>
        %select_n3A_383 = arith.select %select_n3A_381, %gather3A_372, %select_n3A_345 : vector<16xi1>, vector<16xi32>
        %xor3A_384 = arith.constant 4 : i32
        %xor3A_385 = vector.broadcast %xor3A_384 : i32 to vector<16xi32>
        %xor3A_386 = arith.xori %iota3A, %xor3A_385 : vector<16xi32>
        %broadcast_in_dim3A_387 = vector.shape_cast %xor3A_386 : vector<16xi32> to vector<16x1xi32>
        %gather3A_388 = vector.shape_cast %broadcast_in_dim3A_387 : vector<16x1xi32> to vector<16xi32>
        %gather3A_389 = tpu.dynamic_gather %select_n3A_362[%gather3A_388] in [0] : vector<16xf32>, vector<16xi32> -> vector<16xf32>
        %broadcast_in_dim3A_390 = vector.shape_cast %xor3A_386 : vector<16xi32> to vector<16x1xi32>
        %gather3A_391 = vector.shape_cast %broadcast_in_dim3A_390 : vector<16x1xi32> to vector<16xi32>
        %gather3A_392 = tpu.dynamic_gather %select_n3A_363[%gather3A_391] in [0] : vector<16xi32>, vector<16xi32> -> vector<16xi32>
        %and3A_393 = arith.constant 4 : i32
        %and3A_394 = vector.broadcast %and3A_393 : i32 to vector<16xi32>
        %and3A_395 = arith.andi %iota3A, %and3A_394 : vector<16xi32>
        %eq3A_396 = arith.constant 0 : i32
        %eq3A_397 = vector.broadcast %eq3A_396 : i32 to vector<16xi32>
        %eq3A_398 = arith.cmpi eq, %and3A_395, %eq3A_397 : vector<16xi32>
        %lt3A_399 = arith.cmpf olt, %gather3A_389, %select_n3A_362 : vector<16xf32>
        %gt3A_400 = arith.cmpf ogt, %gather3A_389, %select_n3A_362 : vector<16xf32>
        %select_n3A_401 = arith.select %eq3A_398, %lt3A_399, %gt3A_400 : vector<16xi1>, vector<16xi1>
        %select_n3A_402 = arith.select %select_n3A_401, %gather3A_389, %select_n3A_362 : vector<16xi1>, vector<16xf32>
        %select_n3A_403 = arith.select %select_n3A_401, %gather3A_392, %select_n3A_363 : vector<16xi1>, vector<16xi32>
        %xor3A_404 = arith.constant 4 : i32
        %xor3A_405 = vector.broadcast %xor3A_404 : i32 to vector<16xi32>
        %xor3A_406 = arith.xori %iota3A, %xor3A_405 : vector<16xi32>
        %broadcast_in_dim3A_407 = vector.shape_cast %xor3A_406 : vector<16xi32> to vector<16x1xi32>
        %gather3A_408 = vector.shape_cast %broadcast_in_dim3A_407 : vector<16x1xi32> to vector<16xi32>
        %gather3A_409 = tpu.dynamic_gather %select_n3A_382[%gather3A_408] in [0] : vector<16xf32>, vector<16xi32> -> vector<16xf32>
        %broadcast_in_dim3A_410 = vector.shape_cast %xor3A_406 : vector<16xi32> to vector<16x1xi32>
        %gather3A_411 = vector.shape_cast %broadcast_in_dim3A_410 : vector<16x1xi32> to vector<16xi32>
        %gather3A_412 = tpu.dynamic_gather %select_n3A_383[%gather3A_411] in [0] : vector<16xi32>, vector<16xi32> -> vector<16xi32>
        %and3A_413 = arith.constant 4 : i32
        %and3A_414 = vector.broadcast %and3A_413 : i32 to vector<16xi32>
        %and3A_415 = arith.andi %iota3A, %and3A_414 : vector<16xi32>
        %eq3A_416 = arith.constant 0 : i32
        %eq3A_417 = vector.broadcast %eq3A_416 : i32 to vector<16xi32>
        %eq3A_418 = arith.cmpi eq, %and3A_415, %eq3A_417 : vector<16xi32>
        %lt3A_419 = arith.cmpf olt, %gather3A_409, %select_n3A_382 : vector<16xf32>
        %gt3A_420 = arith.cmpf ogt, %gather3A_409, %select_n3A_382 : vector<16xf32>
        %select_n3A_421 = arith.select %eq3A_418, %lt3A_419, %gt3A_420 : vector<16xi1>, vector<16xi1>
        %select_n3A_422 = arith.select %select_n3A_421, %gather3A_409, %select_n3A_382 : vector<16xi1>, vector<16xf32>
        %select_n3A_423 = arith.select %select_n3A_421, %gather3A_412, %select_n3A_383 : vector<16xi1>, vector<16xi32>
        %xor3A_424 = arith.constant 2 : i32
        %xor3A_425 = vector.broadcast %xor3A_424 : i32 to vector<16xi32>
        %xor3A_426 = arith.xori %iota3A, %xor3A_425 : vector<16xi32>
        %broadcast_in_dim3A_427 = vector.shape_cast %xor3A_426 : vector<16xi32> to vector<16x1xi32>
        %gather3A_428 = vector.shape_cast %broadcast_in_dim3A_427 : vector<16x1xi32> to vector<16xi32>
        %gather3A_429 = tpu.dynamic_gather %select_n3A_402[%gather3A_428] in [0] : vector<16xf32>, vector<16xi32> -> vector<16xf32>
        %broadcast_in_dim3A_430 = vector.shape_cast %xor3A_426 : vector<16xi32> to vector<16x1xi32>
        %gather3A_431 = vector.shape_cast %broadcast_in_dim3A_430 : vector<16x1xi32> to vector<16xi32>
        %gather3A_432 = tpu.dynamic_gather %select_n3A_403[%gather3A_431] in [0] : vector<16xi32>, vector<16xi32> -> vector<16xi32>
        %and3A_433 = arith.constant 2 : i32
        %and3A_434 = vector.broadcast %and3A_433 : i32 to vector<16xi32>
        %and3A_435 = arith.andi %iota3A, %and3A_434 : vector<16xi32>
        %eq3A_436 = arith.constant 0 : i32
        %eq3A_437 = vector.broadcast %eq3A_436 : i32 to vector<16xi32>
        %eq3A_438 = arith.cmpi eq, %and3A_435, %eq3A_437 : vector<16xi32>
        %lt3A_439 = arith.cmpf olt, %gather3A_429, %select_n3A_402 : vector<16xf32>
        %gt3A_440 = arith.cmpf ogt, %gather3A_429, %select_n3A_402 : vector<16xf32>
        %select_n3A_441 = arith.select %eq3A_438, %lt3A_439, %gt3A_440 : vector<16xi1>, vector<16xi1>
        %select_n3A_442 = arith.select %select_n3A_441, %gather3A_429, %select_n3A_402 : vector<16xi1>, vector<16xf32>
        %select_n3A_443 = arith.select %select_n3A_441, %gather3A_432, %select_n3A_403 : vector<16xi1>, vector<16xi32>
        %xor3A_444 = arith.constant 2 : i32
        %xor3A_445 = vector.broadcast %xor3A_444 : i32 to vector<16xi32>
        %xor3A_446 = arith.xori %iota3A, %xor3A_445 : vector<16xi32>
        %broadcast_in_dim3A_447 = vector.shape_cast %xor3A_446 : vector<16xi32> to vector<16x1xi32>
        %gather3A_448 = vector.shape_cast %broadcast_in_dim3A_447 : vector<16x1xi32> to vector<16xi32>
        %gather3A_449 = tpu.dynamic_gather %select_n3A_422[%gather3A_448] in [0] : vector<16xf32>, vector<16xi32> -> vector<16xf32>
        %broadcast_in_dim3A_450 = vector.shape_cast %xor3A_446 : vector<16xi32> to vector<16x1xi32>
        %gather3A_451 = vector.shape_cast %broadcast_in_dim3A_450 : vector<16x1xi32> to vector<16xi32>
        %gather3A_452 = tpu.dynamic_gather %select_n3A_423[%gather3A_451] in [0] : vector<16xi32>, vector<16xi32> -> vector<16xi32>
        %and3A_453 = arith.constant 2 : i32
        %and3A_454 = vector.broadcast %and3A_453 : i32 to vector<16xi32>
        %and3A_455 = arith.andi %iota3A, %and3A_454 : vector<16xi32>
        %eq3A_456 = arith.constant 0 : i32
        %eq3A_457 = vector.broadcast %eq3A_456 : i32 to vector<16xi32>
        %eq3A_458 = arith.cmpi eq, %and3A_455, %eq3A_457 : vector<16xi32>
        %lt3A_459 = arith.cmpf olt, %gather3A_449, %select_n3A_422 : vector<16xf32>
        %gt3A_460 = arith.cmpf ogt, %gather3A_449, %select_n3A_422 : vector<16xf32>
        %select_n3A_461 = arith.select %eq3A_458, %lt3A_459, %gt3A_460 : vector<16xi1>, vector<16xi1>
        %select_n3A_462 = arith.select %select_n3A_461, %gather3A_449, %select_n3A_422 : vector<16xi1>, vector<16xf32>
        %select_n3A_463 = arith.select %select_n3A_461, %gather3A_452, %select_n3A_423 : vector<16xi1>, vector<16xi32>
        %xor3A_464 = arith.constant 1 : i32
        %xor3A_465 = vector.broadcast %xor3A_464 : i32 to vector<16xi32>
        %xor3A_466 = arith.xori %iota3A, %xor3A_465 : vector<16xi32>
        %broadcast_in_dim3A_467 = vector.shape_cast %xor3A_466 : vector<16xi32> to vector<16x1xi32>
        %gather3A_468 = vector.shape_cast %broadcast_in_dim3A_467 : vector<16x1xi32> to vector<16xi32>
        %gather3A_469 = tpu.dynamic_gather %select_n3A_442[%gather3A_468] in [0] : vector<16xf32>, vector<16xi32> -> vector<16xf32>
        %broadcast_in_dim3A_470 = vector.shape_cast %xor3A_466 : vector<16xi32> to vector<16x1xi32>
        %gather3A_471 = vector.shape_cast %broadcast_in_dim3A_470 : vector<16x1xi32> to vector<16xi32>
        %gather3A_472 = tpu.dynamic_gather %select_n3A_443[%gather3A_471] in [0] : vector<16xi32>, vector<16xi32> -> vector<16xi32>
        %and3A_473 = arith.constant 1 : i32
        %and3A_474 = vector.broadcast %and3A_473 : i32 to vector<16xi32>
        %and3A_475 = arith.andi %iota3A, %and3A_474 : vector<16xi32>
        %eq3A_476 = arith.constant 0 : i32
        %eq3A_477 = vector.broadcast %eq3A_476 : i32 to vector<16xi32>
        %eq3A_478 = arith.cmpi eq, %and3A_475, %eq3A_477 : vector<16xi32>
        %lt3A_479 = arith.cmpf olt, %gather3A_469, %select_n3A_442 : vector<16xf32>
        %gt3A_480 = arith.cmpf ogt, %gather3A_469, %select_n3A_442 : vector<16xf32>
        %select_n3A_481 = arith.select %eq3A_478, %lt3A_479, %gt3A_480 : vector<16xi1>, vector<16xi1>
        %select_n3A_482 = arith.select %select_n3A_481, %gather3A_469, %select_n3A_442 : vector<16xi1>, vector<16xf32>
        %select_n3A_483 = arith.select %select_n3A_481, %gather3A_472, %select_n3A_443 : vector<16xi1>, vector<16xi32>
        %xor3A_484 = arith.constant 1 : i32
        %xor3A_485 = vector.broadcast %xor3A_484 : i32 to vector<16xi32>
        %xor3A_486 = arith.xori %iota3A, %xor3A_485 : vector<16xi32>
        %broadcast_in_dim3A_487 = vector.shape_cast %xor3A_486 : vector<16xi32> to vector<16x1xi32>
        %gather3A_488 = vector.shape_cast %broadcast_in_dim3A_487 : vector<16x1xi32> to vector<16xi32>
        %gather3A_489 = tpu.dynamic_gather %select_n3A_462[%gather3A_488] in [0] : vector<16xf32>, vector<16xi32> -> vector<16xf32>
        %broadcast_in_dim3A_490 = vector.shape_cast %xor3A_486 : vector<16xi32> to vector<16x1xi32>
        %gather3A_491 = vector.shape_cast %broadcast_in_dim3A_490 : vector<16x1xi32> to vector<16xi32>
        %gather3A_492 = tpu.dynamic_gather %select_n3A_463[%gather3A_491] in [0] : vector<16xi32>, vector<16xi32> -> vector<16xi32>
        %and3A_493 = arith.constant 1 : i32
        %and3A_494 = vector.broadcast %and3A_493 : i32 to vector<16xi32>
        %and3A_495 = arith.andi %iota3A, %and3A_494 : vector<16xi32>
        %eq3A_496 = arith.constant 0 : i32
        %eq3A_497 = vector.broadcast %eq3A_496 : i32 to vector<16xi32>
        %eq3A_498 = arith.cmpi eq, %and3A_495, %eq3A_497 : vector<16xi32>
        %lt3A_499 = arith.cmpf olt, %gather3A_489, %select_n3A_462 : vector<16xf32>
        %gt3A_500 = arith.cmpf ogt, %gather3A_489, %select_n3A_462 : vector<16xf32>
        %select_n3A_501 = arith.select %eq3A_498, %lt3A_499, %gt3A_500 : vector<16xi1>, vector<16xi1>
        %select_n3A_502 = arith.select %select_n3A_501, %gather3A_489, %select_n3A_462 : vector<16xi1>, vector<16xf32>
        %select_n3A_503 = arith.select %select_n3A_501, %gather3A_492, %select_n3A_463 : vector<16xi1>, vector<16xi32>
        scf.yield %select_n3A_482, %select_n3A_483, %select_n3A_502, %select_n3A_503 : vector<16xf32>, vector<16xi32>, vector<16xf32>, vector<16xi32>
      }
      %while3A_159 = arith.constant 1 : i32
      %while3A_160:4 = scf.for %while3A_323 = %while3A_156 to %while3A_152 step %while3A_159 iter_args(%while3A_324 = %while3A_158#0, %while3A_325 = %while3A_158#1, %while3A_326 = %while3A_158#2, %while3A_327 = %while3A_158#3) -> (vector<16xf32>, vector<16xi32>, vector<16xf32>, vector<16xi32>)  : i32 {
        %mul3A_328 = arith.constant 16 : i32
        %mul3A_329 = arith.muli %while3A_323, %mul3A_328 : i32
        %get3A_330 = arith.index_cast %mul3A_329 : i32 to index
        %get3A_331 = tpu.vector_load %arg7[%get3A_330] {strides = array<i32>} : memref<8208xf32, #tpu.memory_space<vmem>>, vector<16xf32>,
        %mul3A_332 = arith.constant 16 : i32
        %mul3A_333 = arith.muli %while3A_323, %mul3A_332 : i32
        %get3A_334 = arith.index_cast %mul3A_333 : i32 to index
        %get3A_335 = tpu.vector_load %arg8[%get3A_334] {strides = array<i32>} : memref<8208xi32, #tpu.memory_space<vmem>>, vector<16xi32>,
        %masked_sort3A = arith.constant dense<true> : vector<16xi1>
        %masked_sort3A_336, %masked_sort3A_337, %masked_sort3A_338 = tpu.sort %get3A_331, %get3A_335 masked %masked_sort3A {descending = true} : (vector<16xf32>, vector<16xi32>, vector<16xi1>) -> (vector<16xi1>, vector<16xf32>, vector<16xi32>)
        %le3A = arith.cmpf ole, %while3A_326, %masked_sort3A_337 : vector<16xf32>
        %select_n3A_339 = arith.select %le3A, %while3A_326, %masked_sort3A_337 : vector<16xi1>, vector<16xf32>
        %select_n3A_340 = arith.select %le3A, %while3A_327, %masked_sort3A_338 : vector<16xi1>, vector<16xi32>
        %le3A_341 = arith.cmpf ole, %while3A_324, %select_n3A_339 : vector<16xf32>
        %select_n3A_342 = arith.select %le3A_341, %while3A_324, %select_n3A_339 : vector<16xi1>, vector<16xf32>
        %select_n3A_343 = arith.select %le3A_341, %while3A_325, %select_n3A_340 : vector<16xi1>, vector<16xi32>
        %select_n3A_344 = arith.select %le3A_341, %select_n3A_339, %while3A_324 : vector<16xi1>, vector<16xf32>
        %select_n3A_345 = arith.select %le3A_341, %select_n3A_340, %while3A_325 : vector<16xi1>, vector<16xi32>
        %xor3A = arith.constant 8 : i32
        %xor3A_346 = vector.broadcast %xor3A : i32 to vector<16xi32>
        %xor3A_347 = arith.xori %iota3A, %xor3A_346 : vector<16xi32>
        %broadcast_in_dim3A_348 = vector.shape_cast %xor3A_347 : vector<16xi32> to vector<16x1xi32>
        %gather3A_349 = vector.shape_cast %broadcast_in_dim3A_348 : vector<16x1xi32> to vector<16xi32>
        %gather3A_350 = tpu.dynamic_gather %select_n3A_342[%gather3A_349] in [0] : vector<16xf32>, vector<16xi32> -> vector<16xf32>
        %broadcast_in_dim3A_351 = vector.shape_cast %xor3A_347 : vector<16xi32> to vector<16x1xi32>
        %gather3A_352 = vector.shape_cast %broadcast_in_dim3A_351 : vector<16x1xi32> to vector<16xi32>
        %gather3A_353 = tpu.dynamic_gather %select_n3A_343[%gather3A_352] in [0] : vector<16xi32>, vector<16xi32> -> vector<16xi32>
        %and3A_354 = arith.constant 8 : i32
        %and3A_355 = vector.broadcast %and3A_354 : i32 to vector<16xi32>
        %and3A_356 = arith.andi %iota3A, %and3A_355 : vector<16xi32>
        %eq3A_357 = arith.constant 0 : i32
        %eq3A_358 = vector.broadcast %eq3A_357 : i32 to vector<16xi32>
        %eq3A_359 = arith.cmpi eq, %and3A_356, %eq3A_358 : vector<16xi32>
        %lt3A_360 = arith.cmpf olt, %gather3A_350, %select_n3A_342 : vector<16xf32>
        %gt3A = arith.cmpf ogt, %gather3A_350, %select_n3A_342 : vector<16xf32>
        %select_n3A_361 = arith.select %eq3A_359, %lt3A_360, %gt3A : vector<16xi1>, vector<16xi1>
        %select_n3A_362 = arith.select %select_n3A_361, %gather3A_350, %select_n3A_342 : vector<16xi1>, vector<16xf32>
        %select_n3A_363 = arith.select %select_n3A_361, %gather3A_353, %select_n3A_343 : vector<16xi1>, vector<16xi32>
        %xor3A_364 = arith.constant 8 : i32
        %xor3A_365 = vector.broadcast %xor3A_364 : i32 to vector<16xi32>
        %xor3A_366 = arith.xori %iota3A, %xor3A_365 : vector<16xi32>
        %broadcast_in_dim3A_367 = vector.shape_cast %xor3A_366 : vector<16xi32> to vector<16x1xi32>
        %gather3A_368 = vector.shape_cast %broadcast_in_dim3A_367 : vector<16x1xi32> to vector<16xi32>
        %gather3A_369 = tpu.dynamic_gather %select_n3A_344[%gather3A_368] in [0] : vector<16xf32>, vector<16xi32> -> vector<16xf32>
        %broadcast_in_dim3A_370 = vector.shape_cast %xor3A_366 : vector<16xi32> to vector<16x1xi32>
        %gather3A_371 = vector.shape_cast %broadcast_in_dim3A_370 : vector<16x1xi32> to vector<16xi32>
        %gather3A_372 = tpu.dynamic_gather %select_n3A_345[%gather3A_371] in [0] : vector<16xi32>, vector<16xi32> -> vector<16xi32>
        %and3A_373 = arith.constant 8 : i32
        %and3A_374 = vector.broadcast %and3A_373 : i32 to vector<16xi32>
        %and3A_375 = arith.andi %iota3A, %and3A_374 : vector<16xi32>
        %eq3A_376 = arith.constant 0 : i32
        %eq3A_377 = vector.broadcast %eq3A_376 : i32 to vector<16xi32>
        %eq3A_378 = arith.cmpi eq, %and3A_375, %eq3A_377 : vector<16xi32>
        %lt3A_379 = arith.cmpf olt, %gather3A_369, %select_n3A_344 : vector<16xf32>
        %gt3A_380 = arith.cmpf ogt, %gather3A_369, %select_n3A_344 : vector<16xf32>
        %select_n3A_381 = arith.select %eq3A_378, %lt3A_379, %gt3A_380 : vector<16xi1>, vector<16xi1>
        %select_n3A_382 = arith.select %select_n3A_381, %gather3A_369, %select_n3A_344 : vector<16xi1>, vector<16xf32>
        %select_n3A_383 = arith.select %select_n3A_381, %gather3A_372, %select_n3A_345 : vector<16xi1>, vector<16xi32>
        %xor3A_384 = arith.constant 4 : i32
        %xor3A_385 = vector.broadcast %xor3A_384 : i32 to vector<16xi32>
        %xor3A_386 = arith.xori %iota3A, %xor3A_385 : vector<16xi32>
        %broadcast_in_dim3A_387 = vector.shape_cast %xor3A_386 : vector<16xi32> to vector<16x1xi32>
        %gather3A_388 = vector.shape_cast %broadcast_in_dim3A_387 : vector<16x1xi32> to vector<16xi32>
        %gather3A_389 = tpu.dynamic_gather %select_n3A_362[%gather3A_388] in [0] : vector<16xf32>, vector<16xi32> -> vector<16xf32>
        %broadcast_in_dim3A_390 = vector.shape_cast %xor3A_386 : vector<16xi32> to vector<16x1xi32>
        %gather3A_391 = vector.shape_cast %broadcast_in_dim3A_390 : vector<16x1xi32> to vector<16xi32>
        %gather3A_392 = tpu.dynamic_gather %select_n3A_363[%gather3A_391] in [0] : vector<16xi32>, vector<16xi32> -> vector<16xi32>
        %and3A_393 = arith.constant 4 : i32
        %and3A_394 = vector.broadcast %and3A_393 : i32 to vector<16xi32>
        %and3A_395 = arith.andi %iota3A, %and3A_394 : vector<16xi32>
        %eq3A_396 = arith.constant 0 : i32
        %eq3A_397 = vector.broadcast %eq3A_396 : i32 to vector<16xi32>
        %eq3A_398 = arith.cmpi eq, %and3A_395, %eq3A_397 : vector<16xi32>
        %lt3A_399 = arith.cmpf olt, %gather3A_389, %select_n3A_362 : vector<16xf32>
        %gt3A_400 = arith.cmpf ogt, %gather3A_389, %select_n3A_362 : vector<16xf32>
        %select_n3A_401 = arith.select %eq3A_398, %lt3A_399, %gt3A_400 : vector<16xi1>, vector<16xi1>
        %select_n3A_402 = arith.select %select_n3A_401, %gather3A_389, %select_n3A_362 : vector<16xi1>, vector<16xf32>
        %select_n3A_403 = arith.select %select_n3A_401, %gather3A_392, %select_n3A_363 : vector<16xi1>, vector<16xi32>
        %xor3A_404 = arith.constant 4 : i32
        %xor3A_405 = vector.broadcast %xor3A_404 : i32 to vector<16xi32>
        %xor3A_406 = arith.xori %iota3A, %xor3A_405 : vector<16xi32>
        %broadcast_in_dim3A_407 = vector.shape_cast %xor3A_406 : vector<16xi32> to vector<16x1xi32>
        %gather3A_408 = vector.shape_cast %broadcast_in_dim3A_407 : vector<16x1xi32> to vector<16xi32>
        %gather3A_409 = tpu.dynamic_gather %select_n3A_382[%gather3A_408] in [0] : vector<16xf32>, vector<16xi32> -> vector<16xf32>
        %broadcast_in_dim3A_410 = vector.shape_cast %xor3A_406 : vector<16xi32> to vector<16x1xi32>
        %gather3A_411 = vector.shape_cast %broadcast_in_dim3A_410 : vector<16x1xi32> to vector<16xi32>
        %gather3A_412 = tpu.dynamic_gather %select_n3A_383[%gather3A_411] in [0] : vector<16xi32>, vector<16xi32> -> vector<16xi32>
        %and3A_413 = arith.constant 4 : i32
        %and3A_414 = vector.broadcast %and3A_413 : i32 to vector<16xi32>
        %and3A_415 = arith.andi %iota3A, %and3A_414 : vector<16xi32>
        %eq3A_416 = arith.constant 0 : i32
        %eq3A_417 = vector.broadcast %eq3A_416 : i32 to vector<16xi32>
        %eq3A_418 = arith.cmpi eq, %and3A_415, %eq3A_417 : vector<16xi32>
        %lt3A_419 = arith.cmpf olt, %gather3A_409, %select_n3A_382 : vector<16xf32>
        %gt3A_420 = arith.cmpf ogt, %gather3A_409, %select_n3A_382 : vector<16xf32>
        %select_n3A_421 = arith.select %eq3A_418, %lt3A_419, %gt3A_420 : vector<16xi1>, vector<16xi1>
        %select_n3A_422 = arith.select %select_n3A_421, %gather3A_409, %select_n3A_382 : vector<16xi1>, vector<16xf32>
        %select_n3A_423 = arith.select %select_n3A_421, %gather3A_412, %select_n3A_383 : vector<16xi1>, vector<16xi32>
        %xor3A_424 = arith.constant 2 : i32
        %xor3A_425 = vector.broadcast %xor3A_424 : i32 to vector<16xi32>
        %xor3A_426 = arith.xori %iota3A, %xor3A_425 : vector<16xi32>
        %broadcast_in_dim3A_427 = vector.shape_cast %xor3A_426 : vector<16xi32> to vector<16x1xi32>
        %gather3A_428 = vector.shape_cast %broadcast_in_dim3A_427 : vector<16x1xi32> to vector<16xi32>
        %gather3A_429 = tpu.dynamic_gather %select_n3A_402[%gather3A_428] in [0] : vector<16xf32>, vector<16xi32> -> vector<16xf32>
        %broadcast_in_dim3A_430 = vector.shape_cast %xor3A_426 : vector<16xi32> to vector<16x1xi32>
        %gather3A_431 = vector.shape_cast %broadcast_in_dim3A_430 : vector<16x1xi32> to vector<16xi32>
        %gather3A_432 = tpu.dynamic_gather %select_n3A_403[%gather3A_431] in [0] : vector<16xi32>, vector<16xi32> -> vector<16xi32>
        %and3A_433 = arith.constant 2 : i32
        %and3A_434 = vector.broadcast %and3A_433 : i32 to vector<16xi32>
        %and3A_435 = arith.andi %iota3A, %and3A_434 : vector<16xi32>
        %eq3A_436 = arith.constant 0 : i32
        %eq3A_437 = vector.broadcast %eq3A_436 : i32 to vector<16xi32>
        %eq3A_438 = arith.cmpi eq, %and3A_435, %eq3A_437 : vector<16xi32>
        %lt3A_439 = arith.cmpf olt, %gather3A_429, %select_n3A_402 : vector<16xf32>
        %gt3A_440 = arith.cmpf ogt, %gather3A_429, %select_n3A_402 : vector<16xf32>
        %select_n3A_441 = arith.select %eq3A_438, %lt3A_439, %gt3A_440 : vector<16xi1>, vector<16xi1>
        %select_n3A_442 = arith.select %select_n3A_441, %gather3A_429, %select_n3A_402 : vector<16xi1>, vector<16xf32>
        %select_n3A_443 = arith.select %select_n3A_441, %gather3A_432, %select_n3A_403 : vector<16xi1>, vector<16xi32>
        %xor3A_444 = arith.constant 2 : i32
        %xor3A_445 = vector.broadcast %xor3A_444 : i32 to vector<16xi32>
        %xor3A_446 = arith.xori %iota3A, %xor3A_445 : vector<16xi32>
        %broadcast_in_dim3A_447 = vector.shape_cast %xor3A_446 : vector<16xi32> to vector<16x1xi32>
        %gather3A_448 = vector.shape_cast %broadcast_in_dim3A_447 : vector<16x1xi32> to vector<16xi32>
        %gather3A_449 = tpu.dynamic_gather %select_n3A_422[%gather3A_448] in [0] : vector<16xf32>, vector<16xi32> -> vector<16xf32>
        %broadcast_in_dim3A_450 = vector.shape_cast %xor3A_446 : vector<16xi32> to vector<16x1xi32>
        %gather3A_451 = vector.shape_cast %broadcast_in_dim3A_450 : vector<16x1xi32> to vector<16xi32>
        %gather3A_452 = tpu.dynamic_gather %select_n3A_423[%gather3A_451] in [0] : vector<16xi32>, vector<16xi32> -> vector<16xi32>
        %and3A_453 = arith.constant 2 : i32
        %and3A_454 = vector.broadcast %and3A_453 : i32 to vector<16xi32>
        %and3A_455 = arith.andi %iota3A, %and3A_454 : vector<16xi32>
        %eq3A_456 = arith.constant 0 : i32
        %eq3A_457 = vector.broadcast %eq3A_456 : i32 to vector<16xi32>
        %eq3A_458 = arith.cmpi eq, %and3A_455, %eq3A_457 : vector<16xi32>
        %lt3A_459 = arith.cmpf olt, %gather3A_449, %select_n3A_422 : vector<16xf32>
        %gt3A_460 = arith.cmpf ogt, %gather3A_449, %select_n3A_422 : vector<16xf32>
        %select_n3A_461 = arith.select %eq3A_458, %lt3A_459, %gt3A_460 : vector<16xi1>, vector<16xi1>
        %select_n3A_462 = arith.select %select_n3A_461, %gather3A_449, %select_n3A_422 : vector<16xi1>, vector<16xf32>
        %select_n3A_463 = arith.select %select_n3A_461, %gather3A_452, %select_n3A_423 : vector<16xi1>, vector<16xi32>
        %xor3A_464 = arith.constant 1 : i32
        %xor3A_465 = vector.broadcast %xor3A_464 : i32 to vector<16xi32>
        %xor3A_466 = arith.xori %iota3A, %xor3A_465 : vector<16xi32>
        %broadcast_in_dim3A_467 = vector.shape_cast %xor3A_466 : vector<16xi32> to vector<16x1xi32>
        %gather3A_468 = vector.shape_cast %broadcast_in_dim3A_467 : vector<16x1xi32> to vector<16xi32>
        %gather3A_469 = tpu.dynamic_gather %select_n3A_442[%gather3A_468] in [0] : vector<16xf32>, vector<16xi32> -> vector<16xf32>
        %broadcast_in_dim3A_470 = vector.shape_cast %xor3A_466 : vector<16xi32> to vector<16x1xi32>
        %gather3A_471 = vector.shape_cast %broadcast_in_dim3A_470 : vector<16x1xi32> to vector<16xi32>
        %gather3A_472 = tpu.dynamic_gather %select_n3A_443[%gather3A_471] in [0] : vector<16xi32>, vector<16xi32> -> vector<16xi32>
        %and3A_473 = arith.constant 1 : i32
        %and3A_474 = vector.broadcast %and3A_473 : i32 to vector<16xi32>
        %and3A_475 = arith.andi %iota3A, %and3A_474 : vector<16xi32>
        %eq3A_476 = arith.constant 0 : i32
        %eq3A_477 = vector.broadcast %eq3A_476 : i32 to vector<16xi32>
        %eq3A_478 = arith.cmpi eq, %and3A_475, %eq3A_477 : vector<16xi32>
        %lt3A_479 = arith.cmpf olt, %gather3A_469, %select_n3A_442 : vector<16xf32>
        %gt3A_480 = arith.cmpf ogt, %gather3A_469, %select_n3A_442 : vector<16xf32>
        %select_n3A_481 = arith.select %eq3A_478, %lt3A_479, %gt3A_480 : vector<16xi1>, vector<16xi1>
        %select_n3A_482 = arith.select %select_n3A_481, %gather3A_469, %select_n3A_442 : vector<16xi1>, vector<16xf32>
        %select_n3A_483 = arith.select %select_n3A_481, %gather3A_472, %select_n3A_443 : vector<16xi1>, vector<16xi32>
        %xor3A_484 = arith.constant 1 : i32
        %xor3A_485 = vector.broadcast %xor3A_484 : i32 to vector<16xi32>
        %xor3A_486 = arith.xori %iota3A, %xor3A_485 : vector<16xi32>
        %broadcast_in_dim3A_487 = vector.shape_cast %xor3A_486 : vector<16xi32> to vector<16x1xi32>
        %gather3A_488 = vector.shape_cast %broadcast_in_dim3A_487 : vector<16x1xi32> to vector<16xi32>
        %gather3A_489 = tpu.dynamic_gather %select_n3A_462[%gather3A_488] in [0] : vector<16xf32>, vector<16xi32> -> vector<16xf32>
        %broadcast_in_dim3A_490 = vector.shape_cast %xor3A_486 : vector<16xi32> to vector<16x1xi32>
        %gather3A_491 = vector.shape_cast %broadcast_in_dim3A_490 : vector<16x1xi32> to vector<16xi32>
        %gather3A_492 = tpu.dynamic_gather %select_n3A_463[%gather3A_491] in [0] : vector<16xi32>, vector<16xi32> -> vector<16xi32>
        %and3A_493 = arith.constant 1 : i32
        %and3A_494 = vector.broadcast %and3A_493 : i32 to vector<16xi32>
        %and3A_495 = arith.andi %iota3A, %and3A_494 : vector<16xi32>
        %eq3A_496 = arith.constant 0 : i32
        %eq3A_497 = vector.broadcast %eq3A_496 : i32 to vector<16xi32>
        %eq3A_498 = arith.cmpi eq, %and3A_495, %eq3A_497 : vector<16xi32>
        %lt3A_499 = arith.cmpf olt, %gather3A_489, %select_n3A_462 : vector<16xf32>
        %gt3A_500 = arith.cmpf ogt, %gather3A_489, %select_n3A_462 : vector<16xf32>
        %select_n3A_501 = arith.select %eq3A_498, %lt3A_499, %gt3A_500 : vector<16xi1>, vector<16xi1>
        %select_n3A_502 = arith.select %select_n3A_501, %gather3A_489, %select_n3A_462 : vector<16xi1>, vector<16xf32>
        %select_n3A_503 = arith.select %select_n3A_501, %gather3A_492, %select_n3A_463 : vector<16xi1>, vector<16xi32>
        scf.yield %select_n3A_482, %select_n3A_483, %select_n3A_502, %select_n3A_503 : vector<16xf32>, vector<16xi32>, vector<16xf32>, vector<16xi32>
      }
      %add3A_161 = vector.broadcast %mul3A_150 : i32 to vector<16xi32>
      %add3A_162 = arith.addi %while3A_160#1, %add3A_161 : vector<16xi32>
      %swap3A = arith.constant 0 : index
      %swap3A_163 = tpu.vector_load %arg9[%swap3A] {strides = array<i32>} : memref<32xi32, #tpu.memory_space<vmem>>, vector<16xi32>,
      tpu.vector_store %arg9[%swap3A], %add3A_162 {strides = array<i32>} : memref<32xi32, #tpu.memory_space<vmem>>, vector<16xi32>,
      %add3A_164 = vector.broadcast %mul3A_150 : i32 to vector<16xi32>
      %add3A_165 = arith.addi %while3A_160#3, %add3A_164 : vector<16xi32>
      %swap3A_166 = arith.constant 16 : index
      %swap3A_167 = tpu.vector_load %arg9[%swap3A_166] {strides = array<i32>} : memref<32xi32, #tpu.memory_space<vmem>>, vector<16xi32>,
      tpu.vector_store %arg9[%swap3A_166], %add3A_165 {strides = array<i32>} : memref<32xi32, #tpu.memory_space<vmem>>, vector<16xi32>,
      %mul3A_168 = arith.constant 32 : i32
      %mul3A_169 = arith.muli %add3A_48, %mul3A_168 : i32
      "tpu.region"() ({
        %run_scoped3A = tpu.sem_alloc : memref<!tpu.dma_semaphore, #tpu.memory_space<semaphore_mem>>
        %dma_start3A_323 = tpu.memref_slice %arg4[%mul3A_169] : memref<262144xi32, #tpu.memory_space<hbm>> -> memref<32xi32, #tpu.memory_space<hbm>>
        %dma_start3A_324 = tpu.memref_slice %arg4[%mul3A_169] : memref<262144xi32, #tpu.memory_space<hbm>> -> memref<32xi32, #tpu.memory_space<hbm>>
        tpu.enqueue_dma source(%arg9 : memref<32xi32, #tpu.memory_space<vmem>>) target(%dma_start3A_324 : memref<32xi32, #tpu.memory_space<hbm>>) target_semaphore(%run_scoped3A : memref<!tpu.dma_semaphore, #tpu.memory_space<semaphore_mem>>)
        %dma_wait3A_325 = tpu.memref_slice %arg4[%mul3A_169] : memref<262144xi32, #tpu.memory_space<hbm>> -> memref<32xi32, #tpu.memory_space<hbm>>
        %dma_wait3A_326 = tpu.memref_slice %arg4[%mul3A_169] : memref<262144xi32, #tpu.memory_space<hbm>> -> memref<32xi32, #tpu.memory_space<hbm>>
        tpu.wait_dma2 semaphore(%run_scoped3A : memref<!tpu.dma_semaphore, #tpu.memory_space<semaphore_mem>>) src(%arg9 : memref<32xi32, #tpu.memory_space<vmem>>) dst(%dma_wait3A_326 : memref<32xi32, #tpu.memory_space<hbm>>)
        tpu.yield
      }) : () -> ()
      %add3A_170 = arith.addi %mul3A_2, %add3A_26 : i32
      %dma_wait3A_171 = arith.constant 8192 : i32
      %dma_wait3A_172 = tpu.memref_slice %arg6[%dma_wait3A_171] : memref<16384xf32, #tpu.memory_space<vmem>> -> memref<8192xf32, #tpu.memory_space<vmem>>
      %dma_wait3A_173 = arith.constant 0 : i32
      %dma_wait3A_174 = tpu.memref_slice %arg2[%add3A_170, %dma_wait3A_173] : memref<8192x8192xf32, #tpu.memory_space<hbm>> -> memref<1x8192xf32, #tpu.memory_space<hbm>>
      %dma_wait3A_175 = tpu.memref_squeeze %dma_wait3A_174 : memref<1x8192xf32, #tpu.memory_space<hbm>> -> memref<8192xf32, #tpu.memory_space<hbm>>
      %dma_wait3A_176 = arith.constant 8192 : i32
      %dma_wait3A_177 = tpu.memref_slice %arg6[%dma_wait3A_176] : memref<16384xf32, #tpu.memory_space<vmem>> -> memref<8192xf32, #tpu.memory_space<vmem>>
      %dma_wait3A_178 = arith.constant 0 : i32
      %dma_wait3A_179 = tpu.memref_slice %arg2[%add3A_170, %dma_wait3A_178] : memref<8192x8192xf32, #tpu.memory_space<hbm>> -> memref<1x8192xf32, #tpu.memory_space<hbm>>
      %dma_wait3A_180 = tpu.memref_squeeze %dma_wait3A_179 : memref<1x8192xf32, #tpu.memory_space<hbm>> -> memref<8192xf32, #tpu.memory_space<hbm>>
      tpu.wait_dma2 semaphore(%arg11 : memref<!tpu.dma_semaphore, #tpu.memory_space<semaphore_mem>>) src(%dma_wait3A_180 : memref<8192xf32, #tpu.memory_space<hbm>>) dst(%dma_wait3A_177 : memref<8192xf32, #tpu.memory_space<vmem>>)
      %add3A_181 = arith.constant 1 : i32
      %add3A_182 = arith.addi %add3A_26, %add3A_181 : i32
      %lt3A_183 = arith.constant 256 : i32
      %lt3A_184 = arith.cmpi slt, %add3A_182, %lt3A_183 : i32
      %convert_element_type3A = arith.extui %lt3A_184 : i1 to i32
      %cond3A = arith.constant 0 : i32
      %cond3A_185 = arith.cmpi ne, %convert_element_type3A, %cond3A : i32
      scf.if %cond3A_185 {
        %add3A_323 = arith.addi %mul3A_2, %add3A_26 : i32
        %add3A_324 = arith.constant 1 : i32
        %add3A_325 = arith.addi %add3A_323, %add3A_324 : i32
        %dma_start3A_326 = arith.constant 0 : i32
        %dma_start3A_327 = tpu.memref_slice %arg6[%dma_start3A_326] : memref<16384xf32, #tpu.memory_space<vmem>> -> memref<8192xf32, #tpu.memory_space<vmem>>
        %dma_start3A_328 = arith.constant 0 : i32
        %dma_start3A_329 = tpu.memref_slice %arg2[%add3A_325, %dma_start3A_328] : memref<8192x8192xf32, #tpu.memory_space<hbm>> -> memref<1x8192xf32, #tpu.memory_space<hbm>>
        %dma_start3A_330 = tpu.memref_squeeze %dma_start3A_329 : memref<1x8192xf32, #tpu.memory_space<hbm>> -> memref<8192xf32, #tpu.memory_space<hbm>>
        %dma_start3A_331 = arith.constant 0 : i32
        %dma_start3A_332 = tpu.memref_slice %arg6[%dma_start3A_331] : memref<16384xf32, #tpu.memory_space<vmem>> -> memref<8192xf32, #tpu.memory_space<vmem>>
        %dma_start3A_333 = arith.constant 0 : i32
        %dma_start3A_334 = tpu.memref_slice %arg2[%add3A_325, %dma_start3A_333] : memref<8192x8192xf32, #tpu.memory_space<hbm>> -> memref<1x8192xf32, #tpu.memory_space<hbm>>
        %dma_start3A_335 = tpu.memref_squeeze %dma_start3A_334 : memref<1x8192xf32, #tpu.memory_space<hbm>> -> memref<8192xf32, #tpu.memory_space<hbm>>
        tpu.enqueue_dma source(%dma_start3A_335 : memref<8192xf32, #tpu.memory_space<hbm>>) target(%dma_start3A_332 : memref<8192xf32, #tpu.memory_space<vmem>>) target_semaphore(%arg10 : memref<!tpu.dma_semaphore, #tpu.memory_space<semaphore_mem>>)
      } else {
      }
      %add3A_186 = arith.addi %mul3A_2, %add3A_26 : i32
      %jit3A_187 = arith.constant 16 : i32
      %div3A_188 = arith.divsi %add3A_26, %jit3A_187 : i32
      %sign3A_189 = arith.constant 0 : i32
      %sign3A_190 = arith.cmpi sgt, %add3A_26, %sign3A_189 : i32
      %sign3A_191 = arith.extui %sign3A_190 : i1 to i32
      %sign3A_192 = arith.constant 0 : i32
      %sign3A_193 = arith.cmpi slt, %add3A_26, %sign3A_192 : i32
      %sign3A_194 = arith.extui %sign3A_193 : i1 to i32
      %sign3A_195 = arith.subi %sign3A_191, %sign3A_194 : i32
      %sign3A_196 = arith.constant 0 : i32
      %sign3A_197 = arith.cmpi sgt, %jit3A_187, %sign3A_196 : i32
      %sign3A_198 = arith.extui %sign3A_197 : i1 to i32
      %sign3A_199 = arith.constant 0 : i32
      %sign3A_200 = arith.cmpi slt, %jit3A_187, %sign3A_199 : i32
      %sign3A_201 = arith.extui %sign3A_200 : i1 to i32
      %sign3A_202 = arith.subi %sign3A_198, %sign3A_201 : i32
      %ne3A_203 = arith.cmpi ne, %sign3A_195, %sign3A_202 : i32
      %rem3A_204 = arith.remsi %add3A_26, %jit3A_187 : i32
      %ne3A_205 = arith.constant 0 : i32
      %ne3A_206 = arith.cmpi ne, %rem3A_204, %ne3A_205 : i32
      %and3A_207 = arith.andi %ne3A_203, %ne3A_206 : i1
      %sub3A_208 = arith.constant 1 : i32
      %sub3A_209 = arith.subi %div3A_188, %sub3A_208 : i32
      %select_n3A_210 = arith.select %and3A_207, %sub3A_209, %div3A_188 : i32
      %mul3A_211 = arith.constant 16 : i32
      %mul3A_212 = arith.muli %select_n3A_210, %mul3A_211 : i32
      %get3A_213 = arith.index_cast %mul3A_212 : i32 to index
      %get3A_214 = tpu.vector_load %arg5[%get3A_213] {strides = array<i32>} : memref<256xf32, #tpu.memory_space<vmem>>, vector<16xf32>,
      %jit3A_215 = arith.constant 16 : i32
      %eq3A_216 = arith.constant 0 : i32
      %eq3A_217 = arith.cmpi eq, %jit3A_215, %eq3A_216 : i32
      %jit3A_218 = arith.constant 1 : i32
      %select_n3A_219 = arith.select %eq3A_217, %jit3A_218, %jit3A_215 : i32
      %rem3A_220 = arith.remsi %add3A_26, %select_n3A_219 : i32
      %ne3A_221 = arith.constant 0 : i32
      %ne3A_222 = arith.cmpi ne, %rem3A_220, %ne3A_221 : i32
      %lt3A_223 = arith.constant 0 : i32
      %lt3A_224 = arith.cmpi slt, %rem3A_220, %lt3A_223 : i32
      %lt3A_225 = arith.constant 0 : i32
      %lt3A_226 = arith.cmpi slt, %select_n3A_219, %lt3A_225 : i32
      %ne3A_227 = arith.xori %lt3A_224, %lt3A_226 : i1
      %and3A_228 = arith.andi %ne3A_227, %ne3A_222 : i1
      %add3A_229 = arith.addi %rem3A_220, %select_n3A_219 : i32
      %select_n3A_230 = arith.select %and3A_228, %add3A_229, %rem3A_220 : i32
      %broadcast_in_dim3A_231 = vector.broadcast %select_n3A_230 : i32 to vector<16xi32>
      %broadcast_in_dim3A_232 = vector.shape_cast %broadcast_in_dim3A_231 : vector<16xi32> to vector<16x1xi32>
      %gather3A_233 = vector.shape_cast %broadcast_in_dim3A_232 : vector<16x1xi32> to vector<16xi32>
      %gather3A_234 = tpu.dynamic_gather %get3A_214[%gather3A_233] in [0] : vector<16xf32>, vector<16xi32> -> vector<16xf32>
      %scan3A_235 = arith.constant 0 : i32
      %scan3A_236 = arith.constant 64 : i32
      %scan3A_237 = arith.addi %scan3A_235, %scan3A_236 : i32
      %scan3A_238 = arith.constant 1 : i32
      %scan3A_239 = scf.for %scan3A_323 = %scan3A_235 to %scan3A_237 step %scan3A_238 iter_args(%scan3A_324 = %broadcast_in_dim3A_5) -> (vector<16xi32>)  : i32 {
        %mul3A_325 = arith.constant 8 : i32
        %mul3A_326 = arith.muli %scan3A_323, %mul3A_325 : i32
        %add3A_327 = arith.constant 0 : i32
        %add3A_328 = arith.addi %mul3A_326, %add3A_327 : i32
        %mul3A_329 = arith.constant 16 : i32
        %mul3A_330 = arith.muli %add3A_328, %mul3A_329 : i32
        %get3A_331 = arith.constant 8192 : i32
        %get3A_332 = tpu.memref_slice %arg6[%get3A_331] : memref<16384xf32, #tpu.memory_space<vmem>> -> memref<8192xf32, #tpu.memory_space<vmem>>
        %get3A_333 = arith.index_cast %mul3A_330 : i32 to index
        %get3A_334 = tpu.vector_load %get3A_332[%get3A_333] {strides = array<i32>} : memref<8192xf32, #tpu.memory_space<vmem>>, vector<16xf32>,
        %le3A = arith.cmpf ole, %get3A_334, %gather3A_234 : vector<16xf32>
        %masked_cumsum3A = tpu.scan <sum>, %broadcast_in_dim3A_7 masked %le3A : vector<16xi32>, vector<16xi1> -> vector<16xi32>
        %add3A_335 = arith.addi %scan3A_324, %masked_cumsum3A : vector<16xi32>
        %sub3A_336 = arith.constant 1 : i32
        %sub3A_337 = vector.broadcast %sub3A_336 : i32 to vector<16xi32>
        %sub3A_338 = arith.subi %add3A_335, %sub3A_337 : vector<16xi32>
        tpu.vector_store_idx %arg7[%sub3A_338], %get3A_334 masked %le3A : memref<8208xf32, #tpu.memory_space<vmem>>[vector<16xi32>], vector<16xf32>, vector<16xi1>
        %mul3A_339 = arith.constant 16 : i32
        %mul3A_340 = arith.muli %add3A_328, %mul3A_339 : i32
        %add3A_341 = vector.broadcast %mul3A_340 : i32 to vector<16xi32>
        %add3A_342 = arith.addi %iota3A, %add3A_341 : vector<16xi32>
        tpu.vector_store_idx %arg8[%sub3A_338], %add3A_342 masked %le3A : memref<8208xi32, #tpu.memory_space<vmem>>[vector<16xi32>], vector<16xi32>, vector<16xi1>
        %all_reduce_population_count3A = tpu.all_reduce %le3A {dim = 0 : i64, kind = #tpu.reduction_kind<sum>} : vector<16xi1> -> vector<16xi32>
        %add3A_343 = arith.addi %scan3A_324, %all_reduce_population_count3A : vector<16xi32>
        %mul3A_344 = arith.constant 8 : i32
        %mul3A_345 = arith.muli %scan3A_323, %mul3A_344 : i32
        %add3A_346 = arith.constant 1 : i32
        %add3A_347 = arith.addi %mul3A_345, %add3A_346 : i32
        %mul3A_348 = arith.constant 16 : i32
        %mul3A_349 = arith.muli %add3A_347, %mul3A_348 : i32
        %get3A_350 = arith.constant 8192 : i32
        %get3A_351 = tpu.memref_slice %arg6[%get3A_350] : memref<16384xf32, #tpu.memory_space<vmem>> -> memref<8192xf32, #tpu.memory_space<vmem>>
        %get3A_352 = arith.index_cast %mul3A_349 : i32 to index
        %get3A_353 = tpu.vector_load %get3A_351[%get3A_352] {strides = array<i32>} : memref<8192xf32, #tpu.memory_space<vmem>>, vector<16xf32>,
        %le3A_354 = arith.cmpf ole, %get3A_353, %gather3A_234 : vector<16xf32>
        %masked_cumsum3A_355 = tpu.scan <sum>, %broadcast_in_dim3A_7 masked %le3A_354 : vector<16xi32>, vector<16xi1> -> vector<16xi32>
        %add3A_356 = arith.addi %add3A_343, %masked_cumsum3A_355 : vector<16xi32>
        %sub3A_357 = arith.constant 1 : i32
        %sub3A_358 = vector.broadcast %sub3A_357 : i32 to vector<16xi32>
        %sub3A_359 = arith.subi %add3A_356, %sub3A_358 : vector<16xi32>
        tpu.vector_store_idx %arg7[%sub3A_359], %get3A_353 masked %le3A_354 : memref<8208xf32, #tpu.memory_space<vmem>>[vector<16xi32>], vector<16xf32>, vector<16xi1>
        %mul3A_360 = arith.constant 16 : i32
        %mul3A_361 = arith.muli %add3A_347, %mul3A_360 : i32
        %add3A_362 = vector.broadcast %mul3A_361 : i32 to vector<16xi32>
        %add3A_363 = arith.addi %iota3A, %add3A_362 : vector<16xi32>
        tpu.vector_store_idx %arg8[%sub3A_359], %add3A_363 masked %le3A_354 : memref<8208xi32, #tpu.memory_space<vmem>>[vector<16xi32>], vector<16xi32>, vector<16xi1>
        %all_reduce_population_count3A_364 = tpu.all_reduce %le3A_354 {dim = 0 : i64, kind = #tpu.reduction_kind<sum>} : vector<16xi1> -> vector<16xi32>
        %add3A_365 = arith.addi %add3A_343, %all_reduce_population_count3A_364 : vector<16xi32>
        %mul3A_366 = arith.constant 8 : i32
        %mul3A_367 = arith.muli %scan3A_323, %mul3A_366 : i32
        %add3A_368 = arith.constant 2 : i32
        %add3A_369 = arith.addi %mul3A_367, %add3A_368 : i32
        %mul3A_370 = arith.constant 16 : i32
        %mul3A_371 = arith.muli %add3A_369, %mul3A_370 : i32
        %get3A_372 = arith.constant 8192 : i32
        %get3A_373 = tpu.memref_slice %arg6[%get3A_372] : memref<16384xf32, #tpu.memory_space<vmem>> -> memref<8192xf32, #tpu.memory_space<vmem>>
        %get3A_374 = arith.index_cast %mul3A_371 : i32 to index
        %get3A_375 = tpu.vector_load %get3A_373[%get3A_374] {strides = array<i32>} : memref<8192xf32, #tpu.memory_space<vmem>>, vector<16xf32>,
        %le3A_376 = arith.cmpf ole, %get3A_375, %gather3A_234 : vector<16xf32>
        %masked_cumsum3A_377 = tpu.scan <sum>, %broadcast_in_dim3A_7 masked %le3A_376 : vector<16xi32>, vector<16xi1> -> vector<16xi32>
        %add3A_378 = arith.addi %add3A_365, %masked_cumsum3A_377 : vector<16xi32>
        %sub3A_379 = arith.constant 1 : i32
        %sub3A_380 = vector.broadcast %sub3A_379 : i32 to vector<16xi32>
        %sub3A_381 = arith.subi %add3A_378, %sub3A_380 : vector<16xi32>
        tpu.vector_store_idx %arg7[%sub3A_381], %get3A_375 masked %le3A_376 : memref<8208xf32, #tpu.memory_space<vmem>>[vector<16xi32>], vector<16xf32>, vector<16xi1>
        %mul3A_382 = arith.constant 16 : i32
        %mul3A_383 = arith.muli %add3A_369, %mul3A_382 : i32
        %add3A_384 = vector.broadcast %mul3A_383 : i32 to vector<16xi32>
        %add3A_385 = arith.addi %iota3A, %add3A_384 : vector<16xi32>
        tpu.vector_store_idx %arg8[%sub3A_381], %add3A_385 masked %le3A_376 : memref<8208xi32, #tpu.memory_space<vmem>>[vector<16xi32>], vector<16xi32>, vector<16xi1>
        %all_reduce_population_count3A_386 = tpu.all_reduce %le3A_376 {dim = 0 : i64, kind = #tpu.reduction_kind<sum>} : vector<16xi1> -> vector<16xi32>
        %add3A_387 = arith.addi %add3A_365, %all_reduce_population_count3A_386 : vector<16xi32>
        %mul3A_388 = arith.constant 8 : i32
        %mul3A_389 = arith.muli %scan3A_323, %mul3A_388 : i32
        %add3A_390 = arith.constant 3 : i32
        %add3A_391 = arith.addi %mul3A_389, %add3A_390 : i32
        %mul3A_392 = arith.constant 16 : i32
        %mul3A_393 = arith.muli %add3A_391, %mul3A_392 : i32
        %get3A_394 = arith.constant 8192 : i32
        %get3A_395 = tpu.memref_slice %arg6[%get3A_394] : memref<16384xf32, #tpu.memory_space<vmem>> -> memref<8192xf32, #tpu.memory_space<vmem>>
        %get3A_396 = arith.index_cast %mul3A_393 : i32 to index
        %get3A_397 = tpu.vector_load %get3A_395[%get3A_396] {strides = array<i32>} : memref<8192xf32, #tpu.memory_space<vmem>>, vector<16xf32>,
        %le3A_398 = arith.cmpf ole, %get3A_397, %gather3A_234 : vector<16xf32>
        %masked_cumsum3A_399 = tpu.scan <sum>, %broadcast_in_dim3A_7 masked %le3A_398 : vector<16xi32>, vector<16xi1> -> vector<16xi32>
        %add3A_400 = arith.addi %add3A_387, %masked_cumsum3A_399 : vector<16xi32>
        %sub3A_401 = arith.constant 1 : i32
        %sub3A_402 = vector.broadcast %sub3A_401 : i32 to vector<16xi32>
        %sub3A_403 = arith.subi %add3A_400, %sub3A_402 : vector<16xi32>
        tpu.vector_store_idx %arg7[%sub3A_403], %get3A_397 masked %le3A_398 : memref<8208xf32, #tpu.memory_space<vmem>>[vector<16xi32>], vector<16xf32>, vector<16xi1>
        %mul3A_404 = arith.constant 16 : i32
        %mul3A_405 = arith.muli %add3A_391, %mul3A_404 : i32
        %add3A_406 = vector.broadcast %mul3A_405 : i32 to vector<16xi32>
        %add3A_407 = arith.addi %iota3A, %add3A_406 : vector<16xi32>
        tpu.vector_store_idx %arg8[%sub3A_403], %add3A_407 masked %le3A_398 : memref<8208xi32, #tpu.memory_space<vmem>>[vector<16xi32>], vector<16xi32>, vector<16xi1>
        %all_reduce_population_count3A_408 = tpu.all_reduce %le3A_398 {dim = 0 : i64, kind = #tpu.reduction_kind<sum>} : vector<16xi1> -> vector<16xi32>
        %add3A_409 = arith.addi %add3A_387, %all_reduce_population_count3A_408 : vector<16xi32>
        %mul3A_410 = arith.constant 8 : i32
        %mul3A_411 = arith.muli %scan3A_323, %mul3A_410 : i32
        %add3A_412 = arith.constant 4 : i32
        %add3A_413 = arith.addi %mul3A_411, %add3A_412 : i32
        %mul3A_414 = arith.constant 16 : i32
        %mul3A_415 = arith.muli %add3A_413, %mul3A_414 : i32
        %get3A_416 = arith.constant 8192 : i32
        %get3A_417 = tpu.memref_slice %arg6[%get3A_416] : memref<16384xf32, #tpu.memory_space<vmem>> -> memref<8192xf32, #tpu.memory_space<vmem>>
        %get3A_418 = arith.index_cast %mul3A_415 : i32 to index
        %get3A_419 = tpu.vector_load %get3A_417[%get3A_418] {strides = array<i32>} : memref<8192xf32, #tpu.memory_space<vmem>>, vector<16xf32>,
        %le3A_420 = arith.cmpf ole, %get3A_419, %gather3A_234 : vector<16xf32>
        %masked_cumsum3A_421 = tpu.scan <sum>, %broadcast_in_dim3A_7 masked %le3A_420 : vector<16xi32>, vector<16xi1> -> vector<16xi32>
        %add3A_422 = arith.addi %add3A_409, %masked_cumsum3A_421 : vector<16xi32>
        %sub3A_423 = arith.constant 1 : i32
        %sub3A_424 = vector.broadcast %sub3A_423 : i32 to vector<16xi32>
        %sub3A_425 = arith.subi %add3A_422, %sub3A_424 : vector<16xi32>
        tpu.vector_store_idx %arg7[%sub3A_425], %get3A_419 masked %le3A_420 : memref<8208xf32, #tpu.memory_space<vmem>>[vector<16xi32>], vector<16xf32>, vector<16xi1>
        %mul3A_426 = arith.constant 16 : i32
        %mul3A_427 = arith.muli %add3A_413, %mul3A_426 : i32
        %add3A_428 = vector.broadcast %mul3A_427 : i32 to vector<16xi32>
        %add3A_429 = arith.addi %iota3A, %add3A_428 : vector<16xi32>
        tpu.vector_store_idx %arg8[%sub3A_425], %add3A_429 masked %le3A_420 : memref<8208xi32, #tpu.memory_space<vmem>>[vector<16xi32>], vector<16xi32>, vector<16xi1>
        %all_reduce_population_count3A_430 = tpu.all_reduce %le3A_420 {dim = 0 : i64, kind = #tpu.reduction_kind<sum>} : vector<16xi1> -> vector<16xi32>
        %add3A_431 = arith.addi %add3A_409, %all_reduce_population_count3A_430 : vector<16xi32>
        %mul3A_432 = arith.constant 8 : i32
        %mul3A_433 = arith.muli %scan3A_323, %mul3A_432 : i32
        %add3A_434 = arith.constant 5 : i32
        %add3A_435 = arith.addi %mul3A_433, %add3A_434 : i32
        %mul3A_436 = arith.constant 16 : i32
        %mul3A_437 = arith.muli %add3A_435, %mul3A_436 : i32
        %get3A_438 = arith.constant 8192 : i32
        %get3A_439 = tpu.memref_slice %arg6[%get3A_438] : memref<16384xf32, #tpu.memory_space<vmem>> -> memref<8192xf32, #tpu.memory_space<vmem>>
        %get3A_440 = arith.index_cast %mul3A_437 : i32 to index
        %get3A_441 = tpu.vector_load %get3A_439[%get3A_440] {strides = array<i32>} : memref<8192xf32, #tpu.memory_space<vmem>>, vector<16xf32>,
        %le3A_442 = arith.cmpf ole, %get3A_441, %gather3A_234 : vector<16xf32>
        %masked_cumsum3A_443 = tpu.scan <sum>, %broadcast_in_dim3A_7 masked %le3A_442 : vector<16xi32>, vector<16xi1> -> vector<16xi32>
        %add3A_444 = arith.addi %add3A_431, %masked_cumsum3A_443 : vector<16xi32>
        %sub3A_445 = arith.constant 1 : i32
        %sub3A_446 = vector.broadcast %sub3A_445 : i32 to vector<16xi32>
        %sub3A_447 = arith.subi %add3A_444, %sub3A_446 : vector<16xi32>
        tpu.vector_store_idx %arg7[%sub3A_447], %get3A_441 masked %le3A_442 : memref<8208xf32, #tpu.memory_space<vmem>>[vector<16xi32>], vector<16xf32>, vector<16xi1>
        %mul3A_448 = arith.constant 16 : i32
        %mul3A_449 = arith.muli %add3A_435, %mul3A_448 : i32
        %add3A_450 = vector.broadcast %mul3A_449 : i32 to vector<16xi32>
        %add3A_451 = arith.addi %iota3A, %add3A_450 : vector<16xi32>
        tpu.vector_store_idx %arg8[%sub3A_447], %add3A_451 masked %le3A_442 : memref<8208xi32, #tpu.memory_space<vmem>>[vector<16xi32>], vector<16xi32>, vector<16xi1>
        %all_reduce_population_count3A_452 = tpu.all_reduce %le3A_442 {dim = 0 : i64, kind = #tpu.reduction_kind<sum>} : vector<16xi1> -> vector<16xi32>
        %add3A_453 = arith.addi %add3A_431, %all_reduce_population_count3A_452 : vector<16xi32>
        %mul3A_454 = arith.constant 8 : i32
        %mul3A_455 = arith.muli %scan3A_323, %mul3A_454 : i32
        %add3A_456 = arith.constant 6 : i32
        %add3A_457 = arith.addi %mul3A_455, %add3A_456 : i32
        %mul3A_458 = arith.constant 16 : i32
        %mul3A_459 = arith.muli %add3A_457, %mul3A_458 : i32
        %get3A_460 = arith.constant 8192 : i32
        %get3A_461 = tpu.memref_slice %arg6[%get3A_460] : memref<16384xf32, #tpu.memory_space<vmem>> -> memref<8192xf32, #tpu.memory_space<vmem>>
        %get3A_462 = arith.index_cast %mul3A_459 : i32 to index
        %get3A_463 = tpu.vector_load %get3A_461[%get3A_462] {strides = array<i32>} : memref<8192xf32, #tpu.memory_space<vmem>>, vector<16xf32>,
        %le3A_464 = arith.cmpf ole, %get3A_463, %gather3A_234 : vector<16xf32>
        %masked_cumsum3A_465 = tpu.scan <sum>, %broadcast_in_dim3A_7 masked %le3A_464 : vector<16xi32>, vector<16xi1> -> vector<16xi32>
        %add3A_466 = arith.addi %add3A_453, %masked_cumsum3A_465 : vector<16xi32>
        %sub3A_467 = arith.constant 1 : i32
        %sub3A_468 = vector.broadcast %sub3A_467 : i32 to vector<16xi32>
        %sub3A_469 = arith.subi %add3A_466, %sub3A_468 : vector<16xi32>
        tpu.vector_store_idx %arg7[%sub3A_469], %get3A_463 masked %le3A_464 : memref<8208xf32, #tpu.memory_space<vmem>>[vector<16xi32>], vector<16xf32>, vector<16xi1>
        %mul3A_470 = arith.constant 16 : i32
        %mul3A_471 = arith.muli %add3A_457, %mul3A_470 : i32
        %add3A_472 = vector.broadcast %mul3A_471 : i32 to vector<16xi32>
        %add3A_473 = arith.addi %iota3A, %add3A_472 : vector<16xi32>
        tpu.vector_store_idx %arg8[%sub3A_469], %add3A_473 masked %le3A_464 : memref<8208xi32, #tpu.memory_space<vmem>>[vector<16xi32>], vector<16xi32>, vector<16xi1>
        %all_reduce_population_count3A_474 = tpu.all_reduce %le3A_464 {dim = 0 : i64, kind = #tpu.reduction_kind<sum>} : vector<16xi1> -> vector<16xi32>
        %add3A_475 = arith.addi %add3A_453, %all_reduce_population_count3A_474 : vector<16xi32>
        %mul3A_476 = arith.constant 8 : i32
        %mul3A_477 = arith.muli %scan3A_323, %mul3A_476 : i32
        %add3A_478 = arith.constant 7 : i32
        %add3A_479 = arith.addi %mul3A_477, %add3A_478 : i32
        %mul3A_480 = arith.constant 16 : i32
        %mul3A_481 = arith.muli %add3A_479, %mul3A_480 : i32
        %get3A_482 = arith.constant 8192 : i32
        %get3A_483 = tpu.memref_slice %arg6[%get3A_482] : memref<16384xf32, #tpu.memory_space<vmem>> -> memref<8192xf32, #tpu.memory_space<vmem>>
        %get3A_484 = arith.index_cast %mul3A_481 : i32 to index
        %get3A_485 = tpu.vector_load %get3A_483[%get3A_484] {strides = array<i32>} : memref<8192xf32, #tpu.memory_space<vmem>>, vector<16xf32>,
        %le3A_486 = arith.cmpf ole, %get3A_485, %gather3A_234 : vector<16xf32>
        %masked_cumsum3A_487 = tpu.scan <sum>, %broadcast_in_dim3A_7 masked %le3A_486 : vector<16xi32>, vector<16xi1> -> vector<16xi32>
        %add3A_488 = arith.addi %add3A_475, %masked_cumsum3A_487 : vector<16xi32>
        %sub3A_489 = arith.constant 1 : i32
        %sub3A_490 = vector.broadcast %sub3A_489 : i32 to vector<16xi32>
        %sub3A_491 = arith.subi %add3A_488, %sub3A_490 : vector<16xi32>
        tpu.vector_store_idx %arg7[%sub3A_491], %get3A_485 masked %le3A_486 : memref<8208xf32, #tpu.memory_space<vmem>>[vector<16xi32>], vector<16xf32>, vector<16xi1>
        %mul3A_492 = arith.constant 16 : i32
        %mul3A_493 = arith.muli %add3A_479, %mul3A_492 : i32
        %add3A_494 = vector.broadcast %mul3A_493 : i32 to vector<16xi32>
        %add3A_495 = arith.addi %iota3A, %add3A_494 : vector<16xi32>
        tpu.vector_store_idx %arg8[%sub3A_491], %add3A_495 masked %le3A_486 : memref<8208xi32, #tpu.memory_space<vmem>>[vector<16xi32>], vector<16xi32>, vector<16xi1>
        %all_reduce_population_count3A_496 = tpu.all_reduce %le3A_486 {dim = 0 : i64, kind = #tpu.reduction_kind<sum>} : vector<16xi1> -> vector<16xi32>
        %add3A_497 = arith.addi %add3A_475, %all_reduce_population_count3A_496 : vector<16xi32>
        scf.yield %add3A_497 : vector<16xi32>
      }
      %scan3A_240 = arith.constant 64 : i32
      %add3A_241 = arith.addi %scan3A_239, %iota3A : vector<16xi32>
      tpu.vector_store_idx %arg7[%add3A_241], %broadcast_in_dim3A_3 : memref<8208xf32, #tpu.memory_space<vmem>>[vector<16xi32>], vector<16xf32>,
      %reduce_max3A_242 = arith.constant true
      %reduce_max3A_243 = vector.broadcast %reduce_max3A_242 : i1 to vector<16xi1>
      %reduce_max3A_244 = arith.constant -2147483648 : i32
      %reduce_max3A_245 = vector.broadcast %reduce_max3A_244 : i32 to vector<16xi32>
      %reduce_max3A_246 = arith.xori %scan3A_239, %reduce_max3A_245 : vector<16xi32>
      %reduce_max3A_247 = tpu.scan <max>, %reduce_max3A_246 masked %reduce_max3A_243 : vector<16xi32>, vector<16xi1> -> vector<16xi32>
      %reduce_max3A_248 = arith.xori %reduce_max3A_247, %reduce_max3A_245 : vector<16xi32>
      %reduce_max3A_249 = vector.extract %reduce_max3A_248[15] : i32 from vector<16xi32>
      %add3A_250 = arith.constant 15 : i32
      %add3A_251 = arith.addi %reduce_max3A_249, %add3A_250 : i32
      %jit3A_252 = arith.constant 16 : i32
      %div3A_253 = arith.divsi %add3A_251, %jit3A_252 : i32
      %sign3A_254 = arith.constant 0 : i32
      %sign3A_255 = arith.cmpi sgt, %add3A_251, %sign3A_254 : i32
      %sign3A_256 = arith.extui %sign3A_255 : i1 to i32
      %sign3A_257 = arith.constant 0 : i32
      %sign3A_258 = arith.cmpi slt, %add3A_251, %sign3A_257 : i32
      %sign3A_259 = arith.extui %sign3A_258 : i1 to i32
      %sign3A_260 = arith.subi %sign3A_256, %sign3A_259 : i32
      %sign3A_261 = arith.constant 0 : i32
      %sign3A_262 = arith.cmpi sgt, %jit3A_252, %sign3A_261 : i32
      %sign3A_263 = arith.extui %sign3A_262 : i1 to i32
      %sign3A_264 = arith.constant 0 : i32
      %sign3A_265 = arith.cmpi slt, %jit3A_252, %sign3A_264 : i32
      %sign3A_266 = arith.extui %sign3A_265 : i1 to i32
      %sign3A_267 = arith.subi %sign3A_263, %sign3A_266 : i32
      %ne3A_268 = arith.cmpi ne, %sign3A_260, %sign3A_267 : i32
      %rem3A_269 = arith.remsi %add3A_251, %jit3A_252 : i32
      %ne3A_270 = arith.constant 0 : i32
      %ne3A_271 = arith.cmpi ne, %rem3A_269, %ne3A_270 : i32
      %and3A_272 = arith.andi %ne3A_268, %ne3A_271 : i1
      %sub3A_273 = arith.constant 1 : i32
      %sub3A_274 = arith.subi %div3A_253, %sub3A_273 : i32
      %select_n3A_275 = arith.select %and3A_272, %sub3A_274, %div3A_253 : i32
      %jit3A_276 = arith.constant 2048 : i32
      %div3A_277 = arith.divsi %add3A_186, %jit3A_276 : i32
      %sign3A_278 = arith.constant 0 : i32
      %sign3A_279 = arith.cmpi sgt, %add3A_186, %sign3A_278 : i32
      %sign3A_280 = arith.extui %sign3A_279 : i1 to i32
      %sign3A_281 = arith.constant 0 : i32
      %sign3A_282 = arith.cmpi slt, %add3A_186, %sign3A_281 : i32
      %sign3A_283 = arith.extui %sign3A_282 : i1 to i32
      %sign3A_284 = arith.subi %sign3A_280, %sign3A_283 : i32
      %sign3A_285 = arith.constant 0 : i32
      %sign3A_286 = arith.cmpi sgt, %jit3A_276, %sign3A_285 : i32
      %sign3A_287 = arith.extui %sign3A_286 : i1 to i32
      %sign3A_288 = arith.constant 0 : i32
      %sign3A_289 = arith.cmpi slt, %jit3A_276, %sign3A_288 : i32
      %sign3A_290 = arith.extui %sign3A_289 : i1 to i32
      %sign3A_291 = arith.subi %sign3A_287, %sign3A_290 : i32
      %ne3A_292 = arith.cmpi ne, %sign3A_284, %sign3A_291 : i32
      %rem3A_293 = arith.remsi %add3A_186, %jit3A_276 : i32
      %ne3A_294 = arith.constant 0 : i32
      %ne3A_295 = arith.cmpi ne, %rem3A_293, %ne3A_294 : i32
      %and3A_296 = arith.andi %ne3A_292, %ne3A_295 : i1
      %sub3A_297 = arith.constant 1 : i32
      %sub3A_298 = arith.subi %div3A_277, %sub3A_297 : i32
      %select_n3A_299 = arith.select %and3A_296, %sub3A_298, %div3A_277 : i32
      %mul3A_300 = arith.constant 8192 : i32
      %mul3A_301 = arith.muli %select_n3A_299, %mul3A_300 : i32
      %while3A_302 = arith.constant 0 : i32
      %while3A_303 = arith.subi %select_n3A_275, %while3A_302 : i32
      %while3A_304 = arith.addi %while3A_302, %while3A_303 : i32
      %while3A_305 = arith.constant 1 : i32
      %while3A_306 = arith.divsi %while3A_303, %while3A_305 : i32
      %while3A_307 = arith.muli %while3A_306, %while3A_305 : i32
      %while3A_308 = arith.addi %while3A_302, %while3A_307 : i32
      %while3A_309 = arith.constant 1 : i32
      %while3A_310:4 = scf.for %while3A_323 = %while3A_302 to %while3A_308 step %while3A_309 iter_args(%while3A_324 = %broadcast_in_dim3A_3, %while3A_325 = %broadcast_in_dim3A_5, %while3A_326 = %broadcast_in_dim3A_3, %while3A_327 = %broadcast_in_dim3A_5) -> (vector<16xf32>, vector<16xi32>, vector<16xf32>, vector<16xi32>)  : i32 {
        %mul3A_328 = arith.constant 16 : i32
        %mul3A_329 = arith.muli %while3A_323, %mul3A_328 : i32
        %get3A_330 = arith.index_cast %mul3A_329 : i32 to index
        %get3A_331 = tpu.vector_load %arg7[%get3A_330] {strides = array<i32>} : memref<8208xf32, #tpu.memory_space<vmem>>, vector<16xf32>,
        %mul3A_332 = arith.constant 16 : i32
        %mul3A_333 = arith.muli %while3A_323, %mul3A_332 : i32
        %get3A_334 = arith.index_cast %mul3A_333 : i32 to index
        %get3A_335 = tpu.vector_load %arg8[%get3A_334] {strides = array<i32>} : memref<8208xi32, #tpu.memory_space<vmem>>, vector<16xi32>,
        %masked_sort3A = arith.constant dense<true> : vector<16xi1>
        %masked_sort3A_336, %masked_sort3A_337, %masked_sort3A_338 = tpu.sort %get3A_331, %get3A_335 masked %masked_sort3A {descending = true} : (vector<16xf32>, vector<16xi32>, vector<16xi1>) -> (vector<16xi1>, vector<16xf32>, vector<16xi32>)
        %le3A = arith.cmpf ole, %while3A_326, %masked_sort3A_337 : vector<16xf32>
        %select_n3A_339 = arith.select %le3A, %while3A_326, %masked_sort3A_337 : vector<16xi1>, vector<16xf32>
        %select_n3A_340 = arith.select %le3A, %while3A_327, %masked_sort3A_338 : vector<16xi1>, vector<16xi32>
        %le3A_341 = arith.cmpf ole, %while3A_324, %select_n3A_339 : vector<16xf32>
        %select_n3A_342 = arith.select %le3A_341, %while3A_324, %select_n3A_339 : vector<16xi1>, vector<16xf32>
        %select_n3A_343 = arith.select %le3A_341, %while3A_325, %select_n3A_340 : vector<16xi1>, vector<16xi32>
        %select_n3A_344 = arith.select %le3A_341, %select_n3A_339, %while3A_324 : vector<16xi1>, vector<16xf32>
        %select_n3A_345 = arith.select %le3A_341, %select_n3A_340, %while3A_325 : vector<16xi1>, vector<16xi32>
        %xor3A = arith.constant 8 : i32
        %xor3A_346 = vector.broadcast %xor3A : i32 to vector<16xi32>
        %xor3A_347 = arith.xori %iota3A, %xor3A_346 : vector<16xi32>
        %broadcast_in_dim3A_348 = vector.shape_cast %xor3A_347 : vector<16xi32> to vector<16x1xi32>
        %gather3A_349 = vector.shape_cast %broadcast_in_dim3A_348 : vector<16x1xi32> to vector<16xi32>
        %gather3A_350 = tpu.dynamic_gather %select_n3A_342[%gather3A_349] in [0] : vector<16xf32>, vector<16xi32> -> vector<16xf32>
        %broadcast_in_dim3A_351 = vector.shape_cast %xor3A_347 : vector<16xi32> to vector<16x1xi32>
        %gather3A_352 = vector.shape_cast %broadcast_in_dim3A_351 : vector<16x1xi32> to vector<16xi32>
        %gather3A_353 = tpu.dynamic_gather %select_n3A_343[%gather3A_352] in [0] : vector<16xi32>, vector<16xi32> -> vector<16xi32>
        %and3A_354 = arith.constant 8 : i32
        %and3A_355 = vector.broadcast %and3A_354 : i32 to vector<16xi32>
        %and3A_356 = arith.andi %iota3A, %and3A_355 : vector<16xi32>
        %eq3A_357 = arith.constant 0 : i32
        %eq3A_358 = vector.broadcast %eq3A_357 : i32 to vector<16xi32>
        %eq3A_359 = arith.cmpi eq, %and3A_356, %eq3A_358 : vector<16xi32>
        %lt3A_360 = arith.cmpf olt, %gather3A_350, %select_n3A_342 : vector<16xf32>
        %gt3A = arith.cmpf ogt, %gather3A_350, %select_n3A_342 : vector<16xf32>
        %select_n3A_361 = arith.select %eq3A_359, %lt3A_360, %gt3A : vector<16xi1>, vector<16xi1>
        %select_n3A_362 = arith.select %select_n3A_361, %gather3A_350, %select_n3A_342 : vector<16xi1>, vector<16xf32>
        %select_n3A_363 = arith.select %select_n3A_361, %gather3A_353, %select_n3A_343 : vector<16xi1>, vector<16xi32>
        %xor3A_364 = arith.constant 8 : i32
        %xor3A_365 = vector.broadcast %xor3A_364 : i32 to vector<16xi32>
        %xor3A_366 = arith.xori %iota3A, %xor3A_365 : vector<16xi32>
        %broadcast_in_dim3A_367 = vector.shape_cast %xor3A_366 : vector<16xi32> to vector<16x1xi32>
        %gather3A_368 = vector.shape_cast %broadcast_in_dim3A_367 : vector<16x1xi32> to vector<16xi32>
        %gather3A_369 = tpu.dynamic_gather %select_n3A_344[%gather3A_368] in [0] : vector<16xf32>, vector<16xi32> -> vector<16xf32>
        %broadcast_in_dim3A_370 = vector.shape_cast %xor3A_366 : vector<16xi32> to vector<16x1xi32>
        %gather3A_371 = vector.shape_cast %broadcast_in_dim3A_370 : vector<16x1xi32> to vector<16xi32>
        %gather3A_372 = tpu.dynamic_gather %select_n3A_345[%gather3A_371] in [0] : vector<16xi32>, vector<16xi32> -> vector<16xi32>
        %and3A_373 = arith.constant 8 : i32
        %and3A_374 = vector.broadcast %and3A_373 : i32 to vector<16xi32>
        %and3A_375 = arith.andi %iota3A, %and3A_374 : vector<16xi32>
        %eq3A_376 = arith.constant 0 : i32
        %eq3A_377 = vector.broadcast %eq3A_376 : i32 to vector<16xi32>
        %eq3A_378 = arith.cmpi eq, %and3A_375, %eq3A_377 : vector<16xi32>
        %lt3A_379 = arith.cmpf olt, %gather3A_369, %select_n3A_344 : vector<16xf32>
        %gt3A_380 = arith.cmpf ogt, %gather3A_369, %select_n3A_344 : vector<16xf32>
        %select_n3A_381 = arith.select %eq3A_378, %lt3A_379, %gt3A_380 : vector<16xi1>, vector<16xi1>
        %select_n3A_382 = arith.select %select_n3A_381, %gather3A_369, %select_n3A_344 : vector<16xi1>, vector<16xf32>
        %select_n3A_383 = arith.select %select_n3A_381, %gather3A_372, %select_n3A_345 : vector<16xi1>, vector<16xi32>
        %xor3A_384 = arith.constant 4 : i32
        %xor3A_385 = vector.broadcast %xor3A_384 : i32 to vector<16xi32>
        %xor3A_386 = arith.xori %iota3A, %xor3A_385 : vector<16xi32>
        %broadcast_in_dim3A_387 = vector.shape_cast %xor3A_386 : vector<16xi32> to vector<16x1xi32>
        %gather3A_388 = vector.shape_cast %broadcast_in_dim3A_387 : vector<16x1xi32> to vector<16xi32>
        %gather3A_389 = tpu.dynamic_gather %select_n3A_362[%gather3A_388] in [0] : vector<16xf32>, vector<16xi32> -> vector<16xf32>
        %broadcast_in_dim3A_390 = vector.shape_cast %xor3A_386 : vector<16xi32> to vector<16x1xi32>
        %gather3A_391 = vector.shape_cast %broadcast_in_dim3A_390 : vector<16x1xi32> to vector<16xi32>
        %gather3A_392 = tpu.dynamic_gather %select_n3A_363[%gather3A_391] in [0] : vector<16xi32>, vector<16xi32> -> vector<16xi32>
        %and3A_393 = arith.constant 4 : i32
        %and3A_394 = vector.broadcast %and3A_393 : i32 to vector<16xi32>
        %and3A_395 = arith.andi %iota3A, %and3A_394 : vector<16xi32>
        %eq3A_396 = arith.constant 0 : i32
        %eq3A_397 = vector.broadcast %eq3A_396 : i32 to vector<16xi32>
        %eq3A_398 = arith.cmpi eq, %and3A_395, %eq3A_397 : vector<16xi32>
        %lt3A_399 = arith.cmpf olt, %gather3A_389, %select_n3A_362 : vector<16xf32>
        %gt3A_400 = arith.cmpf ogt, %gather3A_389, %select_n3A_362 : vector<16xf32>
        %select_n3A_401 = arith.select %eq3A_398, %lt3A_399, %gt3A_400 : vector<16xi1>, vector<16xi1>
        %select_n3A_402 = arith.select %select_n3A_401, %gather3A_389, %select_n3A_362 : vector<16xi1>, vector<16xf32>
        %select_n3A_403 = arith.select %select_n3A_401, %gather3A_392, %select_n3A_363 : vector<16xi1>, vector<16xi32>
        %xor3A_404 = arith.constant 4 : i32
        %xor3A_405 = vector.broadcast %xor3A_404 : i32 to vector<16xi32>
        %xor3A_406 = arith.xori %iota3A, %xor3A_405 : vector<16xi32>
        %broadcast_in_dim3A_407 = vector.shape_cast %xor3A_406 : vector<16xi32> to vector<16x1xi32>
        %gather3A_408 = vector.shape_cast %broadcast_in_dim3A_407 : vector<16x1xi32> to vector<16xi32>
        %gather3A_409 = tpu.dynamic_gather %select_n3A_382[%gather3A_408] in [0] : vector<16xf32>, vector<16xi32> -> vector<16xf32>
        %broadcast_in_dim3A_410 = vector.shape_cast %xor3A_406 : vector<16xi32> to vector<16x1xi32>
        %gather3A_411 = vector.shape_cast %broadcast_in_dim3A_410 : vector<16x1xi32> to vector<16xi32>
        %gather3A_412 = tpu.dynamic_gather %select_n3A_383[%gather3A_411] in [0] : vector<16xi32>, vector<16xi32> -> vector<16xi32>
        %and3A_413 = arith.constant 4 : i32
        %and3A_414 = vector.broadcast %and3A_413 : i32 to vector<16xi32>
        %and3A_415 = arith.andi %iota3A, %and3A_414 : vector<16xi32>
        %eq3A_416 = arith.constant 0 : i32
        %eq3A_417 = vector.broadcast %eq3A_416 : i32 to vector<16xi32>
        %eq3A_418 = arith.cmpi eq, %and3A_415, %eq3A_417 : vector<16xi32>
        %lt3A_419 = arith.cmpf olt, %gather3A_409, %select_n3A_382 : vector<16xf32>
        %gt3A_420 = arith.cmpf ogt, %gather3A_409, %select_n3A_382 : vector<16xf32>
        %select_n3A_421 = arith.select %eq3A_418, %lt3A_419, %gt3A_420 : vector<16xi1>, vector<16xi1>
        %select_n3A_422 = arith.select %select_n3A_421, %gather3A_409, %select_n3A_382 : vector<16xi1>, vector<16xf32>
        %select_n3A_423 = arith.select %select_n3A_421, %gather3A_412, %select_n3A_383 : vector<16xi1>, vector<16xi32>
        %xor3A_424 = arith.constant 2 : i32
        %xor3A_425 = vector.broadcast %xor3A_424 : i32 to vector<16xi32>
        %xor3A_426 = arith.xori %iota3A, %xor3A_425 : vector<16xi32>
        %broadcast_in_dim3A_427 = vector.shape_cast %xor3A_426 : vector<16xi32> to vector<16x1xi32>
        %gather3A_428 = vector.shape_cast %broadcast_in_dim3A_427 : vector<16x1xi32> to vector<16xi32>
        %gather3A_429 = tpu.dynamic_gather %select_n3A_402[%gather3A_428] in [0] : vector<16xf32>, vector<16xi32> -> vector<16xf32>
        %broadcast_in_dim3A_430 = vector.shape_cast %xor3A_426 : vector<16xi32> to vector<16x1xi32>
        %gather3A_431 = vector.shape_cast %broadcast_in_dim3A_430 : vector<16x1xi32> to vector<16xi32>
        %gather3A_432 = tpu.dynamic_gather %select_n3A_403[%gather3A_431] in [0] : vector<16xi32>, vector<16xi32> -> vector<16xi32>
        %and3A_433 = arith.constant 2 : i32
        %and3A_434 = vector.broadcast %and3A_433 : i32 to vector<16xi32>
        %and3A_435 = arith.andi %iota3A, %and3A_434 : vector<16xi32>
        %eq3A_436 = arith.constant 0 : i32
        %eq3A_437 = vector.broadcast %eq3A_436 : i32 to vector<16xi32>
        %eq3A_438 = arith.cmpi eq, %and3A_435, %eq3A_437 : vector<16xi32>
        %lt3A_439 = arith.cmpf olt, %gather3A_429, %select_n3A_402 : vector<16xf32>
        %gt3A_440 = arith.cmpf ogt, %gather3A_429, %select_n3A_402 : vector<16xf32>
        %select_n3A_441 = arith.select %eq3A_438, %lt3A_439, %gt3A_440 : vector<16xi1>, vector<16xi1>
        %select_n3A_442 = arith.select %select_n3A_441, %gather3A_429, %select_n3A_402 : vector<16xi1>, vector<16xf32>
        %select_n3A_443 = arith.select %select_n3A_441, %gather3A_432, %select_n3A_403 : vector<16xi1>, vector<16xi32>
        %xor3A_444 = arith.constant 2 : i32
        %xor3A_445 = vector.broadcast %xor3A_444 : i32 to vector<16xi32>
        %xor3A_446 = arith.xori %iota3A, %xor3A_445 : vector<16xi32>
        %broadcast_in_dim3A_447 = vector.shape_cast %xor3A_446 : vector<16xi32> to vector<16x1xi32>
        %gather3A_448 = vector.shape_cast %broadcast_in_dim3A_447 : vector<16x1xi32> to vector<16xi32>
        %gather3A_449 = tpu.dynamic_gather %select_n3A_422[%gather3A_448] in [0] : vector<16xf32>, vector<16xi32> -> vector<16xf32>
        %broadcast_in_dim3A_450 = vector.shape_cast %xor3A_446 : vector<16xi32> to vector<16x1xi32>
        %gather3A_451 = vector.shape_cast %broadcast_in_dim3A_450 : vector<16x1xi32> to vector<16xi32>
        %gather3A_452 = tpu.dynamic_gather %select_n3A_423[%gather3A_451] in [0] : vector<16xi32>, vector<16xi32> -> vector<16xi32>
        %and3A_453 = arith.constant 2 : i32
        %and3A_454 = vector.broadcast %and3A_453 : i32 to vector<16xi32>
        %and3A_455 = arith.andi %iota3A, %and3A_454 : vector<16xi32>
        %eq3A_456 = arith.constant 0 : i32
        %eq3A_457 = vector.broadcast %eq3A_456 : i32 to vector<16xi32>
        %eq3A_458 = arith.cmpi eq, %and3A_455, %eq3A_457 : vector<16xi32>
        %lt3A_459 = arith.cmpf olt, %gather3A_449, %select_n3A_422 : vector<16xf32>
        %gt3A_460 = arith.cmpf ogt, %gather3A_449, %select_n3A_422 : vector<16xf32>
        %select_n3A_461 = arith.select %eq3A_458, %lt3A_459, %gt3A_460 : vector<16xi1>, vector<16xi1>
        %select_n3A_462 = arith.select %select_n3A_461, %gather3A_449, %select_n3A_422 : vector<16xi1>, vector<16xf32>
        %select_n3A_463 = arith.select %select_n3A_461, %gather3A_452, %select_n3A_423 : vector<16xi1>, vector<16xi32>
        %xor3A_464 = arith.constant 1 : i32
        %xor3A_465 = vector.broadcast %xor3A_464 : i32 to vector<16xi32>
        %xor3A_466 = arith.xori %iota3A, %xor3A_465 : vector<16xi32>
        %broadcast_in_dim3A_467 = vector.shape_cast %xor3A_466 : vector<16xi32> to vector<16x1xi32>
        %gather3A_468 = vector.shape_cast %broadcast_in_dim3A_467 : vector<16x1xi32> to vector<16xi32>
        %gather3A_469 = tpu.dynamic_gather %select_n3A_442[%gather3A_468] in [0] : vector<16xf32>, vector<16xi32> -> vector<16xf32>
        %broadcast_in_dim3A_470 = vector.shape_cast %xor3A_466 : vector<16xi32> to vector<16x1xi32>
        %gather3A_471 = vector.shape_cast %broadcast_in_dim3A_470 : vector<16x1xi32> to vector<16xi32>
        %gather3A_472 = tpu.dynamic_gather %select_n3A_443[%gather3A_471] in [0] : vector<16xi32>, vector<16xi32> -> vector<16xi32>
        %and3A_473 = arith.constant 1 : i32
        %and3A_474 = vector.broadcast %and3A_473 : i32 to vector<16xi32>
        %and3A_475 = arith.andi %iota3A, %and3A_474 : vector<16xi32>
        %eq3A_476 = arith.constant 0 : i32
        %eq3A_477 = vector.broadcast %eq3A_476 : i32 to vector<16xi32>
        %eq3A_478 = arith.cmpi eq, %and3A_475, %eq3A_477 : vector<16xi32>
        %lt3A_479 = arith.cmpf olt, %gather3A_469, %select_n3A_442 : vector<16xf32>
        %gt3A_480 = arith.cmpf ogt, %gather3A_469, %select_n3A_442 : vector<16xf32>
        %select_n3A_481 = arith.select %eq3A_478, %lt3A_479, %gt3A_480 : vector<16xi1>, vector<16xi1>
        %select_n3A_482 = arith.select %select_n3A_481, %gather3A_469, %select_n3A_442 : vector<16xi1>, vector<16xf32>
        %select_n3A_483 = arith.select %select_n3A_481, %gather3A_472, %select_n3A_443 : vector<16xi1>, vector<16xi32>
        %xor3A_484 = arith.constant 1 : i32
        %xor3A_485 = vector.broadcast %xor3A_484 : i32 to vector<16xi32>
        %xor3A_486 = arith.xori %iota3A, %xor3A_485 : vector<16xi32>
        %broadcast_in_dim3A_487 = vector.shape_cast %xor3A_486 : vector<16xi32> to vector<16x1xi32>
        %gather3A_488 = vector.shape_cast %broadcast_in_dim3A_487 : vector<16x1xi32> to vector<16xi32>
        %gather3A_489 = tpu.dynamic_gather %select_n3A_462[%gather3A_488] in [0] : vector<16xf32>, vector<16xi32> -> vector<16xf32>
        %broadcast_in_dim3A_490 = vector.shape_cast %xor3A_486 : vector<16xi32> to vector<16x1xi32>
        %gather3A_491 = vector.shape_cast %broadcast_in_dim3A_490 : vector<16x1xi32> to vector<16xi32>
        %gather3A_492 = tpu.dynamic_gather %select_n3A_463[%gather3A_491] in [0] : vector<16xi32>, vector<16xi32> -> vector<16xi32>
        %and3A_493 = arith.constant 1 : i32
        %and3A_494 = vector.broadcast %and3A_493 : i32 to vector<16xi32>
        %and3A_495 = arith.andi %iota3A, %and3A_494 : vector<16xi32>
        %eq3A_496 = arith.constant 0 : i32
        %eq3A_497 = vector.broadcast %eq3A_496 : i32 to vector<16xi32>
        %eq3A_498 = arith.cmpi eq, %and3A_495, %eq3A_497 : vector<16xi32>
        %lt3A_499 = arith.cmpf olt, %gather3A_489, %select_n3A_462 : vector<16xf32>
        %gt3A_500 = arith.cmpf ogt, %gather3A_489, %select_n3A_462 : vector<16xf32>
        %select_n3A_501 = arith.select %eq3A_498, %lt3A_499, %gt3A_500 : vector<16xi1>, vector<16xi1>
        %select_n3A_502 = arith.select %select_n3A_501, %gather3A_489, %select_n3A_462 : vector<16xi1>, vector<16xf32>
        %select_n3A_503 = arith.select %select_n3A_501, %gather3A_492, %select_n3A_463 : vector<16xi1>, vector<16xi32>
        scf.yield %select_n3A_482, %select_n3A_483, %select_n3A_502, %select_n3A_503 : vector<16xf32>, vector<16xi32>, vector<16xf32>, vector<16xi32>
      }
      %while3A_311 = arith.constant 1 : i32
      %while3A_312:4 = scf.for %while3A_323 = %while3A_308 to %while3A_304 step %while3A_311 iter_args(%while3A_324 = %while3A_310#0, %while3A_325 = %while3A_310#1, %while3A_326 = %while3A_310#2, %while3A_327 = %while3A_310#3) -> (vector<16xf32>, vector<16xi32>, vector<16xf32>, vector<16xi32>)  : i32 {
        %mul3A_328 = arith.constant 16 : i32
        %mul3A_329 = arith.muli %while3A_323, %mul3A_328 : i32
        %get3A_330 = arith.index_cast %mul3A_329 : i32 to index
        %get3A_331 = tpu.vector_load %arg7[%get3A_330] {strides = array<i32>} : memref<8208xf32, #tpu.memory_space<vmem>>, vector<16xf32>,
        %mul3A_332 = arith.constant 16 : i32
        %mul3A_333 = arith.muli %while3A_323, %mul3A_332 : i32
        %get3A_334 = arith.index_cast %mul3A_333 : i32 to index
        %get3A_335 = tpu.vector_load %arg8[%get3A_334] {strides = array<i32>} : memref<8208xi32, #tpu.memory_space<vmem>>, vector<16xi32>,
        %masked_sort3A = arith.constant dense<true> : vector<16xi1>
        %masked_sort3A_336, %masked_sort3A_337, %masked_sort3A_338 = tpu.sort %get3A_331, %get3A_335 masked %masked_sort3A {descending = true} : (vector<16xf32>, vector<16xi32>, vector<16xi1>) -> (vector<16xi1>, vector<16xf32>, vector<16xi32>)
        %le3A = arith.cmpf ole, %while3A_326, %masked_sort3A_337 : vector<16xf32>
        %select_n3A_339 = arith.select %le3A, %while3A_326, %masked_sort3A_337 : vector<16xi1>, vector<16xf32>
        %select_n3A_340 = arith.select %le3A, %while3A_327, %masked_sort3A_338 : vector<16xi1>, vector<16xi32>
        %le3A_341 = arith.cmpf ole, %while3A_324, %select_n3A_339 : vector<16xf32>
        %select_n3A_342 = arith.select %le3A_341, %while3A_324, %select_n3A_339 : vector<16xi1>, vector<16xf32>
        %select_n3A_343 = arith.select %le3A_341, %while3A_325, %select_n3A_340 : vector<16xi1>, vector<16xi32>
        %select_n3A_344 = arith.select %le3A_341, %select_n3A_339, %while3A_324 : vector<16xi1>, vector<16xf32>
        %select_n3A_345 = arith.select %le3A_341, %select_n3A_340, %while3A_325 : vector<16xi1>, vector<16xi32>
        %xor3A = arith.constant 8 : i32
        %xor3A_346 = vector.broadcast %xor3A : i32 to vector<16xi32>
        %xor3A_347 = arith.xori %iota3A, %xor3A_346 : vector<16xi32>
        %broadcast_in_dim3A_348 = vector.shape_cast %xor3A_347 : vector<16xi32> to vector<16x1xi32>
        %gather3A_349 = vector.shape_cast %broadcast_in_dim3A_348 : vector<16x1xi32> to vector<16xi32>
        %gather3A_350 = tpu.dynamic_gather %select_n3A_342[%gather3A_349] in [0] : vector<16xf32>, vector<16xi32> -> vector<16xf32>
        %broadcast_in_dim3A_351 = vector.shape_cast %xor3A_347 : vector<16xi32> to vector<16x1xi32>
        %gather3A_352 = vector.shape_cast %broadcast_in_dim3A_351 : vector<16x1xi32> to vector<16xi32>
        %gather3A_353 = tpu.dynamic_gather %select_n3A_343[%gather3A_352] in [0] : vector<16xi32>, vector<16xi32> -> vector<16xi32>
        %and3A_354 = arith.constant 8 : i32
        %and3A_355 = vector.broadcast %and3A_354 : i32 to vector<16xi32>
        %and3A_356 = arith.andi %iota3A, %and3A_355 : vector<16xi32>
        %eq3A_357 = arith.constant 0 : i32
        %eq3A_358 = vector.broadcast %eq3A_357 : i32 to vector<16xi32>
        %eq3A_359 = arith.cmpi eq, %and3A_356, %eq3A_358 : vector<16xi32>
        %lt3A_360 = arith.cmpf olt, %gather3A_350, %select_n3A_342 : vector<16xf32>
        %gt3A = arith.cmpf ogt, %gather3A_350, %select_n3A_342 : vector<16xf32>
        %select_n3A_361 = arith.select %eq3A_359, %lt3A_360, %gt3A : vector<16xi1>, vector<16xi1>
        %select_n3A_362 = arith.select %select_n3A_361, %gather3A_350, %select_n3A_342 : vector<16xi1>, vector<16xf32>
        %select_n3A_363 = arith.select %select_n3A_361, %gather3A_353, %select_n3A_343 : vector<16xi1>, vector<16xi32>
        %xor3A_364 = arith.constant 8 : i32
        %xor3A_365 = vector.broadcast %xor3A_364 : i32 to vector<16xi32>
        %xor3A_366 = arith.xori %iota3A, %xor3A_365 : vector<16xi32>
        %broadcast_in_dim3A_367 = vector.shape_cast %xor3A_366 : vector<16xi32> to vector<16x1xi32>
        %gather3A_368 = vector.shape_cast %broadcast_in_dim3A_367 : vector<16x1xi32> to vector<16xi32>
        %gather3A_369 = tpu.dynamic_gather %select_n3A_344[%gather3A_368] in [0] : vector<16xf32>, vector<16xi32> -> vector<16xf32>
        %broadcast_in_dim3A_370 = vector.shape_cast %xor3A_366 : vector<16xi32> to vector<16x1xi32>
        %gather3A_371 = vector.shape_cast %broadcast_in_dim3A_370 : vector<16x1xi32> to vector<16xi32>
        %gather3A_372 = tpu.dynamic_gather %select_n3A_345[%gather3A_371] in [0] : vector<16xi32>, vector<16xi32> -> vector<16xi32>
        %and3A_373 = arith.constant 8 : i32
        %and3A_374 = vector.broadcast %and3A_373 : i32 to vector<16xi32>
        %and3A_375 = arith.andi %iota3A, %and3A_374 : vector<16xi32>
        %eq3A_376 = arith.constant 0 : i32
        %eq3A_377 = vector.broadcast %eq3A_376 : i32 to vector<16xi32>
        %eq3A_378 = arith.cmpi eq, %and3A_375, %eq3A_377 : vector<16xi32>
        %lt3A_379 = arith.cmpf olt, %gather3A_369, %select_n3A_344 : vector<16xf32>
        %gt3A_380 = arith.cmpf ogt, %gather3A_369, %select_n3A_344 : vector<16xf32>
        %select_n3A_381 = arith.select %eq3A_378, %lt3A_379, %gt3A_380 : vector<16xi1>, vector<16xi1>
        %select_n3A_382 = arith.select %select_n3A_381, %gather3A_369, %select_n3A_344 : vector<16xi1>, vector<16xf32>
        %select_n3A_383 = arith.select %select_n3A_381, %gather3A_372, %select_n3A_345 : vector<16xi1>, vector<16xi32>
        %xor3A_384 = arith.constant 4 : i32
        %xor3A_385 = vector.broadcast %xor3A_384 : i32 to vector<16xi32>
        %xor3A_386 = arith.xori %iota3A, %xor3A_385 : vector<16xi32>
        %broadcast_in_dim3A_387 = vector.shape_cast %xor3A_386 : vector<16xi32> to vector<16x1xi32>
        %gather3A_388 = vector.shape_cast %broadcast_in_dim3A_387 : vector<16x1xi32> to vector<16xi32>
        %gather3A_389 = tpu.dynamic_gather %select_n3A_362[%gather3A_388] in [0] : vector<16xf32>, vector<16xi32> -> vector<16xf32>
        %broadcast_in_dim3A_390 = vector.shape_cast %xor3A_386 : vector<16xi32> to vector<16x1xi32>
        %gather3A_391 = vector.shape_cast %broadcast_in_dim3A_390 : vector<16x1xi32> to vector<16xi32>
        %gather3A_392 = tpu.dynamic_gather %select_n3A_363[%gather3A_391] in [0] : vector<16xi32>, vector<16xi32> -> vector<16xi32>
        %and3A_393 = arith.constant 4 : i32
        %and3A_394 = vector.broadcast %and3A_393 : i32 to vector<16xi32>
        %and3A_395 = arith.andi %iota3A, %and3A_394 : vector<16xi32>
        %eq3A_396 = arith.constant 0 : i32
        %eq3A_397 = vector.broadcast %eq3A_396 : i32 to vector<16xi32>
        %eq3A_398 = arith.cmpi eq, %and3A_395, %eq3A_397 : vector<16xi32>
        %lt3A_399 = arith.cmpf olt, %gather3A_389, %select_n3A_362 : vector<16xf32>
        %gt3A_400 = arith.cmpf ogt, %gather3A_389, %select_n3A_362 : vector<16xf32>
        %select_n3A_401 = arith.select %eq3A_398, %lt3A_399, %gt3A_400 : vector<16xi1>, vector<16xi1>
        %select_n3A_402 = arith.select %select_n3A_401, %gather3A_389, %select_n3A_362 : vector<16xi1>, vector<16xf32>
        %select_n3A_403 = arith.select %select_n3A_401, %gather3A_392, %select_n3A_363 : vector<16xi1>, vector<16xi32>
        %xor3A_404 = arith.constant 4 : i32
        %xor3A_405 = vector.broadcast %xor3A_404 : i32 to vector<16xi32>
        %xor3A_406 = arith.xori %iota3A, %xor3A_405 : vector<16xi32>
        %broadcast_in_dim3A_407 = vector.shape_cast %xor3A_406 : vector<16xi32> to vector<16x1xi32>
        %gather3A_408 = vector.shape_cast %broadcast_in_dim3A_407 : vector<16x1xi32> to vector<16xi32>
        %gather3A_409 = tpu.dynamic_gather %select_n3A_382[%gather3A_408] in [0] : vector<16xf32>, vector<16xi32> -> vector<16xf32>
        %broadcast_in_dim3A_410 = vector.shape_cast %xor3A_406 : vector<16xi32> to vector<16x1xi32>
        %gather3A_411 = vector.shape_cast %broadcast_in_dim3A_410 : vector<16x1xi32> to vector<16xi32>
        %gather3A_412 = tpu.dynamic_gather %select_n3A_383[%gather3A_411] in [0] : vector<16xi32>, vector<16xi32> -> vector<16xi32>
        %and3A_413 = arith.constant 4 : i32
        %and3A_414 = vector.broadcast %and3A_413 : i32 to vector<16xi32>
        %and3A_415 = arith.andi %iota3A, %and3A_414 : vector<16xi32>
        %eq3A_416 = arith.constant 0 : i32
        %eq3A_417 = vector.broadcast %eq3A_416 : i32 to vector<16xi32>
        %eq3A_418 = arith.cmpi eq, %and3A_415, %eq3A_417 : vector<16xi32>
        %lt3A_419 = arith.cmpf olt, %gather3A_409, %select_n3A_382 : vector<16xf32>
        %gt3A_420 = arith.cmpf ogt, %gather3A_409, %select_n3A_382 : vector<16xf32>
        %select_n3A_421 = arith.select %eq3A_418, %lt3A_419, %gt3A_420 : vector<16xi1>, vector<16xi1>
        %select_n3A_422 = arith.select %select_n3A_421, %gather3A_409, %select_n3A_382 : vector<16xi1>, vector<16xf32>
        %select_n3A_423 = arith.select %select_n3A_421, %gather3A_412, %select_n3A_383 : vector<16xi1>, vector<16xi32>
        %xor3A_424 = arith.constant 2 : i32
        %xor3A_425 = vector.broadcast %xor3A_424 : i32 to vector<16xi32>
        %xor3A_426 = arith.xori %iota3A, %xor3A_425 : vector<16xi32>
        %broadcast_in_dim3A_427 = vector.shape_cast %xor3A_426 : vector<16xi32> to vector<16x1xi32>
        %gather3A_428 = vector.shape_cast %broadcast_in_dim3A_427 : vector<16x1xi32> to vector<16xi32>
        %gather3A_429 = tpu.dynamic_gather %select_n3A_402[%gather3A_428] in [0] : vector<16xf32>, vector<16xi32> -> vector<16xf32>
        %broadcast_in_dim3A_430 = vector.shape_cast %xor3A_426 : vector<16xi32> to vector<16x1xi32>
        %gather3A_431 = vector.shape_cast %broadcast_in_dim3A_430 : vector<16x1xi32> to vector<16xi32>
        %gather3A_432 = tpu.dynamic_gather %select_n3A_403[%gather3A_431] in [0] : vector<16xi32>, vector<16xi32> -> vector<16xi32>
        %and3A_433 = arith.constant 2 : i32
        %and3A_434 = vector.broadcast %and3A_433 : i32 to vector<16xi32>
        %and3A_435 = arith.andi %iota3A, %and3A_434 : vector<16xi32>
        %eq3A_436 = arith.constant 0 : i32
        %eq3A_437 = vector.broadcast %eq3A_436 : i32 to vector<16xi32>
        %eq3A_438 = arith.cmpi eq, %and3A_435, %eq3A_437 : vector<16xi32>
        %lt3A_439 = arith.cmpf olt, %gather3A_429, %select_n3A_402 : vector<16xf32>
        %gt3A_440 = arith.cmpf ogt, %gather3A_429, %select_n3A_402 : vector<16xf32>
        %select_n3A_441 = arith.select %eq3A_438, %lt3A_439, %gt3A_440 : vector<16xi1>, vector<16xi1>
        %select_n3A_442 = arith.select %select_n3A_441, %gather3A_429, %select_n3A_402 : vector<16xi1>, vector<16xf32>
        %select_n3A_443 = arith.select %select_n3A_441, %gather3A_432, %select_n3A_403 : vector<16xi1>, vector<16xi32>
        %xor3A_444 = arith.constant 2 : i32
        %xor3A_445 = vector.broadcast %xor3A_444 : i32 to vector<16xi32>
        %xor3A_446 = arith.xori %iota3A, %xor3A_445 : vector<16xi32>
        %broadcast_in_dim3A_447 = vector.shape_cast %xor3A_446 : vector<16xi32> to vector<16x1xi32>
        %gather3A_448 = vector.shape_cast %broadcast_in_dim3A_447 : vector<16x1xi32> to vector<16xi32>
        %gather3A_449 = tpu.dynamic_gather %select_n3A_422[%gather3A_448] in [0] : vector<16xf32>, vector<16xi32> -> vector<16xf32>
        %broadcast_in_dim3A_450 = vector.shape_cast %xor3A_446 : vector<16xi32> to vector<16x1xi32>
        %gather3A_451 = vector.shape_cast %broadcast_in_dim3A_450 : vector<16x1xi32> to vector<16xi32>
        %gather3A_452 = tpu.dynamic_gather %select_n3A_423[%gather3A_451] in [0] : vector<16xi32>, vector<16xi32> -> vector<16xi32>
        %and3A_453 = arith.constant 2 : i32
        %and3A_454 = vector.broadcast %and3A_453 : i32 to vector<16xi32>
        %and3A_455 = arith.andi %iota3A, %and3A_454 : vector<16xi32>
        %eq3A_456 = arith.constant 0 : i32
        %eq3A_457 = vector.broadcast %eq3A_456 : i32 to vector<16xi32>
        %eq3A_458 = arith.cmpi eq, %and3A_455, %eq3A_457 : vector<16xi32>
        %lt3A_459 = arith.cmpf olt, %gather3A_449, %select_n3A_422 : vector<16xf32>
        %gt3A_460 = arith.cmpf ogt, %gather3A_449, %select_n3A_422 : vector<16xf32>
        %select_n3A_461 = arith.select %eq3A_458, %lt3A_459, %gt3A_460 : vector<16xi1>, vector<16xi1>
        %select_n3A_462 = arith.select %select_n3A_461, %gather3A_449, %select_n3A_422 : vector<16xi1>, vector<16xf32>
        %select_n3A_463 = arith.select %select_n3A_461, %gather3A_452, %select_n3A_423 : vector<16xi1>, vector<16xi32>
        %xor3A_464 = arith.constant 1 : i32
        %xor3A_465 = vector.broadcast %xor3A_464 : i32 to vector<16xi32>
        %xor3A_466 = arith.xori %iota3A, %xor3A_465 : vector<16xi32>
        %broadcast_in_dim3A_467 = vector.shape_cast %xor3A_466 : vector<16xi32> to vector<16x1xi32>
        %gather3A_468 = vector.shape_cast %broadcast_in_dim3A_467 : vector<16x1xi32> to vector<16xi32>
        %gather3A_469 = tpu.dynamic_gather %select_n3A_442[%gather3A_468] in [0] : vector<16xf32>, vector<16xi32> -> vector<16xf32>
        %broadcast_in_dim3A_470 = vector.shape_cast %xor3A_466 : vector<16xi32> to vector<16x1xi32>
        %gather3A_471 = vector.shape_cast %broadcast_in_dim3A_470 : vector<16x1xi32> to vector<16xi32>
        %gather3A_472 = tpu.dynamic_gather %select_n3A_443[%gather3A_471] in [0] : vector<16xi32>, vector<16xi32> -> vector<16xi32>
        %and3A_473 = arith.constant 1 : i32
        %and3A_474 = vector.broadcast %and3A_473 : i32 to vector<16xi32>
        %and3A_475 = arith.andi %iota3A, %and3A_474 : vector<16xi32>
        %eq3A_476 = arith.constant 0 : i32
        %eq3A_477 = vector.broadcast %eq3A_476 : i32 to vector<16xi32>
        %eq3A_478 = arith.cmpi eq, %and3A_475, %eq3A_477 : vector<16xi32>
        %lt3A_479 = arith.cmpf olt, %gather3A_469, %select_n3A_442 : vector<16xf32>
        %gt3A_480 = arith.cmpf ogt, %gather3A_469, %select_n3A_442 : vector<16xf32>
        %select_n3A_481 = arith.select %eq3A_478, %lt3A_479, %gt3A_480 : vector<16xi1>, vector<16xi1>
        %select_n3A_482 = arith.select %select_n3A_481, %gather3A_469, %select_n3A_442 : vector<16xi1>, vector<16xf32>
        %select_n3A_483 = arith.select %select_n3A_481, %gather3A_472, %select_n3A_443 : vector<16xi1>, vector<16xi32>
        %xor3A_484 = arith.constant 1 : i32
        %xor3A_485 = vector.broadcast %xor3A_484 : i32 to vector<16xi32>
        %xor3A_486 = arith.xori %iota3A, %xor3A_485 : vector<16xi32>
        %broadcast_in_dim3A_487 = vector.shape_cast %xor3A_486 : vector<16xi32> to vector<16x1xi32>
        %gather3A_488 = vector.shape_cast %broadcast_in_dim3A_487 : vector<16x1xi32> to vector<16xi32>
        %gather3A_489 = tpu.dynamic_gather %select_n3A_462[%gather3A_488] in [0] : vector<16xf32>, vector<16xi32> -> vector<16xf32>
        %broadcast_in_dim3A_490 = vector.shape_cast %xor3A_486 : vector<16xi32> to vector<16x1xi32>
        %gather3A_491 = vector.shape_cast %broadcast_in_dim3A_490 : vector<16x1xi32> to vector<16xi32>
        %gather3A_492 = tpu.dynamic_gather %select_n3A_463[%gather3A_491] in [0] : vector<16xi32>, vector<16xi32> -> vector<16xi32>
        %and3A_493 = arith.constant 1 : i32
        %and3A_494 = vector.broadcast %and3A_493 : i32 to vector<16xi32>
        %and3A_495 = arith.andi %iota3A, %and3A_494 : vector<16xi32>
        %eq3A_496 = arith.constant 0 : i32
        %eq3A_497 = vector.broadcast %eq3A_496 : i32 to vector<16xi32>
        %eq3A_498 = arith.cmpi eq, %and3A_495, %eq3A_497 : vector<16xi32>
        %lt3A_499 = arith.cmpf olt, %gather3A_489, %select_n3A_462 : vector<16xf32>
        %gt3A_500 = arith.cmpf ogt, %gather3A_489, %select_n3A_462 : vector<16xf32>
        %select_n3A_501 = arith.select %eq3A_498, %lt3A_499, %gt3A_500 : vector<16xi1>, vector<16xi1>
        %select_n3A_502 = arith.select %select_n3A_501, %gather3A_489, %select_n3A_462 : vector<16xi1>, vector<16xf32>
        %select_n3A_503 = arith.select %select_n3A_501, %gather3A_492, %select_n3A_463 : vector<16xi1>, vector<16xi32>
        scf.yield %select_n3A_482, %select_n3A_483, %select_n3A_502, %select_n3A_503 : vector<16xf32>, vector<16xi32>, vector<16xf32>, vector<16xi32>
      }
      %add3A_313 = vector.broadcast %mul3A_301 : i32 to vector<16xi32>
      %add3A_314 = arith.addi %while3A_312#1, %add3A_313 : vector<16xi32>
      %swap3A_315 = arith.constant 0 : index
      %swap3A_316 = tpu.vector_load %arg9[%swap3A_315] {strides = array<i32>} : memref<32xi32, #tpu.memory_space<vmem>>, vector<16xi32>,
      tpu.vector_store %arg9[%swap3A_315], %add3A_314 {strides = array<i32>} : memref<32xi32, #tpu.memory_space<vmem>>, vector<16xi32>,
      %add3A_317 = vector.broadcast %mul3A_301 : i32 to vector<16xi32>
      %add3A_318 = arith.addi %while3A_312#3, %add3A_317 : vector<16xi32>
      %swap3A_319 = arith.constant 16 : index
      %swap3A_320 = tpu.vector_load %arg9[%swap3A_319] {strides = array<i32>} : memref<32xi32, #tpu.memory_space<vmem>>, vector<16xi32>,
      tpu.vector_store %arg9[%swap3A_319], %add3A_318 {strides = array<i32>} : memref<32xi32, #tpu.memory_space<vmem>>, vector<16xi32>,
      %mul3A_321 = arith.constant 32 : i32
      %mul3A_322 = arith.muli %add3A_186, %mul3A_321 : i32
      "tpu.region"() ({
        %run_scoped3A = tpu.sem_alloc : memref<!tpu.dma_semaphore, #tpu.memory_space<semaphore_mem>>
        %dma_start3A_323 = tpu.memref_slice %arg4[%mul3A_322] : memref<262144xi32, #tpu.memory_space<hbm>> -> memref<32xi32, #tpu.memory_space<hbm>>
        %dma_start3A_324 = tpu.memref_slice %arg4[%mul3A_322] : memref<262144xi32, #tpu.memory_space<hbm>> -> memref<32xi32, #tpu.memory_space<hbm>>
        tpu.enqueue_dma source(%arg9 : memref<32xi32, #tpu.memory_space<vmem>>) target(%dma_start3A_324 : memref<32xi32, #tpu.memory_space<hbm>>) target_semaphore(%run_scoped3A : memref<!tpu.dma_semaphore, #tpu.memory_space<semaphore_mem>>)
        %dma_wait3A_325 = tpu.memref_slice %arg4[%mul3A_322] : memref<262144xi32, #tpu.memory_space<hbm>> -> memref<32xi32, #tpu.memory_space<hbm>>
        %dma_wait3A_326 = tpu.memref_slice %arg4[%mul3A_322] : memref<262144xi32, #tpu.memory_space<hbm>> -> memref<32xi32, #tpu.memory_space<hbm>>
        tpu.wait_dma2 semaphore(%run_scoped3A : memref<!tpu.dma_semaphore, #tpu.memory_space<semaphore_mem>>) src(%arg9 : memref<32xi32, #tpu.memory_space<vmem>>) dst(%dma_wait3A_326 : memref<32xi32, #tpu.memory_space<hbm>>)
        tpu.yield
      }) : () -> ()
    }
    %scan3A_21 = arith.constant 128 : i32
    return
  }
}

module attributes {stable_mosaic.version = 14 : i64} {
  func.func @_dist_body(%arg0: i32, %arg1: memref<256x32xf32, #tpu.memory_space<vmem>>, %arg2: memref<1x8192x32xf32, #tpu.memory_space<vmem>>, %arg3: memref<256x8192xf32, #tpu.memory_space<vmem>>, %arg4: memref<1x1x256xf32, #tpu.memory_space<vmem>>) attributes {dimension_semantics = [#tpu.dimension_semantics<arbitrary>], iteration_bounds = array<i64: 32>, scalar_prefetch = 0 : i64, scratch_operands = 0 : i64, tpu.core_type = #tpu.core_type<tc>, window_params = [{transform_indices = @transform_0, window_bounds = array<i64: 256, 32>}, {transform_indices = @transform_1, window_bounds = array<i64: 1, 8192, 32>}, {transform_indices = @transform_2, window_bounds = array<i64: 256, 8192>}, {transform_indices = @transform_3, window_bounds = array<i64: 1, 1, 256>}]} {
    %get3A = arith.constant 0 : index
    %get3A_0 = arith.constant 0 : index
    %get3A_1 = vector.load %arg1[%get3A, %get3A_0] : memref<256x32xf32, #tpu.memory_space<vmem>>, vector<256x32xf32>
    %get3A_2 = arith.constant 0 : index
    %get3A_3 = arith.constant 0 : index
    %get3A_4 = arith.constant 0 : index
    %get3A_5 = vector.load %arg2[%get3A_2, %get3A_3, %get3A_4] : memref<1x8192x32xf32, #tpu.memory_space<vmem>>, vector<1x8192x32xf32>
    %get3A_6 = vector.shape_cast %get3A_5 : vector<1x8192x32xf32> to vector<8192x32xf32>
    %dot_general3A = arith.constant dense<0.000000e+00> : vector<256x8192xf32>
    %dot_general3A_7 = tpu.matmul %get3A_1, %get3A_6, %dot_general3A {dimension_numbers = #tpu.dot_dimension_numbers<[1], [1], [0], [0], [0, 0, 1, 0], [], []>, transpose_lhs_hint = false} : vector<256x32xf32>, vector<8192x32xf32>, vector<256x8192xf32> -> vector<256x8192xf32>
    %mul3A = arith.mulf %get3A_1, %get3A_1 : vector<256x32xf32>
    %reduce_sum3A = arith.constant dense<0.000000e+00> : vector<256xf32>
    %reduce_sum3A_8 = vector.multi_reduction <add>, %mul3A, %reduce_sum3A [1] : vector<256x32xf32> to vector<256xf32>
    %broadcast_in_dim3A = vector.shape_cast %reduce_sum3A_8 : vector<256xf32> to vector<256x1xf32>
    %mul3A_9 = arith.mulf %get3A_6, %get3A_6 : vector<8192x32xf32>
    %reduce_sum3A_10 = arith.constant dense<0.000000e+00> : vector<8192xf32>
    %reduce_sum3A_11 = vector.multi_reduction <add>, %mul3A_9, %reduce_sum3A_10 [1] : vector<8192x32xf32> to vector<8192xf32>
    %broadcast_in_dim3A_12 = vector.shape_cast %reduce_sum3A_11 : vector<8192xf32> to vector<1x8192xf32>
    %mul3A_13 = arith.constant -2.000000e+00 : f32
    %mul3A_14 = vector.broadcast %mul3A_13 : f32 to vector<256x8192xf32>
    %mul3A_15 = arith.mulf %mul3A_14, %dot_general3A_7 : vector<256x8192xf32>
    %add3A = vector.broadcast %broadcast_in_dim3A : vector<256x1xf32> to vector<256x8192xf32>
    %add3A_16 = arith.addf %mul3A_15, %add3A : vector<256x8192xf32>
    %add3A_17 = vector.broadcast %broadcast_in_dim3A_12 : vector<1x8192xf32> to vector<256x8192xf32>
    %add3A_18 = arith.addf %add3A_16, %add3A_17 : vector<256x8192xf32>
    %swap3A = arith.constant 0 : index
    %swap3A_19 = arith.constant 0 : index
    %swap3A_20 = vector.load %arg3[%swap3A, %swap3A_19] : memref<256x8192xf32, #tpu.memory_space<vmem>>, vector<256x8192xf32>
    tpu.vector_store %arg3[%swap3A, %swap3A_19], %add3A_18 {strides = array<i32>} : memref<256x8192xf32, #tpu.memory_space<vmem>>, vector<256x8192xf32>,
    %reshape3A = vector.shape_cast %add3A_18 : vector<256x8192xf32> to vector<256x32x256xf32>
    %reduce_min3A = arith.constant dense<0x7F800000> : vector<256x32xf32>
    %reduce_min3A_21 = vector.multi_reduction <minimumf>, %reshape3A, %reduce_min3A [2] : vector<256x32x256xf32> to vector<256x32xf32>
    %reduce_max3A = arith.constant dense<0xFF800000> : vector<256xf32>
    %reduce_max3A_22 = vector.multi_reduction <maximumf>, %reduce_min3A_21, %reduce_max3A [1] : vector<256x32xf32> to vector<256xf32>
    %swap3A_23 = arith.constant 0 : index
    %swap3A_24 = arith.constant 0 : index
    %swap3A_25 = arith.constant 0 : index
    %swap3A_26 = vector.load %arg4[%swap3A_23, %swap3A_24, %swap3A_25] : memref<1x1x256xf32, #tpu.memory_space<vmem>>, vector<1x1x256xf32>
    %swap3A_27 = vector.shape_cast %swap3A_26 : vector<1x1x256xf32> to vector<256xf32>
    %swap3A_28 = vector.shape_cast %reduce_max3A_22 : vector<256xf32> to vector<1x1x256xf32>
    tpu.vector_store %arg4[%swap3A_23, %swap3A_24, %swap3A_25], %swap3A_28 {strides = array<i32>} : memref<1x1x256xf32, #tpu.memory_space<vmem>>, vector<1x1x256xf32>,
    return
  }
  func.func @transform_0(%arg0: i32) -> (i32, i32) {
    %c0_i32 = arith.constant 0 : i32
    %c0_i32_0 = arith.constant 0 : i32
    return %arg0, %c0_i32 : i32, i32
  }
  func.func @transform_1(%arg0: i32) -> (i32, i32, i32) {
    %jit3A = arith.constant 8 : i32
    %div3A = arith.divsi %arg0, %jit3A : i32
    %sign3A = arith.constant 0 : i32
    %sign3A_0 = arith.cmpi sgt, %arg0, %sign3A : i32
    %sign3A_1 = arith.extui %sign3A_0 : i1 to i32
    %sign3A_2 = arith.constant 0 : i32
    %sign3A_3 = arith.cmpi slt, %arg0, %sign3A_2 : i32
    %sign3A_4 = arith.extui %sign3A_3 : i1 to i32
    %sign3A_5 = arith.subi %sign3A_1, %sign3A_4 : i32
    %sign3A_6 = arith.constant 0 : i32
    %sign3A_7 = arith.cmpi sgt, %jit3A, %sign3A_6 : i32
    %sign3A_8 = arith.extui %sign3A_7 : i1 to i32
    %sign3A_9 = arith.constant 0 : i32
    %sign3A_10 = arith.cmpi slt, %jit3A, %sign3A_9 : i32
    %sign3A_11 = arith.extui %sign3A_10 : i1 to i32
    %sign3A_12 = arith.subi %sign3A_8, %sign3A_11 : i32
    %ne3A = arith.cmpi ne, %sign3A_5, %sign3A_12 : i32
    %rem3A = arith.remsi %arg0, %jit3A : i32
    %ne3A_13 = arith.constant 0 : i32
    %ne3A_14 = arith.cmpi ne, %rem3A, %ne3A_13 : i32
    %and3A = arith.andi %ne3A, %ne3A_14 : i1
    %sub3A = arith.constant 1 : i32
    %sub3A_15 = arith.subi %div3A, %sub3A : i32
    %select_n3A = arith.select %and3A, %sub3A_15, %div3A : i32
    %c0_i32 = arith.constant 0 : i32
    %c0_i32_16 = arith.constant 0 : i32
    %c0_i32_17 = arith.constant 0 : i32
    return %select_n3A, %c0_i32, %c0_i32_16 : i32, i32, i32
  }
  func.func @transform_2(%arg0: i32) -> (i32, i32) {
    %c0_i32 = arith.constant 0 : i32
    %c0_i32_0 = arith.constant 0 : i32
    return %arg0, %c0_i32 : i32, i32
  }
  func.func @transform_3(%arg0: i32) -> (i32, i32, i32) {
    %c0_i32 = arith.constant 0 : i32
    %c0_i32_0 = arith.constant 0 : i32
    %c0_i32_1 = arith.constant 0 : i32
    return %arg0, %c0_i32, %c0_i32_0 : i32, i32, i32
  }
}

module attributes {stable_mosaic.version = 14 : i64} {
  func.func @_layer_body(%arg0: i32, %arg1: memref<8192x32xf32, #tpu.memory_space<vmem>>, %arg2: memref<32x32xf32, #tpu.memory_space<vmem>>, %arg3: memref<8x32xf32, #tpu.memory_space<vmem>>, %arg4: memref<4x32xf32, #tpu.memory_space<vmem>>, %arg5: memref<8192x32xf32, #tpu.memory_space<vmem>>, %arg6: memref<8x32xf32, #tpu.memory_space<vmem>>) attributes {dimension_semantics = [#tpu.dimension_semantics<arbitrary>], iteration_bounds = array<i64: 32>, scalar_prefetch = 0 : i64, scratch_operands = 0 : i64, tpu.core_type = #tpu.core_type<tc>, window_params = [{transform_indices = @transform_0, window_bounds = array<i64: 8192, 32>}, {pipeline_mode = #tpu.pipeline_mode<synchronous>, transform_indices = @transform_1, window_bounds = array<i64: 32, 32>}, {pipeline_mode = #tpu.pipeline_mode<synchronous>, transform_indices = @transform_2, window_bounds = array<i64: 8, 32>}, {pipeline_mode = #tpu.pipeline_mode<synchronous>, transform_indices = @transform_3, window_bounds = array<i64: 4, 32>}, {transform_indices = @transform_4, window_bounds = array<i64: 8192, 32>}, {pipeline_mode = #tpu.pipeline_mode<synchronous>, transform_indices = @transform_5, window_bounds = array<i64: 8, 32>}]} {
    %get3A = arith.constant 0 : index
    %get3A_0 = arith.constant 0 : index
    %get3A_1 = vector.load %arg1[%get3A, %get3A_0] : memref<8192x32xf32, #tpu.memory_space<vmem>>, vector<8192x32xf32>
    %get3A_2 = arith.constant 0 : index
    %get3A_3 = arith.constant 0 : index
    %get3A_4 = vector.load %arg2[%get3A_2, %get3A_3] : memref<32x32xf32, #tpu.memory_space<vmem>>, vector<32x32xf32>
    %dot_general3A = arith.constant dense<0.000000e+00> : vector<8192x32xf32>
    %dot_general3A_5 = tpu.matmul %get3A_1, %get3A_4, %dot_general3A {dimension_numbers = #tpu.dot_dimension_numbers<[1], [1], [0], [0], [0, 0, 1, 0], [], []>, transpose_lhs_hint = false} : vector<8192x32xf32>, vector<32x32xf32>, vector<8192x32xf32> -> vector<8192x32xf32>
    %get3A_6 = arith.constant 0 : index
    %get3A_7 = arith.constant 0 : index
    %get3A_8 = vector.load %arg3[%get3A_6, %get3A_7] : memref<8x32xf32, #tpu.memory_space<vmem>>, vector<1x32xf32>
    %get3A_9 = vector.shape_cast %get3A_8 : vector<1x32xf32> to vector<32xf32>
    %broadcast_in_dim3A = vector.shape_cast %get3A_9 : vector<32xf32> to vector<1x32xf32>
    %add3A = vector.broadcast %broadcast_in_dim3A : vector<1x32xf32> to vector<8192x32xf32>
    %add3A_10 = arith.addf %dot_general3A_5, %add3A : vector<8192x32xf32>
    %swap3A = arith.constant 0 : index
    %swap3A_11 = arith.constant 0 : index
    %swap3A_12 = vector.load %arg5[%swap3A, %swap3A_11] : memref<8192x32xf32, #tpu.memory_space<vmem>>, vector<8192x32xf32>
    tpu.vector_store %arg5[%swap3A, %swap3A_11], %add3A_10 {strides = array<i32>} : memref<8192x32xf32, #tpu.memory_space<vmem>>, vector<8192x32xf32>,
    %reduce_sum3A = arith.constant dense<0.000000e+00> : vector<32xf32>
    %reduce_sum3A_13 = vector.multi_reduction <add>, %add3A_10, %reduce_sum3A [0] : vector<8192x32xf32> to vector<32xf32>
    %mul3A = arith.mulf %add3A_10, %add3A_10 : vector<8192x32xf32>
    %reduce_sum3A_14 = arith.constant dense<0.000000e+00> : vector<32xf32>
    %reduce_sum3A_15 = vector.multi_reduction <add>, %mul3A, %reduce_sum3A_14 [0] : vector<8192x32xf32> to vector<32xf32>
    %broadcast_in_dim3A_16 = vector.shape_cast %reduce_sum3A_13 : vector<32xf32> to vector<1x32xf32>
    %broadcast_in_dim3A_17 = vector.shape_cast %reduce_sum3A_15 : vector<32xf32> to vector<1x32xf32>
    %broadcast_in_dim3A_18 = arith.constant 0.000000e+00 : f32
    %broadcast_in_dim3A_19 = vector.broadcast %broadcast_in_dim3A_18 : f32 to vector<6x32xf32>
    %concatenate3A = tpu.concatenate %broadcast_in_dim3A_16, %broadcast_in_dim3A_17, %broadcast_in_dim3A_19 in 0 : vector<1x32xf32>, vector<1x32xf32>, vector<6x32xf32> -> vector<8x32xf32>
    %eq3A = arith.constant 0 : i32
    %eq3A_20 = arith.cmpi eq, %arg0, %eq3A : i32
    %convert_element_type3A = arith.extui %eq3A_20 : i1 to i32
    %cond3A = arith.constant 0 : i32
    %cond3A_21 = arith.cmpi ne, %convert_element_type3A, %cond3A : i32
    scf.if %cond3A_21 {
      %broadcast_in_dim3A_29 = arith.constant 0.000000e+00 : f32
      %broadcast_in_dim3A_30 = vector.broadcast %broadcast_in_dim3A_29 : f32 to vector<8x32xf32>
      %swap3A_31 = arith.constant 0 : index
      %swap3A_32 = arith.constant 0 : index
      %swap3A_33 = vector.load %arg6[%swap3A_31, %swap3A_32] : memref<8x32xf32, #tpu.memory_space<vmem>>, vector<8x32xf32>
      tpu.vector_store %arg6[%swap3A_31, %swap3A_32], %broadcast_in_dim3A_30 {strides = array<i32>} : memref<8x32xf32, #tpu.memory_space<vmem>>, vector<8x32xf32>,
    } else {
    }
    %get3A_22 = arith.constant 0 : index
    %get3A_23 = arith.constant 0 : index
    %get3A_24 = vector.load %arg6[%get3A_22, %get3A_23] : memref<8x32xf32, #tpu.memory_space<vmem>>, vector<8x32xf32>
    %add3A_25 = arith.addf %get3A_24, %concatenate3A : vector<8x32xf32>
    %swap3A_26 = arith.constant 0 : index
    %swap3A_27 = arith.constant 0 : index
    %swap3A_28 = vector.load %arg6[%swap3A_26, %swap3A_27] : memref<8x32xf32, #tpu.memory_space<vmem>>, vector<8x32xf32>
    tpu.vector_store %arg6[%swap3A_26, %swap3A_27], %add3A_25 {strides = array<i32>} : memref<8x32xf32, #tpu.memory_space<vmem>>, vector<8x32xf32>,
    return
  }
  func.func @transform_0(%arg0: i32) -> (i32, i32) {
    %c0_i32 = arith.constant 0 : i32
    %c0_i32_0 = arith.constant 0 : i32
    return %arg0, %c0_i32 : i32, i32
  }
  func.func @transform_1(%arg0: i32) -> (i32, i32) {
    %c0_i32 = arith.constant 0 : i32
    %c0_i32_0 = arith.constant 0 : i32
    %c0_i32_1 = arith.constant 0 : i32
    return %c0_i32, %c0_i32_0 : i32, i32
  }
  func.func @transform_2(%arg0: i32) -> (i32, i32) {
    %c0_i32 = arith.constant 0 : i32
    %c0_i32_0 = arith.constant 0 : i32
    %c0_i32_1 = arith.constant 0 : i32
    return %c0_i32, %c0_i32_0 : i32, i32
  }
  func.func @transform_3(%arg0: i32) -> (i32, i32) {
    %c0_i32 = arith.constant 0 : i32
    %c0_i32_0 = arith.constant 0 : i32
    %c0_i32_1 = arith.constant 0 : i32
    return %c0_i32, %c0_i32_0 : i32, i32
  }
  func.func @transform_4(%arg0: i32) -> (i32, i32) {
    %c0_i32 = arith.constant 0 : i32
    %c0_i32_0 = arith.constant 0 : i32
    return %arg0, %c0_i32 : i32, i32
  }
  func.func @transform_5(%arg0: i32) -> (i32, i32) {
    %c0_i32 = arith.constant 0 : i32
    %c0_i32_0 = arith.constant 0 : i32
    %c0_i32_1 = arith.constant 0 : i32
    return %c0_i32, %c0_i32_0 : i32, i32
  }
}

module attributes {stable_mosaic.version = 14 : i64} {
  func.func @_layer_body(%arg0: i32, %arg1: memref<8192x32xf32, #tpu.memory_space<vmem>>, %arg2: memref<32x32xf32, #tpu.memory_space<vmem>>, %arg3: memref<8x32xf32, #tpu.memory_space<vmem>>, %arg4: memref<4x32xf32, #tpu.memory_space<vmem>>, %arg5: memref<8192x32xf32, #tpu.memory_space<vmem>>, %arg6: memref<8x32xf32, #tpu.memory_space<vmem>>) attributes {dimension_semantics = [#tpu.dimension_semantics<arbitrary>], iteration_bounds = array<i64: 32>, scalar_prefetch = 0 : i64, scratch_operands = 0 : i64, tpu.core_type = #tpu.core_type<tc>, window_params = [{transform_indices = @transform_0, window_bounds = array<i64: 8192, 32>}, {pipeline_mode = #tpu.pipeline_mode<synchronous>, transform_indices = @transform_1, window_bounds = array<i64: 32, 32>}, {pipeline_mode = #tpu.pipeline_mode<synchronous>, transform_indices = @transform_2, window_bounds = array<i64: 8, 32>}, {pipeline_mode = #tpu.pipeline_mode<synchronous>, transform_indices = @transform_3, window_bounds = array<i64: 4, 32>}, {transform_indices = @transform_4, window_bounds = array<i64: 8192, 32>}, {pipeline_mode = #tpu.pipeline_mode<synchronous>, transform_indices = @transform_5, window_bounds = array<i64: 8, 32>}]} {
    %get3A = arith.constant 0 : index
    %get3A_0 = arith.constant 0 : index
    %get3A_1 = vector.load %arg1[%get3A, %get3A_0] : memref<8192x32xf32, #tpu.memory_space<vmem>>, vector<8192x32xf32>
    %get3A_2 = arith.constant 0 : index
    %get3A_3 = arith.constant 0 : index
    %get3A_4 = vector.load %arg4[%get3A_2, %get3A_3] : memref<4x32xf32, #tpu.memory_space<vmem>>, vector<1x32xf32>
    %get3A_5 = vector.shape_cast %get3A_4 : vector<1x32xf32> to vector<32xf32>
    %broadcast_in_dim3A = vector.shape_cast %get3A_5 : vector<32xf32> to vector<1x32xf32>
    %get3A_6 = arith.constant 1 : index
    %get3A_7 = arith.constant 0 : index
    %get3A_8 = vector.load %arg4[%get3A_6, %get3A_7] : memref<4x32xf32, #tpu.memory_space<vmem>>, vector<1x32xf32>
    %get3A_9 = vector.shape_cast %get3A_8 : vector<1x32xf32> to vector<32xf32>
    %broadcast_in_dim3A_10 = vector.shape_cast %get3A_9 : vector<32xf32> to vector<1x32xf32>
    %get3A_11 = arith.constant 2 : index
    %get3A_12 = arith.constant 0 : index
    %get3A_13 = vector.load %arg4[%get3A_11, %get3A_12] : memref<4x32xf32, #tpu.memory_space<vmem>>, vector<1x32xf32>
    %get3A_14 = vector.shape_cast %get3A_13 : vector<1x32xf32> to vector<32xf32>
    %broadcast_in_dim3A_15 = vector.shape_cast %get3A_14 : vector<32xf32> to vector<1x32xf32>
    %get3A_16 = arith.constant 3 : index
    %get3A_17 = arith.constant 0 : index
    %get3A_18 = vector.load %arg4[%get3A_16, %get3A_17] : memref<4x32xf32, #tpu.memory_space<vmem>>, vector<1x32xf32>
    %get3A_19 = vector.shape_cast %get3A_18 : vector<1x32xf32> to vector<32xf32>
    %broadcast_in_dim3A_20 = vector.shape_cast %get3A_19 : vector<32xf32> to vector<1x32xf32>
    %sub3A = vector.broadcast %broadcast_in_dim3A : vector<1x32xf32> to vector<8192x32xf32>
    %sub3A_21 = arith.subf %get3A_1, %sub3A : vector<8192x32xf32>
    %mul3A = vector.broadcast %broadcast_in_dim3A_10 : vector<1x32xf32> to vector<8192x32xf32>
    %mul3A_22 = arith.mulf %sub3A_21, %mul3A : vector<8192x32xf32>
    %mul3A_23 = vector.broadcast %broadcast_in_dim3A_15 : vector<1x32xf32> to vector<8192x32xf32>
    %mul3A_24 = arith.mulf %mul3A_22, %mul3A_23 : vector<8192x32xf32>
    %add3A = vector.broadcast %broadcast_in_dim3A_20 : vector<1x32xf32> to vector<8192x32xf32>
    %add3A_25 = arith.addf %mul3A_24, %add3A : vector<8192x32xf32>
    %max3A = arith.constant 0.000000e+00 : f32
    %max3A_26 = vector.broadcast %max3A : f32 to vector<8192x32xf32>
    %max3A_27 = arith.maximumf %add3A_25, %max3A_26 : vector<8192x32xf32>
    %get3A_28 = arith.constant 0 : index
    %get3A_29 = arith.constant 0 : index
    %get3A_30 = vector.load %arg2[%get3A_28, %get3A_29] : memref<32x32xf32, #tpu.memory_space<vmem>>, vector<32x32xf32>
    %dot_general3A = arith.constant dense<0.000000e+00> : vector<8192x32xf32>
    %dot_general3A_31 = tpu.matmul %max3A_27, %get3A_30, %dot_general3A {dimension_numbers = #tpu.dot_dimension_numbers<[1], [1], [0], [0], [0, 0, 1, 0], [], []>, transpose_lhs_hint = false} : vector<8192x32xf32>, vector<32x32xf32>, vector<8192x32xf32> -> vector<8192x32xf32>
    %get3A_32 = arith.constant 0 : index
    %get3A_33 = arith.constant 0 : index
    %get3A_34 = vector.load %arg3[%get3A_32, %get3A_33] : memref<8x32xf32, #tpu.memory_space<vmem>>, vector<1x32xf32>
    %get3A_35 = vector.shape_cast %get3A_34 : vector<1x32xf32> to vector<32xf32>
    %broadcast_in_dim3A_36 = vector.shape_cast %get3A_35 : vector<32xf32> to vector<1x32xf32>
    %add3A_37 = vector.broadcast %broadcast_in_dim3A_36 : vector<1x32xf32> to vector<8192x32xf32>
    %add3A_38 = arith.addf %dot_general3A_31, %add3A_37 : vector<8192x32xf32>
    %swap3A = arith.constant 0 : index
    %swap3A_39 = arith.constant 0 : index
    %swap3A_40 = vector.load %arg5[%swap3A, %swap3A_39] : memref<8192x32xf32, #tpu.memory_space<vmem>>, vector<8192x32xf32>
    tpu.vector_store %arg5[%swap3A, %swap3A_39], %add3A_38 {strides = array<i32>} : memref<8192x32xf32, #tpu.memory_space<vmem>>, vector<8192x32xf32>,
    %reduce_sum3A = arith.constant dense<0.000000e+00> : vector<32xf32>
    %reduce_sum3A_41 = vector.multi_reduction <add>, %add3A_38, %reduce_sum3A [0] : vector<8192x32xf32> to vector<32xf32>
    %mul3A_42 = arith.mulf %add3A_38, %add3A_38 : vector<8192x32xf32>
    %reduce_sum3A_43 = arith.constant dense<0.000000e+00> : vector<32xf32>
    %reduce_sum3A_44 = vector.multi_reduction <add>, %mul3A_42, %reduce_sum3A_43 [0] : vector<8192x32xf32> to vector<32xf32>
    %broadcast_in_dim3A_45 = vector.shape_cast %reduce_sum3A_41 : vector<32xf32> to vector<1x32xf32>
    %broadcast_in_dim3A_46 = vector.shape_cast %reduce_sum3A_44 : vector<32xf32> to vector<1x32xf32>
    %broadcast_in_dim3A_47 = arith.constant 0.000000e+00 : f32
    %broadcast_in_dim3A_48 = vector.broadcast %broadcast_in_dim3A_47 : f32 to vector<6x32xf32>
    %concatenate3A = tpu.concatenate %broadcast_in_dim3A_45, %broadcast_in_dim3A_46, %broadcast_in_dim3A_48 in 0 : vector<1x32xf32>, vector<1x32xf32>, vector<6x32xf32> -> vector<8x32xf32>
    %eq3A = arith.constant 0 : i32
    %eq3A_49 = arith.cmpi eq, %arg0, %eq3A : i32
    %convert_element_type3A = arith.extui %eq3A_49 : i1 to i32
    %cond3A = arith.constant 0 : i32
    %cond3A_50 = arith.cmpi ne, %convert_element_type3A, %cond3A : i32
    scf.if %cond3A_50 {
      %broadcast_in_dim3A_58 = arith.constant 0.000000e+00 : f32
      %broadcast_in_dim3A_59 = vector.broadcast %broadcast_in_dim3A_58 : f32 to vector<8x32xf32>
      %swap3A_60 = arith.constant 0 : index
      %swap3A_61 = arith.constant 0 : index
      %swap3A_62 = vector.load %arg6[%swap3A_60, %swap3A_61] : memref<8x32xf32, #tpu.memory_space<vmem>>, vector<8x32xf32>
      tpu.vector_store %arg6[%swap3A_60, %swap3A_61], %broadcast_in_dim3A_59 {strides = array<i32>} : memref<8x32xf32, #tpu.memory_space<vmem>>, vector<8x32xf32>,
    } else {
    }
    %get3A_51 = arith.constant 0 : index
    %get3A_52 = arith.constant 0 : index
    %get3A_53 = vector.load %arg6[%get3A_51, %get3A_52] : memref<8x32xf32, #tpu.memory_space<vmem>>, vector<8x32xf32>
    %add3A_54 = arith.addf %get3A_53, %concatenate3A : vector<8x32xf32>
    %swap3A_55 = arith.constant 0 : index
    %swap3A_56 = arith.constant 0 : index
    %swap3A_57 = vector.load %arg6[%swap3A_55, %swap3A_56] : memref<8x32xf32, #tpu.memory_space<vmem>>, vector<8x32xf32>
    tpu.vector_store %arg6[%swap3A_55, %swap3A_56], %add3A_54 {strides = array<i32>} : memref<8x32xf32, #tpu.memory_space<vmem>>, vector<8x32xf32>,
    return
  }
  func.func @transform_0(%arg0: i32) -> (i32, i32) {
    %c0_i32 = arith.constant 0 : i32
    %c0_i32_0 = arith.constant 0 : i32
    return %arg0, %c0_i32 : i32, i32
  }
  func.func @transform_1(%arg0: i32) -> (i32, i32) {
    %c0_i32 = arith.constant 0 : i32
    %c0_i32_0 = arith.constant 0 : i32
    %c0_i32_1 = arith.constant 0 : i32
    return %c0_i32, %c0_i32_0 : i32, i32
  }
  func.func @transform_2(%arg0: i32) -> (i32, i32) {
    %c0_i32 = arith.constant 0 : i32
    %c0_i32_0 = arith.constant 0 : i32
    %c0_i32_1 = arith.constant 0 : i32
    return %c0_i32, %c0_i32_0 : i32, i32
  }
  func.func @transform_3(%arg0: i32) -> (i32, i32) {
    %c0_i32 = arith.constant 0 : i32
    %c0_i32_0 = arith.constant 0 : i32
    %c0_i32_1 = arith.constant 0 : i32
    return %c0_i32, %c0_i32_0 : i32, i32
  }
  func.func @transform_4(%arg0: i32) -> (i32, i32) {
    %c0_i32 = arith.constant 0 : i32
    %c0_i32_0 = arith.constant 0 : i32
    return %arg0, %c0_i32 : i32, i32
  }
  func.func @transform_5(%arg0: i32) -> (i32, i32) {
    %c0_i32 = arith.constant 0 : i32
    %c0_i32_0 = arith.constant 0 : i32
    %c0_i32_1 = arith.constant 0 : i32
    return %c0_i32, %c0_i32_0 : i32, i32
  }
}

module attributes {stable_mosaic.version = 14 : i64} {
  func.func @_layer_body(%arg0: i32, %arg1: memref<8192x32xf32, #tpu.memory_space<vmem>>, %arg2: memref<64x32xf32, #tpu.memory_space<vmem>>, %arg3: memref<8x64xf32, #tpu.memory_space<vmem>>, %arg4: memref<4x32xf32, #tpu.memory_space<vmem>>, %arg5: memref<8192x64xf32, #tpu.memory_space<vmem>>, %arg6: memref<8x64xf32, #tpu.memory_space<vmem>>) attributes {dimension_semantics = [#tpu.dimension_semantics<arbitrary>], iteration_bounds = array<i64: 32>, scalar_prefetch = 0 : i64, scratch_operands = 0 : i64, tpu.core_type = #tpu.core_type<tc>, window_params = [{transform_indices = @transform_0, window_bounds = array<i64: 8192, 32>}, {pipeline_mode = #tpu.pipeline_mode<synchronous>, transform_indices = @transform_1, window_bounds = array<i64: 64, 32>}, {pipeline_mode = #tpu.pipeline_mode<synchronous>, transform_indices = @transform_2, window_bounds = array<i64: 8, 64>}, {pipeline_mode = #tpu.pipeline_mode<synchronous>, transform_indices = @transform_3, window_bounds = array<i64: 4, 32>}, {transform_indices = @transform_4, window_bounds = array<i64: 8192, 64>}, {pipeline_mode = #tpu.pipeline_mode<synchronous>, transform_indices = @transform_5, window_bounds = array<i64: 8, 64>}]} {
    %get3A = arith.constant 0 : index
    %get3A_0 = arith.constant 0 : index
    %get3A_1 = vector.load %arg1[%get3A, %get3A_0] : memref<8192x32xf32, #tpu.memory_space<vmem>>, vector<8192x32xf32>
    %get3A_2 = arith.constant 0 : index
    %get3A_3 = arith.constant 0 : index
    %get3A_4 = vector.load %arg4[%get3A_2, %get3A_3] : memref<4x32xf32, #tpu.memory_space<vmem>>, vector<1x32xf32>
    %get3A_5 = vector.shape_cast %get3A_4 : vector<1x32xf32> to vector<32xf32>
    %broadcast_in_dim3A = vector.shape_cast %get3A_5 : vector<32xf32> to vector<1x32xf32>
    %get3A_6 = arith.constant 1 : index
    %get3A_7 = arith.constant 0 : index
    %get3A_8 = vector.load %arg4[%get3A_6, %get3A_7] : memref<4x32xf32, #tpu.memory_space<vmem>>, vector<1x32xf32>
    %get3A_9 = vector.shape_cast %get3A_8 : vector<1x32xf32> to vector<32xf32>
    %broadcast_in_dim3A_10 = vector.shape_cast %get3A_9 : vector<32xf32> to vector<1x32xf32>
    %get3A_11 = arith.constant 2 : index
    %get3A_12 = arith.constant 0 : index
    %get3A_13 = vector.load %arg4[%get3A_11, %get3A_12] : memref<4x32xf32, #tpu.memory_space<vmem>>, vector<1x32xf32>
    %get3A_14 = vector.shape_cast %get3A_13 : vector<1x32xf32> to vector<32xf32>
    %broadcast_in_dim3A_15 = vector.shape_cast %get3A_14 : vector<32xf32> to vector<1x32xf32>
    %get3A_16 = arith.constant 3 : index
    %get3A_17 = arith.constant 0 : index
    %get3A_18 = vector.load %arg4[%get3A_16, %get3A_17] : memref<4x32xf32, #tpu.memory_space<vmem>>, vector<1x32xf32>
    %get3A_19 = vector.shape_cast %get3A_18 : vector<1x32xf32> to vector<32xf32>
    %broadcast_in_dim3A_20 = vector.shape_cast %get3A_19 : vector<32xf32> to vector<1x32xf32>
    %sub3A = vector.broadcast %broadcast_in_dim3A : vector<1x32xf32> to vector<8192x32xf32>
    %sub3A_21 = arith.subf %get3A_1, %sub3A : vector<8192x32xf32>
    %mul3A = vector.broadcast %broadcast_in_dim3A_10 : vector<1x32xf32> to vector<8192x32xf32>
    %mul3A_22 = arith.mulf %sub3A_21, %mul3A : vector<8192x32xf32>
    %mul3A_23 = vector.broadcast %broadcast_in_dim3A_15 : vector<1x32xf32> to vector<8192x32xf32>
    %mul3A_24 = arith.mulf %mul3A_22, %mul3A_23 : vector<8192x32xf32>
    %add3A = vector.broadcast %broadcast_in_dim3A_20 : vector<1x32xf32> to vector<8192x32xf32>
    %add3A_25 = arith.addf %mul3A_24, %add3A : vector<8192x32xf32>
    %max3A = arith.constant 0.000000e+00 : f32
    %max3A_26 = vector.broadcast %max3A : f32 to vector<8192x32xf32>
    %max3A_27 = arith.maximumf %add3A_25, %max3A_26 : vector<8192x32xf32>
    %get3A_28 = arith.constant 0 : index
    %get3A_29 = arith.constant 0 : index
    %get3A_30 = vector.load %arg2[%get3A_28, %get3A_29] : memref<64x32xf32, #tpu.memory_space<vmem>>, vector<64x32xf32>
    %dot_general3A = arith.constant dense<0.000000e+00> : vector<8192x64xf32>
    %dot_general3A_31 = tpu.matmul %max3A_27, %get3A_30, %dot_general3A {dimension_numbers = #tpu.dot_dimension_numbers<[1], [1], [0], [0], [0, 0, 1, 0], [], []>, transpose_lhs_hint = false} : vector<8192x32xf32>, vector<64x32xf32>, vector<8192x64xf32> -> vector<8192x64xf32>
    %get3A_32 = arith.constant 0 : index
    %get3A_33 = arith.constant 0 : index
    %get3A_34 = vector.load %arg3[%get3A_32, %get3A_33] : memref<8x64xf32, #tpu.memory_space<vmem>>, vector<1x64xf32>
    %get3A_35 = vector.shape_cast %get3A_34 : vector<1x64xf32> to vector<64xf32>
    %broadcast_in_dim3A_36 = vector.shape_cast %get3A_35 : vector<64xf32> to vector<1x64xf32>
    %add3A_37 = vector.broadcast %broadcast_in_dim3A_36 : vector<1x64xf32> to vector<8192x64xf32>
    %add3A_38 = arith.addf %dot_general3A_31, %add3A_37 : vector<8192x64xf32>
    %swap3A = arith.constant 0 : index
    %swap3A_39 = arith.constant 0 : index
    %swap3A_40 = vector.load %arg5[%swap3A, %swap3A_39] : memref<8192x64xf32, #tpu.memory_space<vmem>>, vector<8192x64xf32>
    tpu.vector_store %arg5[%swap3A, %swap3A_39], %add3A_38 {strides = array<i32>} : memref<8192x64xf32, #tpu.memory_space<vmem>>, vector<8192x64xf32>,
    %reduce_sum3A = arith.constant dense<0.000000e+00> : vector<64xf32>
    %reduce_sum3A_41 = vector.multi_reduction <add>, %add3A_38, %reduce_sum3A [0] : vector<8192x64xf32> to vector<64xf32>
    %mul3A_42 = arith.mulf %add3A_38, %add3A_38 : vector<8192x64xf32>
    %reduce_sum3A_43 = arith.constant dense<0.000000e+00> : vector<64xf32>
    %reduce_sum3A_44 = vector.multi_reduction <add>, %mul3A_42, %reduce_sum3A_43 [0] : vector<8192x64xf32> to vector<64xf32>
    %broadcast_in_dim3A_45 = vector.shape_cast %reduce_sum3A_41 : vector<64xf32> to vector<1x64xf32>
    %broadcast_in_dim3A_46 = vector.shape_cast %reduce_sum3A_44 : vector<64xf32> to vector<1x64xf32>
    %broadcast_in_dim3A_47 = arith.constant 0.000000e+00 : f32
    %broadcast_in_dim3A_48 = vector.broadcast %broadcast_in_dim3A_47 : f32 to vector<6x64xf32>
    %concatenate3A = tpu.concatenate %broadcast_in_dim3A_45, %broadcast_in_dim3A_46, %broadcast_in_dim3A_48 in 0 : vector<1x64xf32>, vector<1x64xf32>, vector<6x64xf32> -> vector<8x64xf32>
    %eq3A = arith.constant 0 : i32
    %eq3A_49 = arith.cmpi eq, %arg0, %eq3A : i32
    %convert_element_type3A = arith.extui %eq3A_49 : i1 to i32
    %cond3A = arith.constant 0 : i32
    %cond3A_50 = arith.cmpi ne, %convert_element_type3A, %cond3A : i32
    scf.if %cond3A_50 {
      %broadcast_in_dim3A_58 = arith.constant 0.000000e+00 : f32
      %broadcast_in_dim3A_59 = vector.broadcast %broadcast_in_dim3A_58 : f32 to vector<8x64xf32>
      %swap3A_60 = arith.constant 0 : index
      %swap3A_61 = arith.constant 0 : index
      %swap3A_62 = vector.load %arg6[%swap3A_60, %swap3A_61] : memref<8x64xf32, #tpu.memory_space<vmem>>, vector<8x64xf32>
      tpu.vector_store %arg6[%swap3A_60, %swap3A_61], %broadcast_in_dim3A_59 {strides = array<i32>} : memref<8x64xf32, #tpu.memory_space<vmem>>, vector<8x64xf32>,
    } else {
    }
    %get3A_51 = arith.constant 0 : index
    %get3A_52 = arith.constant 0 : index
    %get3A_53 = vector.load %arg6[%get3A_51, %get3A_52] : memref<8x64xf32, #tpu.memory_space<vmem>>, vector<8x64xf32>
    %add3A_54 = arith.addf %get3A_53, %concatenate3A : vector<8x64xf32>
    %swap3A_55 = arith.constant 0 : index
    %swap3A_56 = arith.constant 0 : index
    %swap3A_57 = vector.load %arg6[%swap3A_55, %swap3A_56] : memref<8x64xf32, #tpu.memory_space<vmem>>, vector<8x64xf32>
    tpu.vector_store %arg6[%swap3A_55, %swap3A_56], %add3A_54 {strides = array<i32>} : memref<8x64xf32, #tpu.memory_space<vmem>>, vector<8x64xf32>,
    return
  }
  func.func @transform_0(%arg0: i32) -> (i32, i32) {
    %c0_i32 = arith.constant 0 : i32
    %c0_i32_0 = arith.constant 0 : i32
    return %arg0, %c0_i32 : i32, i32
  }
  func.func @transform_1(%arg0: i32) -> (i32, i32) {
    %c0_i32 = arith.constant 0 : i32
    %c0_i32_0 = arith.constant 0 : i32
    %c0_i32_1 = arith.constant 0 : i32
    return %c0_i32, %c0_i32_0 : i32, i32
  }
  func.func @transform_2(%arg0: i32) -> (i32, i32) {
    %c0_i32 = arith.constant 0 : i32
    %c0_i32_0 = arith.constant 0 : i32
    %c0_i32_1 = arith.constant 0 : i32
    return %c0_i32, %c0_i32_0 : i32, i32
  }
  func.func @transform_3(%arg0: i32) -> (i32, i32) {
    %c0_i32 = arith.constant 0 : i32
    %c0_i32_0 = arith.constant 0 : i32
    %c0_i32_1 = arith.constant 0 : i32
    return %c0_i32, %c0_i32_0 : i32, i32
  }
  func.func @transform_4(%arg0: i32) -> (i32, i32) {
    %c0_i32 = arith.constant 0 : i32
    %c0_i32_0 = arith.constant 0 : i32
    return %arg0, %c0_i32 : i32, i32
  }
  func.func @transform_5(%arg0: i32) -> (i32, i32) {
    %c0_i32 = arith.constant 0 : i32
    %c0_i32_0 = arith.constant 0 : i32
    %c0_i32_1 = arith.constant 0 : i32
    return %c0_i32, %c0_i32_0 : i32, i32
  }
}

module attributes {stable_mosaic.version = 14 : i64} {
  func.func @_final_body(%arg0: i32, %arg1: memref<4x64xf32, #tpu.memory_space<vmem>>, %arg2: memref<256x32x64xf32, #tpu.memory_space<vmem>>, %arg3: memref<256x64xf32, #tpu.memory_space<vmem>>) attributes {dimension_semantics = [#tpu.dimension_semantics<arbitrary>], iteration_bounds = array<i64: 32>, scalar_prefetch = 0 : i64, scratch_operands = 0 : i64, tpu.core_type = #tpu.core_type<tc>, window_params = [{pipeline_mode = #tpu.pipeline_mode<synchronous>, transform_indices = @transform_0, window_bounds = array<i64: 4, 64>}, {transform_indices = @transform_1, window_bounds = array<i64: 256, 32, 64>}, {transform_indices = @transform_2, window_bounds = array<i64: 256, 64>}]} {
    %get3A = arith.constant 0 : index
    %get3A_0 = arith.constant 0 : index
    %get3A_1 = vector.load %arg1[%get3A, %get3A_0] : memref<4x64xf32, #tpu.memory_space<vmem>>, vector<1x64xf32>
    %get3A_2 = vector.shape_cast %get3A_1 : vector<1x64xf32> to vector<64xf32>
    %broadcast_in_dim3A = vector.shape_cast %get3A_2 : vector<64xf32> to vector<1x1x64xf32>
    %get3A_3 = arith.constant 1 : index
    %get3A_4 = arith.constant 0 : index
    %get3A_5 = vector.load %arg1[%get3A_3, %get3A_4] : memref<4x64xf32, #tpu.memory_space<vmem>>, vector<1x64xf32>
    %get3A_6 = vector.shape_cast %get3A_5 : vector<1x64xf32> to vector<64xf32>
    %broadcast_in_dim3A_7 = vector.shape_cast %get3A_6 : vector<64xf32> to vector<1x1x64xf32>
    %get3A_8 = arith.constant 2 : index
    %get3A_9 = arith.constant 0 : index
    %get3A_10 = vector.load %arg1[%get3A_8, %get3A_9] : memref<4x64xf32, #tpu.memory_space<vmem>>, vector<1x64xf32>
    %get3A_11 = vector.shape_cast %get3A_10 : vector<1x64xf32> to vector<64xf32>
    %broadcast_in_dim3A_12 = vector.shape_cast %get3A_11 : vector<64xf32> to vector<1x1x64xf32>
    %get3A_13 = arith.constant 3 : index
    %get3A_14 = arith.constant 0 : index
    %get3A_15 = vector.load %arg1[%get3A_13, %get3A_14] : memref<4x64xf32, #tpu.memory_space<vmem>>, vector<1x64xf32>
    %get3A_16 = vector.shape_cast %get3A_15 : vector<1x64xf32> to vector<64xf32>
    %broadcast_in_dim3A_17 = vector.shape_cast %get3A_16 : vector<64xf32> to vector<1x1x64xf32>
    %get3A_18 = arith.constant 0 : index
    %get3A_19 = arith.constant 0 : index
    %get3A_20 = arith.constant 0 : index
    %get3A_21 = vector.load %arg2[%get3A_18, %get3A_19, %get3A_20] : memref<256x32x64xf32, #tpu.memory_space<vmem>>, vector<256x32x64xf32>
    %sub3A = vector.broadcast %broadcast_in_dim3A : vector<1x1x64xf32> to vector<256x32x64xf32>
    %sub3A_22 = arith.subf %get3A_21, %sub3A : vector<256x32x64xf32>
    %mul3A = vector.broadcast %broadcast_in_dim3A_7 : vector<1x1x64xf32> to vector<256x32x64xf32>
    %mul3A_23 = arith.mulf %sub3A_22, %mul3A : vector<256x32x64xf32>
    %mul3A_24 = vector.broadcast %broadcast_in_dim3A_12 : vector<1x1x64xf32> to vector<256x32x64xf32>
    %mul3A_25 = arith.mulf %mul3A_23, %mul3A_24 : vector<256x32x64xf32>
    %add3A = vector.broadcast %broadcast_in_dim3A_17 : vector<1x1x64xf32> to vector<256x32x64xf32>
    %add3A_26 = arith.addf %mul3A_25, %add3A : vector<256x32x64xf32>
    %max3A = arith.constant 0.000000e+00 : f32
    %max3A_27 = vector.broadcast %max3A : f32 to vector<256x32x64xf32>
    %max3A_28 = arith.maximumf %add3A_26, %max3A_27 : vector<256x32x64xf32>
    %reduce_max3A = arith.constant dense<0xFF800000> : vector<256x64xf32>
    %reduce_max3A_29 = vector.multi_reduction <maximumf>, %max3A_28, %reduce_max3A [1] : vector<256x32x64xf32> to vector<256x64xf32>
    %swap3A = arith.constant 0 : index
    %swap3A_30 = arith.constant 0 : index
    %swap3A_31 = vector.load %arg3[%swap3A, %swap3A_30] : memref<256x64xf32, #tpu.memory_space<vmem>>, vector<256x64xf32>
    tpu.vector_store %arg3[%swap3A, %swap3A_30], %reduce_max3A_29 {strides = array<i32>} : memref<256x64xf32, #tpu.memory_space<vmem>>, vector<256x64xf32>,
    return
  }
  func.func @transform_0(%arg0: i32) -> (i32, i32) {
    %c0_i32 = arith.constant 0 : i32
    %c0_i32_0 = arith.constant 0 : i32
    %c0_i32_1 = arith.constant 0 : i32
    return %c0_i32, %c0_i32_0 : i32, i32
  }
  func.func @transform_1(%arg0: i32) -> (i32, i32, i32) {
    %c0_i32 = arith.constant 0 : i32
    %c0_i32_0 = arith.constant 0 : i32
    %c0_i32_1 = arith.constant 0 : i32
    return %arg0, %c0_i32, %c0_i32_0 : i32, i32, i32
  }
  func.func @transform_2(%arg0: i32) -> (i32, i32) {
    %c0_i32 = arith.constant 0 : i32
    %c0_i32_0 = arith.constant 0 : i32
    return %arg0, %c0_i32 : i32, i32
  }
}

</mosaic_0001>

<sc_bundles>
// kernel: gather_offload_async_start.1
scs
__scs_entry_jumppad:
0x0: {  	(pc) =	sbr.rel $0x88, $3  }
0x1: {  	(tag) =	ssettag $0x0;
	lr =	simm.s32 $0x1  }
0x2: {  	[smem:$0x3F93] =	sst lr;
	_ =	strace $0xD0000000  }
0x3: {  	_ = 	snop  }
0x4: {  	_ = 	snop  }
0x5: {  	_ = 	snop  }
0x6: {  	_ = 	snop  }
0x7: {  	_ = 	snop  }
__scs_overlays_trampoline_lowered:
0x8: {  	[smem:$0x3FA2] =	sst s0  }
0x9: {  	[smem:$0x3FA3] =	sst s1  }
0xa: {  	[smem:$0x3FA4] =	sst s2  }
0xb: {  	[smem:$0x3FA5] =	sst s3  }
0xc: {  	[smem:$0x3FA6] =	sst s4  }
0xd: {  	[smem:$0x3FA7] =	sst s5  }
0xe: {  	[smem:$0x3FA8] =	sst s6  }
0xf: {  	[smem:$0x3FA9] =	sst s7  }
0x10: {  	[smem:$0x3FAA] =	sst s8  }
0x11: {  	[smem:$0x3FAB] =	sst s9;
	s0 =	simm.s32 @!p0 $0x0  }
0x12: {  	s1 =	sld [smem:$0x3F91];
	s0 =	simm.s32 @p0 $0x1  }
0x13: {  	[smem:$0x3FAC] =	sst s0;
	s0 =	simm.s32 @!p1 $0x0  }
0x14: {  	s2 =	sld [smem:$0x3F90];
	s0 =	simm.s32 @p1 $0x1  }
0x15: {  	[smem:$0x3FAD] =	sst s0;
	s0 =	simm.s32 @!p2 $0x0  }
0x16: {  	s3 =	sld [smem:$0x3FDB];
	s0 =	simm.s32 @p2 $0x1  }
0x17: {  	s4 =	simm.s32 $0x1BF5;
	[smem:$0x3FAF] =	sst s0  }
0x18: {  	s0 =	sld [smem:$0x3F92];
	_ =	swait.ge [sflag:s4], $0x0  }
0x19: {  	s7 =	sld [smem:$0x3F93]  }
0x1a: {  	s8 =	sadd.s32 $0xFFFFE003, lr  }
0x1b: {  	s9 =	sadd.s32 $0xFFFFFEF7, lr;
	s5 =	simm.s32 $0xFFFFFFFF;
	p2 =	slt.u32 s8, $0xFFFFF086  }
0x1c: {  	p1 =	slt.u32 s9, $0xF7A;
	s5 =	simm.s32 @!p2 $0x0  }
0x1d: {  	s5 =	simm.s32 @p1 $0x1;
	p0 =	seq.s32 s7, s2  }
0x1e: {  	s7 =	smul.u32 @!p0 $0xF7A, s2;
	p2 =	seq.s32 @!p0 s5, $0x0  }
0x1f: {  	s9 =	smul.u32 $0xF7A, s1;
	s8 =	simm.s32 @!p0 $0x1BF5;
	p2 =	por !p2, p0  }
0x20: {  	[sflag:s8] =	ssyncset.s32 @!p0 $0xFFFFF086;
	s6 =	sadd.s32 @!p0 s3, s7;
	s7 =	simm.s32 @!p0 $0x108  }
0x21: {  	s3 =	sadd.s32 s3, s9;
	s6 =	sadd.s32 @!p0 $0x88, s6;
	s7 =	simm.s32 @p2 $0x1082  }
0x22: {  	[simem:s7], [sflag:s8] =	dma.local @!p0 [hbm:s6], $0xF7A  }
0x23: {  	s9 =	sor.u32 $0xD0000000, s2;
	s6 =	simm.s32 $0x108;
	_ =	swait.ge @!p0 [sflag:s8], $0x0  }
0x24: {  	s3 =	sadd.s32 $0x88, s3;
	s6 =	simm.s32 @!p1 $0x1082;
	[sflag:s4] =	ssyncset.s32 $0xFFFFF086  }
0x25: {  	[simem:s6], [sflag:s4] =	dma.local [hbm:s3], $0xF7A  }
0x26: {  	[smem:$0x3F93] =	sst s1;
	(tag) =	ssettag s2;
	_ =	strace s9  }
0x27: {  	s1 =	sld [smem:$0x3FA3]  }
0x28: {  	s2 =	sld [smem:$0x3FA4]  }
0x29: {  	s4 =	sld [smem:$0x3FA6]  }
0x2a: {  	p0 =	seq.s32 s5, $0x0;
	s5 =	sld [smem:$0x3FA7]  }
0x2b: {  	s6 =	sld [smem:$0x3FA8]  }
0x2c: {  	s7 =	sld [smem:$0x3FA9]  }
0x2d: {  	s3 =	simm.s32 $0x108;
	s8 =	sld [smem:$0x3FAA]  }
0x2e: {  	s3 =	simm.s32 @!p0 $0x1082;
	s9 =	sld [smem:$0x3FAB]  }
0x2f: {  	lr =	sadd.s32 s0, s3;
	s0 =	sld [smem:$0x3FA2]  }
0x30: {  	s3 =	sld [smem:$0x3FA5]  }
0x31: {  	[smem:$0x3FAE] =	sst s10  }
0x32: {  	s10 =	sld [smem:$0x3FAC];
	_ =	sdelay $0x3  }
0x33: {  	p0 =	seq.s32 s10, $0x1;
	s10 =	sld [smem:$0x3FAE];
	_ =	sdelay $0x3  }
0x34: {  	[smem:$0x3FAE] =	sst s10  }
0x35: {  	s10 =	sld [smem:$0x3FAD];
	_ =	sdelay $0x3  }
0x36: {  	p1 =	seq.s32 s10, $0x1;
	s10 =	sld [smem:$0x3FAE];
	_ =	sdelay $0x3  }
0x37: {  	[smem:$0x3FAE] =	sst s10  }
0x38: {  	s10 =	sld [smem:$0x3FAF]  }
0x39: {  	_ = 	snop;
	(pc) =	sbr.ind lr, $3  }
0x3a: {  	_ = 	snop  }
0x3b: {  	_ = 	snop  }
0x3c: {  	p2 =	seq.s32 s10, $0x1;
	s10 =	sld [smem:$0x3FAE]  }
0x3d: {  	_ =	shalt  }
0x3e: {  	_ =	shalt  }
0x3f: {  	_ =	shalt  }
0x40: {  	_ =	shalt  }
0x41: {  	_ =	shalt  }
0x42: {  	_ =	shalt  }
0x43: {  	_ =	shalt  }
0x44: {  	_ =	shalt  }
0x45: {  	_ =	shalt  }
0x46: {  	_ =	shalt  }
0x47: {  	_ =	shalt  }
0x48: {  	_ =	shalt  }
0x49: {  	_ =	shalt  }
0x4a: {  	_ =	shalt  }
0x4b: {  	_ =	shalt  }
0x4c: {  	_ =	shalt  }
0x4d: {  	_ =	shalt  }
0x4e: {  	_ =	shalt  }
0x4f: {  	_ =	shalt  }
0x50: {  	_ =	shalt  }
0x51: {  	_ =	shalt  }
0x52: {  	_ =	shalt  }
0x53: {  	_ =	shalt  }
0x54: {  	_ =	shalt  }
0x55: {  	_ =	shalt  }
0x56: {  	_ =	shalt  }
0x57: {  	_ =	shalt  }
0x58: {  	_ =	shalt  }
0x59: {  	_ =	shalt  }
0x5a: {  	_ =	shalt  }
0x5b: {  	_ =	shalt  }
0x5c: {  	_ =	shalt  }
0x5d: {  	_ =	shalt  }
0x5e: {  	_ =	shalt  }
0x5f: {  	_ =	shalt  }
0x60: {  	_ =	shalt  }
0x61: {  	_ =	shalt  }
0x62: {  	_ =	shalt  }
0x63: {  	_ =	shalt  }
0x64: {  	_ =	shalt  }
0x65: {  	_ =	shalt  }
0x66: {  	_ =	shalt  }
0x67: {  	_ =	shalt  }
0x68: {  	_ =	shalt  }
0x69: {  	_ =	shalt  }
0x6a: {  	_ =	shalt  }
0x6b: {  	_ =	shalt  }
0x6c: {  	_ =	shalt  }
0x6d: {  	_ =	shalt  }
0x6e: {  	_ =	shalt  }
0x6f: {  	_ =	shalt  }
0x70: {  	_ =	shalt  }
0x71: {  	_ =	shalt  }
0x72: {  	_ =	shalt  }
0x73: {  	_ =	shalt  }
0x74: {  	_ =	shalt  }
0x75: {  	_ =	shalt  }
0x76: {  	_ =	shalt  }
0x77: {  	_ =	shalt  }
0x78: {  	_ =	shalt  }
0x79: {  	_ =	shalt  }
0x7a: {  	_ =	shalt  }
0x7b: {  	_ =	shalt  }
0x7c: {  	_ =	shalt  }
0x7d: {  	_ =	shalt  }
0x7e: {  	_ =	shalt  }
0x7f: {  	_ =	shalt  }
0x80: {  	_ =	shalt  }
0x81: {  	_ =	shalt  }
0x82: {  	_ =	shalt  }
0x83: {  	_ =	shalt  }
0x84: {  	_ =	shalt  }
0x85: {  	_ =	shalt  }
0x86: {  	_ =	shalt  }
0x87: {  	_ =	shalt  }
.Lfunc_end0:
.L_simem_size_0:
called_computation.1_lowered:
.L_overlay_start_0:
0x88: {  	s2 =	sld [smem:$0x3FD9]  }
0x89: {  	s3 =	sld [smem:$0x3FFE];
	_ =	sdelay $0x1  }
0x8a: {  	s1 =	srdreg.scid  }
0x8b: {  	s0 =	sand.u32 $0x1, s1  }
0x8c: {  	s16 =	sshll.u32 s0, $0xA;
	s2 =	sadd.s32 s3, s2  }
0x8d: {  	s2 =	sadd.s32 s2, s16  }
0x8e: {  	[smem:$0x3FBA] =	sst s2  }
0x8f: {  	_ = 	snop  }
0x90: {  	(tm) =	ssettm $0x1  }
0x91: {  	s17 =	sld [smem:$0x3FFB];
	_ =	sdelay $0x3  }
0x92: {  	_ =	strace s17  }
0x93: {  	s2 =	sld [smem:$0x3FFC];
	_ =	sdelay $0x3  }
0x94: {  	_ =	strace s2  }
0x95: {  	s2 =	sld [smem:$0x3FFD];
	_ =	sdelay $0x3  }
0x96: {  	_ =	strace s2  }
0x97: {  	_ =	strace $0x8FFFFFFF  }
0x98: {  	s18 =	sld [smem:$0x3FDB];
	_ =	sdelay $0x1  }
0x99: {  	s19 =	simm.s32 $_scs_section_size  }
0x9a: {  	s4 =	simm.s32 $_size__tile_overlayer_lowered;
	s5 =	simm.s32 $_tile_overlayer_lowered  }
0x9b: {  	s22 =	simm.s32 $0x1BFF;
	s21 =	sshll.u32 s5, $0x1;
	s2 =	sadd.s32 s19, s18  }
0x9c: {  	s6 =	simm.s32 $0x0;
	s20 =	sshll.u32 s4, $0x1;
	s4 =	sadd.s32 s21, s2  }
0x9d: {  	[timem:s6], [sflag:s22] =	dma.local [hbm:s4], s20  }
0x9e: {  	_ =	swait.ge [sflag:s22], s20  }
0x9f: {  	s3 =	ssub.s32 $0x0, s20;
	[sflag:s22] =	ssyncset.done $0x0  }
0xa0: {  	[sflag:s22] =	ssyncadd.s32 s3;
	_ =	sdelay $0x1  }
0xa1: {  	s23 =	simm.s32 $0x1B8B  }
0xa2: {  	_ =	swait.ge [sflag:s23], $0x1  }
0xa3: {  	[sflag:s23] =	ssyncset.done $0x0  }
0xa4: {  	s25 =	simm.s32 $0x1B8E;
	s24 =	sld [smem:$0x3FFE];
	[sflag:s23] =	ssyncadd.s32 $0xFFFFFFFF  }
0xa5: {  	s26 =	simm.s32 $execute0_lowered;
	[smem:$0x3FD2] =	sst s25  }
0xa6: {  	s4 =	sshll.u32 s26, $0x1;
	_ =	strace $0x80000046;
	[dreg:$0x1] =	wrdreg $0xFFFFFFFF  }
0xa7: {  	s28 =	simm.s32 $_size_execute0_lowered;
	s2 =	sadd.s32 s2, s4;
	[dreg:$0x0] =	wrdreg $0x0  }
0xa8: {  	s4 =	sshll.u32 s28, $0x1;
	[dreg:$0x2] =	wrdreg s2  }
0xa9: {  	[dreg:$0x3] =	wrdreg s4  }
0xaa: {  	[dreg:$0x4] =	wrdreg $0xC0  }
0xab: {  	_ =	task [dreg:s6], $0x5FFFF  }
0xac: {  	[dreg:$0x1] =	wrdreg $0xFFFFFFFF  }
0xad: {  	[dreg:$0x0] =	wrdreg $0x60  }
0xae: {  	[dreg:$0x2] =	wrdreg s24  }
0xaf: {  	[dreg:$0x3] =	wrdreg $0x9  }
0xb0: {  	_ =	task.clear_ibuf [dreg:s6], $0x4FFFF;
	_ =	strace $0x90000046  }
0xb1: {  	s29 =	simm.s32 $0x9;
	_ =	strace $0x80000048  }
0xb2: {  	_ =	swait.ge [sflag:s29], $0x1  }
0xb3: {  	[sflag:s29] =	ssyncadd.s32 $0xFFFFFFFF  }
0xb4: {  	_ =	strace $0x90000048  }
0xb5: {  	_ =	sfence  }
0xb6: {  	s30 =	sld [smem:$0x0];
	_ =	sdelay $0x2  }
0xb7: {  	s31 =	sshll.u32 s1, $0xD;
	s1 =	sshrl.u32 s1, $0x2  }
0xb8: {  	s3 =	sand.u32 $0x4000, s31;
	s1 =	sadd.s32 s1, s30  }
0xb9: {  	s0 =	sor.u32 s3, s0;
	s1 =	sshll.u32 s1, $0x11  }
0xba: {  	s0 =	sor.u32 s1, s0  }
0xbb: {  	s0 =	sadd.s32 $0x8F2B, s0  }
0xbc: {  	[sflag:s0] =	ssyncadd.remote.s32 $0x1  }
0xbd: {  	_ =	sfence.sel $0xFFFF  }
0xbe: {  	[dreg:$0x0] =	wrdreg $0xFFFFFFFF;
	(pc) =	sbr.abs _section_cstart, $3  }
0xbf: {  	[dreg:$0x1] =	wrdreg $0xFFFFFFFF  }
0xc0: {  	_ =	task.clear_ibuf [dreg:s6], $0x2FFFF;
	_ =	strace $0x9FFFFFFF  }
0xc1: {  	(tm) =	ssettm $0x7FFFFFFF  }
tec
execute0_lowered:
.L_overlay_start_1:
0x0: {  	(tag) =	ssettag $0x1  }
0x1: {  	s7 =	rddreg [dreg:$0x0]  }
0x2: {  	s0 =	rddreg [dreg:$0x1];
	_ =	strace $0x80000047  }
0x3: {  	s1 =	srdreg.scid;
	s4 =	simm.s32 $0x1;
	s9 =	simm.s32 $0x3  }
0x4: {  	s12 =	simm.s32 $0x0;
	s10 =	simm.s32 $0x0;
	s5 =	sshll.u32 s1, $0x4  }
.Ltmp0:
0x5: {  	s1 =	stileid.u32;
	s5 =	sand.u32 $0x10, s5;
	(pc) =	sbr.rel .LBB2_1-.Ltmp0, $4  }
0x6: {  	s2 =	sadd.s32 $0x2600, s7;
	s3 =	sadd.s32 $0x2400, s7;
	s6 =	sor.u32 s1, s5  }
0x7: {  	[sflag:s4] =	ssyncpa.u1 $0x0;
	s5 =	simm.s32 $0x2;
	s6 =	sshll.u32 s6, $0x6  }
0x8: {  	s7 =	sadd.s32 $0x82600, s7;
	[sflag:s5] =	ssyncpa.u1 $0x0;
	s8 =	sadd.s32 $0x40, s6  }
0x9: {  	vm0 =	vmmov $0xffff;
	[sflag:s9] =	ssyncpa.u1 $0x0;
	s9 =	simm.s32 $0x40;
	s11 =	smov.u32 s6  }
.LBB2_9:
0xa: {  	p0 =	seq.s32 s10, $0x2  }
.Ltmp1:
0xb: {  	_ = 	snop;
	(pc) =	sbr.rel @p0 .LBB2_11-.Ltmp1, $1  }
0xc: {  	_ =	sdelay $0x3  }
.LBB2_10:
0xd: {  	s12 =	sadd.s32 $0x40, s11  }
0xe: {  	s13 =	smov.u32 s6;
	p0 =	slt.s32 s12, s8  }
0xf: {  	s13 =	smov.u32 @p0 s12  }
0x10: {  	s10 =	sadd.s32 $0x1, s10;
	s12 =	smov.u32 s11;
	s11 =	smov.u32 s13  }
.LBB2_1:
0x11: {  	p0 =	sne.s32 s10, $0x0  }
.Ltmp2:
0x12: {  	_ = 	snop;
	(pc) =	sbr.rel @!p0 .LBB2_2-.Ltmp2, $1  }
0x13: {  	_ =	sdelay $0x3  }
0x14: {  	s13 =	sand.u32 $0x1, s10  }
0x15: {  	p0 =	seq.s32 s13, $0x0  }
.Ltmp3:
0x16: {  	_ = 	snop;
	(pc) =	sbr.rel @p0 .LBB2_9-.Ltmp3, $1  }
0x17: {  	_ =	sdelay $0x3  }
0x18: {  	_ =	swait.ge [sflag:s5], $0x40  }
0x19: {  	[sflag:s5] =	ssyncset.done $0x0  }
0x1a: {  	s13 =	simm.s32 $0x0;
	[sflag:s5] =	ssyncadd.s32 $0xFFFFFFC0  }
0x1b: {  	v0 =	vld.msk [tilespmem:s13+$0x40 ss:$0x1], $0xffff;
	_ =	sdelay $0x4  }
0x1c: {  	vm1 =	vgt.s32 v0, $0x0  }
0x1d: {  	v0 =	vnsel vm1, $0x0, v0  }
0x1e: {  	v0 =	vmin.u32 v0, $0x1FFF  }
0x1f: {  	v0 =	vshll.u32 v0, $0x6;
	_ =	sdelay $0x3  }
0x20: {  	s14 =	simm.s32 $0x10;
	s13 =	simm.s32 $0x8080  }
0x21: {  	[tilespmem:s13], [sflag:$0x1] =	stream.indirect_vreg.gather [hbm:s2], $0x200, v0, vm0, $0x38;
	[tilespmem:$0x10080] =	vst v63  }
0x22: {  	v0 =	vld.msk [tilespmem:s14+$0x40 ss:$0x1], $0xffff;
	s14 =	simm.s32 $0x80  }
.LBB2_5:
0x23: {  	p0 =	sne.s32 s14, $0xC0;
	_ =	sdelay $0x4  }
0x24: {  	vm1 =	vgt.s32 v0, $0x0  }
0x25: {  	v0 =	vnsel vm1, $0x0, v0  }
0x26: {  	v0 =	vmin.u32 v0, $0x1FFF  }
0x27: {  	v0 =	vshll.u32 v0, $0x6;
	_ =	sdelay $0x1  }
.Ltmp4:
0x28: {  	(pc) =	sbr.rel @p0 .LBB2_5-.Ltmp4, $4  }
0x29: {  	_ = 	snop  }
0x2a: {  	s15 =	sshra.s32 s14, $0x2;
	s13 =	sadd.s32 $0x2000, s13  }
0x2b: {  	[tilespmem:s13], [sflag:$0x1] =	stream.indirect_vreg.gather [hbm:s2], $0x200, v0, vm0, $0x38;
	[tilespmem:$0x10080] =	vst v63  }
0x2c: {  	s14 =	sadd.s32 $0x40, s14;
	v0 =	vld.msk [tilespmem:s15+$0x40 ss:$0x1], $0xffff  }
0x2d: {  	_ =	sdelay $0x3  }
0x2e: {  	vm1 =	vgt.s32 v0, $0x0  }
0x2f: {  	v0 =	vnsel vm1, $0x0, v0  }
0x30: {  	v0 =	vmin.u32 v0, $0x1FFF  }
0x31: {  	v0 =	vshll.u32 v0, $0x6;
	_ =	sdelay $0x3  }
0x32: {  	s13 =	sadd.s32 $0x2000, s13  }
0x33: {  	[tilespmem:s13], [sflag:$0x1] =	stream.indirect_vreg.gather [hbm:s2], $0x200, v0, vm0, $0x38;
	[tilespmem:$0x10080] =	vst v63  }
0x34: {  	s12 =	sshll.u32 s12, $0x6;
	s14 =	simm.s32 $0x40;
	_ =	swait.ge [sflag:s4], $0x8000  }
0x35: {  	s15 =	simm.s32 $0x8280;
	s12 =	sadd.s32 s12, s7;
	[sflag:s4] =	ssyncset.done $0x0  }
0x36: {  	s16 =	sadd.s32 $0x0, s12;
	s13 =	simm.s32 $0x8080;
	[sflag:s4] =	ssyncadd.s32 $0xFFFF8000  }
.LBB2_7:
0x37: {  	[hbm:s16] =	stream.linear.scatter [tilespmem:s13], [sflag:$0x3], $0x200, $0x38;
	[tilespmem:$0x10080] =	vst v63  }
0x38: {  	s16 =	smov.u32 s14;
	s13 =	smov.u32 s15;
	p0 =	sne.s32 s14, $0xFC0  }
.Ltmp5:
0x39: {  	s14 =	sadd.s32 $0x40, s14;
	(pc) =	sbr.rel @p0 .LBB2_7-.Ltmp5, $2  }
0x3a: {  	_ =	sdelay $0x2  }
0x3b: {  	s15 =	sadd.s32 $0x200, s15;
	s16 =	sadd.s32 s16, s12  }
.Ltmp6:
0x3c: {  	(pc) =	sbr.rel .LBB2_9-.Ltmp6, $2  }
0x3d: {  	_ =	sdelay $0x2  }
0x3e: {  	[hbm:s16] =	stream.linear.scatter [tilespmem:s13], [sflag:$0x3], $0x200, $0x38;
	[tilespmem:$0x10080] =	vst v63  }
.LBB2_2:
.Ltmp7:
0x3f: {  	(pc) =	sbr.rel .LBB2_10-.Ltmp7, $4  }
0x40: {  	_ = 	snop  }
0x41: {  	s12 =	sshrl.u32 s11, $0x3  }
0x42: {  	s13 =	sand.u32 $0x7, s11;
	s12 =	sadd.s32 s3, s12  }
0x43: {  	[tilespmem:s9], [sflag:$0x2] =	stream.linear.gather [hbm4b:s12+s13], $0x40, $0x38;
	[tilespmem:$0x10080] =	vst v63  }
.LBB2_11:
0x44: {  	s2 =	simm.s32 $0x3  }
0x45: {  	_ =	swait.ge [sflag:s2], $0x8000  }
0x46: {  	[sflag:s2] =	ssyncset.done $0x0  }
0x47: {  	[sflag:s2] =	ssyncadd.s32 $0xFFFF8000  }
0x48: {  	_ =	sfence.sel $0x180000  }
0x49: {  	s3 =	simm.s32 $0x2;
	[bflag:$0x0] =	sbarrier.arrive $0xFFFF  }
0x4a: {  	[sflag:s3] =	ssyncpa.u1 $0x1  }
0x4b: {  	s31 =	simm.s32 $0x1;
	[sflag:s2] =	ssyncpa.u1 $0x1  }
0x4c: {  	[sflag:s31] =	ssyncpa.u1 $0x1  }
0x4d: {  	p0 =	sne.s32 s1, $0x0;
	_ =	strace $0x90000047  }
0x4e: {  	s0 =	sadd.s32 @!p0 $0x100000, s0;
	[bflag:$0x2] =	sbarrier.arrive $0xFFFF  }
0x4f: {  	[sflag:s0] =	ssyncadd.tile.s32 @!p0 $0x1;
	_ =	shalt  }
.Lfunc_end2:
_tile_overlayer_lowered:
.L_overlay_start_2:
0x50: {  	(tag) =	ssettag $0x2  }
0x51: {  	s0 =	rddreg [dreg:$0x0];
	s2 =	stileid.u32  }
0x52: {  	s1 =	rddreg [dreg:$0x1];
	p0 =	sne.s32 s2, $0x0  }
0x53: {  	s3 =	rddreg [dreg:$0x2];
	[bflag:$0x3] =	sbarrier.arrive $0xFFFF;
	s2 =	simm.s32 @!p0 $0x1C01  }
0x54: {  	[timem:s3], [sflag:s2] =	dma.local @!p0 [hbm:s0], s1  }
0x55: {  	s0 =	simm.s32 @!p0 $0x1  }
0x56: {  	_ =	swait.ge @!p0 [sflag:s0], s1  }
0x57: {  	s1 =	ssub.s32 @!p0 $0x0, s1;
	[sflag:s0] =	ssyncset.done @!p0 $0x0  }
0x58: {  	[sflag:s0] =	ssyncadd.s32 @!p0 s1  }
0x59: {  	[bflag:$0x3] =	sbarrier.arrive $0xFFFF  }
0x5a: {  	_ =	shalt  }

// kernel: gather_offload_async_start
scs
__scs_entry_jumppad:
0x0: {  	(pc) =	sbr.rel $0x88, $3  }
0x1: {  	(tag) =	ssettag $0x0;
	lr =	simm.s32 $0x1  }
0x2: {  	[smem:$0x3F93] =	sst lr;
	_ =	strace $0xD0000000  }
0x3: {  	_ = 	snop  }
0x4: {  	_ = 	snop  }
0x5: {  	_ = 	snop  }
0x6: {  	_ = 	snop  }
0x7: {  	_ = 	snop  }
__scs_overlays_trampoline_lowered:
0x8: {  	[smem:$0x3FA2] =	sst s0  }
0x9: {  	[smem:$0x3FA3] =	sst s1  }
0xa: {  	[smem:$0x3FA4] =	sst s2  }
0xb: {  	[smem:$0x3FA5] =	sst s3  }
0xc: {  	[smem:$0x3FA6] =	sst s4  }
0xd: {  	[smem:$0x3FA7] =	sst s5  }
0xe: {  	[smem:$0x3FA8] =	sst s6  }
0xf: {  	[smem:$0x3FA9] =	sst s7  }
0x10: {  	[smem:$0x3FAA] =	sst s8  }
0x11: {  	[smem:$0x3FAB] =	sst s9;
	s0 =	simm.s32 @!p0 $0x0  }
0x12: {  	s1 =	sld [smem:$0x3F91];
	s0 =	simm.s32 @p0 $0x1  }
0x13: {  	[smem:$0x3FAC] =	sst s0;
	s0 =	simm.s32 @!p1 $0x0  }
0x14: {  	s2 =	sld [smem:$0x3F90];
	s0 =	simm.s32 @p1 $0x1  }
0x15: {  	[smem:$0x3FAD] =	sst s0;
	s0 =	simm.s32 @!p2 $0x0  }
0x16: {  	s3 =	sld [smem:$0x3FDB];
	s0 =	simm.s32 @p2 $0x1  }
0x17: {  	s4 =	simm.s32 $0x1BF5;
	[smem:$0x3FAF] =	sst s0  }
0x18: {  	s0 =	sld [smem:$0x3F92];
	_ =	swait.ge [sflag:s4], $0x0  }
0x19: {  	s7 =	sld [smem:$0x3F93]  }
0x1a: {  	s8 =	sadd.s32 $0xFFFFE003, lr  }
0x1b: {  	s9 =	sadd.s32 $0xFFFFFEF7, lr;
	s5 =	simm.s32 $0xFFFFFFFF;
	p2 =	slt.u32 s8, $0xFFFFF086  }
0x1c: {  	p1 =	slt.u32 s9, $0xF7A;
	s5 =	simm.s32 @!p2 $0x0  }
0x1d: {  	s5 =	simm.s32 @p1 $0x1;
	p0 =	seq.s32 s7, s2  }
0x1e: {  	s7 =	smul.u32 @!p0 $0xF7A, s2;
	p2 =	seq.s32 @!p0 s5, $0x0  }
0x1f: {  	s9 =	smul.u32 $0xF7A, s1;
	s8 =	simm.s32 @!p0 $0x1BF5;
	p2 =	por !p2, p0  }
0x20: {  	[sflag:s8] =	ssyncset.s32 @!p0 $0xFFFFF086;
	s6 =	sadd.s32 @!p0 s3, s7;
	s7 =	simm.s32 @!p0 $0x108  }
0x21: {  	s3 =	sadd.s32 s3, s9;
	s6 =	sadd.s32 @!p0 $0x88, s6;
	s7 =	simm.s32 @p2 $0x1082  }
0x22: {  	[simem:s7], [sflag:s8] =	dma.local @!p0 [hbm:s6], $0xF7A  }
0x23: {  	s9 =	sor.u32 $0xD0000000, s2;
	s6 =	simm.s32 $0x108;
	_ =	swait.ge @!p0 [sflag:s8], $0x0  }
0x24: {  	s3 =	sadd.s32 $0x88, s3;
	s6 =	simm.s32 @!p1 $0x1082;
	[sflag:s4] =	ssyncset.s32 $0xFFFFF086  }
0x25: {  	[simem:s6], [sflag:s4] =	dma.local [hbm:s3], $0xF7A  }
0x26: {  	[smem:$0x3F93] =	sst s1;
	(tag) =	ssettag s2;
	_ =	strace s9  }
0x27: {  	s1 =	sld [smem:$0x3FA3]  }
0x28: {  	s2 =	sld [smem:$0x3FA4]  }
0x29: {  	s4 =	sld [smem:$0x3FA6]  }
0x2a: {  	p0 =	seq.s32 s5, $0x0;
	s5 =	sld [smem:$0x3FA7]  }
0x2b: {  	s6 =	sld [smem:$0x3FA8]  }
0x2c: {  	s7 =	sld [smem:$0x3FA9]  }
0x2d: {  	s3 =	simm.s32 $0x108;
	s8 =	sld [smem:$0x3FAA]  }
0x2e: {  	s3 =	simm.s32 @!p0 $0x1082;
	s9 =	sld [smem:$0x3FAB]  }
0x2f: {  	lr =	sadd.s32 s0, s3;
	s0 =	sld [smem:$0x3FA2]  }
0x30: {  	s3 =	sld [smem:$0x3FA5]  }
0x31: {  	[smem:$0x3FAE] =	sst s10  }
0x32: {  	s10 =	sld [smem:$0x3FAC];
	_ =	sdelay $0x3  }
0x33: {  	p0 =	seq.s32 s10, $0x1;
	s10 =	sld [smem:$0x3FAE];
	_ =	sdelay $0x3  }
0x34: {  	[smem:$0x3FAE] =	sst s10  }
0x35: {  	s10 =	sld [smem:$0x3FAD];
	_ =	sdelay $0x3  }
0x36: {  	p1 =	seq.s32 s10, $0x1;
	s10 =	sld [smem:$0x3FAE];
	_ =	sdelay $0x3  }
0x37: {  	[smem:$0x3FAE] =	sst s10  }
0x38: {  	s10 =	sld [smem:$0x3FAF]  }
0x39: {  	_ = 	snop;
	(pc) =	sbr.ind lr, $3  }
0x3a: {  	_ = 	snop  }
0x3b: {  	_ = 	snop  }
0x3c: {  	p2 =	seq.s32 s10, $0x1;
	s10 =	sld [smem:$0x3FAE]  }
0x3d: {  	_ =	shalt  }
0x3e: {  	_ =	shalt  }
0x3f: {  	_ =	shalt  }
0x40: {  	_ =	shalt  }
0x41: {  	_ =	shalt  }
0x42: {  	_ =	shalt  }
0x43: {  	_ =	shalt  }
0x44: {  	_ =	shalt  }
0x45: {  	_ =	shalt  }
0x46: {  	_ =	shalt  }
0x47: {  	_ =	shalt  }
0x48: {  	_ =	shalt  }
0x49: {  	_ =	shalt  }
0x4a: {  	_ =	shalt  }
0x4b: {  	_ =	shalt  }
0x4c: {  	_ =	shalt  }
0x4d: {  	_ =	shalt  }
0x4e: {  	_ =	shalt  }
0x4f: {  	_ =	shalt  }
0x50: {  	_ =	shalt  }
0x51: {  	_ =	shalt  }
0x52: {  	_ =	shalt  }
0x53: {  	_ =	shalt  }
0x54: {  	_ =	shalt  }
0x55: {  	_ =	shalt  }
0x56: {  	_ =	shalt  }
0x57: {  	_ =	shalt  }
0x58: {  	_ =	shalt  }
0x59: {  	_ =	shalt  }
0x5a: {  	_ =	shalt  }
0x5b: {  	_ =	shalt  }
0x5c: {  	_ =	shalt  }
0x5d: {  	_ =	shalt  }
0x5e: {  	_ =	shalt  }
0x5f: {  	_ =	shalt  }
0x60: {  	_ =	shalt  }
0x61: {  	_ =	shalt  }
0x62: {  	_ =	shalt  }
0x63: {  	_ =	shalt  }
0x64: {  	_ =	shalt  }
0x65: {  	_ =	shalt  }
0x66: {  	_ =	shalt  }
0x67: {  	_ =	shalt  }
0x68: {  	_ =	shalt  }
0x69: {  	_ =	shalt  }
0x6a: {  	_ =	shalt  }
0x6b: {  	_ =	shalt  }
0x6c: {  	_ =	shalt  }
0x6d: {  	_ =	shalt  }
0x6e: {  	_ =	shalt  }
0x6f: {  	_ =	shalt  }
0x70: {  	_ =	shalt  }
0x71: {  	_ =	shalt  }
0x72: {  	_ =	shalt  }
0x73: {  	_ =	shalt  }
0x74: {  	_ =	shalt  }
0x75: {  	_ =	shalt  }
0x76: {  	_ =	shalt  }
0x77: {  	_ =	shalt  }
0x78: {  	_ =	shalt  }
0x79: {  	_ =	shalt  }
0x7a: {  	_ =	shalt  }
0x7b: {  	_ =	shalt  }
0x7c: {  	_ =	shalt  }
0x7d: {  	_ =	shalt  }
0x7e: {  	_ =	shalt  }
0x7f: {  	_ =	shalt  }
0x80: {  	_ =	shalt  }
0x81: {  	_ =	shalt  }
0x82: {  	_ =	shalt  }
0x83: {  	_ =	shalt  }
0x84: {  	_ =	shalt  }
0x85: {  	_ =	shalt  }
0x86: {  	_ =	shalt  }
0x87: {  	_ =	shalt  }
.Lfunc_end0:
.L_simem_size_0:
called_computation_lowered:
.L_overlay_start_0:
0x88: {  	s2 =	sld [smem:$0x3FD9]  }
0x89: {  	s3 =	sld [smem:$0x3FFE];
	_ =	sdelay $0x1  }
0x8a: {  	s1 =	srdreg.scid  }
0x8b: {  	s0 =	sand.u32 $0x1, s1  }
0x8c: {  	s17 =	sshll.u32 s0, $0xA;
	s2 =	sadd.s32 s3, s2  }
0x8d: {  	s2 =	sadd.s32 s2, s17  }
0x8e: {  	[smem:$0x3FBA] =	sst s2  }
0x8f: {  	_ = 	snop  }
0x90: {  	(tm) =	ssettm $0x1  }
0x91: {  	s18 =	sld [smem:$0x3FFB];
	_ =	sdelay $0x3  }
0x92: {  	_ =	strace s18  }
0x93: {  	s2 =	sld [smem:$0x3FFC];
	_ =	sdelay $0x3  }
0x94: {  	_ =	strace s2  }
0x95: {  	s2 =	sld [smem:$0x3FFD];
	_ =	sdelay $0x3  }
0x96: {  	_ =	strace s2  }
0x97: {  	_ =	strace $0x8FFFFFFF  }
0x98: {  	s19 =	sld [smem:$0x3FDB];
	_ =	sdelay $0x1  }
0x99: {  	s20 =	simm.s32 $_scs_section_size  }
0x9a: {  	s4 =	simm.s32 $_size__tile_overlayer_lowered;
	s5 =	simm.s32 $_tile_overlayer_lowered  }
0x9b: {  	s6 =	simm.s32 $0x1BFF;
	s21 =	sshll.u32 s5, $0x1;
	s3 =	sadd.s32 s20, s19  }
0x9c: {  	s22 =	simm.s32 $0x0;
	s4 =	sshll.u32 s4, $0x1;
	s5 =	sadd.s32 s21, s3  }
0x9d: {  	[timem:s22], [sflag:s6] =	dma.local [hbm:s5], s4  }
0x9e: {  	_ =	swait.ge [sflag:s6], s4  }
0x9f: {  	s4 =	ssub.s32 $0x0, s4;
	[sflag:s6] =	ssyncset.done $0x0  }
0xa0: {  	[sflag:s6] =	ssyncadd.s32 s4;
	_ =	sdelay $0x1  }
0xa1: {  	s23 =	simm.s32 $0x1B8B  }
0xa2: {  	_ =	swait.ge [sflag:s23], $0x1  }
0xa3: {  	[sflag:s23] =	ssyncset.done $0x0  }
0xa4: {  	[sflag:s23] =	ssyncadd.s32 $0xFFFFFFFF  }
0xa5: {  	s4 =	sld [smem:$0x0]  }
0xa6: {  	s5 =	sand.u32 $0xFFFFFFFE, s1  }
0xa7: {  	p0 =	sne.s32 s1, s5  }
0xa8: {  	s5 =	sshll.u32 @p0 s5, $0xE  }
0xa9: {  	s5 =	sadd.s32 @p0 $0x11B8D, s5;
	s6 =	sshll.u32 @p0 s4, $0x11  }
0xaa: {  	s5 =	sor.u32 @p0 s6, s5  }
0xab: {  	[sflag:s5] =	ssyncadd.remote.s32 @p0 $0x1;
	_ =	sdelay $0x1  }
0xac: {  	s5 =	simm.s32 @p0 $0x1B8D  }
0xad: {  	_ =	swait.eq @p0 [sflag:s5], $0x1  }
0xae: {  	[sflag:s5] =	ssyncadd.s32 @p0 $0xFFFFFFFF  }
0xaf: {  	s6 =	sshll.u32 @!p0 s1, $0xE  }
0xb0: {  	s6 =	sor.u32 @!p0 $0x4000, s6;
	s5 =	simm.s32 @!p0 $0x1B8D  }
0xb1: {  	s4 =	sshll.u32 @!p0 s4, $0x11;
	s6 =	sadd.s32 @!p0 $0x11B8D, s6;
	_ =	swait.eq @!p0 [sflag:s5], $0x1  }
0xb2: {  	s4 =	sor.u32 @!p0 s4, s6;
	[sflag:s5] =	ssyncadd.s32 @!p0 $0xFFFFFFFF  }
0xb3: {  	s25 =	simm.s32 $0x1B8E;
	s24 =	sld [smem:$0x3FFE];
	[sflag:s4] =	ssyncadd.remote.s32 @!p0 $0x1  }
0xb4: {  	s26 =	simm.s32 $execute0_lowered;
	[smem:$0x3FD2] =	sst s25  }
0xb5: {  	s5 =	sshll.u32 s26, $0x1;
	_ =	strace $0x8000004C;
	[dreg:$0x1] =	wrdreg $0xFFFFFFFF  }
0xb6: {  	s28 =	simm.s32 $_size_execute0_lowered;
	s3 =	sadd.s32 s3, s5;
	[dreg:$0x0] =	wrdreg $0x0  }
0xb7: {  	s5 =	sshll.u32 s28, $0x1;
	[dreg:$0x2] =	wrdreg s3  }
0xb8: {  	[dreg:$0x3] =	wrdreg s5  }
0xb9: {  	[dreg:$0x4] =	wrdreg $0xC0  }
0xba: {  	_ =	task [dreg:s22], $0x5FFFF  }
0xbb: {  	[dreg:$0x1] =	wrdreg $0xFFFFFFFF  }
0xbc: {  	[dreg:$0x0] =	wrdreg $0x60  }
0xbd: {  	[dreg:$0x2] =	wrdreg s24  }
0xbe: {  	[dreg:$0x3] =	wrdreg $0x9  }
0xbf: {  	_ =	task.clear_ibuf [dreg:s22], $0x4FFFF;
	_ =	strace $0x9000004C  }
0xc0: {  	s29 =	simm.s32 $0x9;
	_ =	strace $0x8000004E  }
0xc1: {  	_ =	swait.ge [sflag:s29], $0x1  }
0xc2: {  	[sflag:s29] =	ssyncadd.s32 $0xFFFFFFFF  }
0xc3: {  	_ =	strace $0x9000004E  }
0xc4: {  	_ =	sfence  }
0xc5: {  	s30 =	sld [smem:$0x0];
	_ =	sdelay $0x2  }
0xc6: {  	s31 =	sshll.u32 s1, $0xD;
	s1 =	sshrl.u32 s1, $0x2  }
0xc7: {  	s4 =	sand.u32 $0x4000, s31;
	s1 =	sadd.s32 s1, s30  }
0xc8: {  	s0 =	sor.u32 s4, s0;
	s1 =	sshll.u32 s1, $0x11  }
0xc9: {  	s0 =	sor.u32 s1, s0  }
0xca: {  	s0 =	sadd.s32 $0x8F2B, s0  }
0xcb: {  	[sflag:s0] =	ssyncadd.remote.s32 $0x1  }
0xcc: {  	_ =	sfence.sel $0xFFFF  }
0xcd: {  	[dreg:$0x0] =	wrdreg $0xFFFFFFFF;
	(pc) =	sbr.abs _section_cstart, $3  }
0xce: {  	[dreg:$0x1] =	wrdreg $0xFFFFFFFF  }
0xcf: {  	_ =	task.clear_ibuf [dreg:s22], $0x2FFFF;
	_ =	strace $0x9FFFFFFF  }
0xd0: {  	(tm) =	ssettm $0x7FFFFFFF  }
0xd1: {  	_ =	shalt  }
tec
execute0_lowered:
.L_overlay_start_1:
0x0: {  	(tag) =	ssettag $0x1  }
0x1: {  	s7 =	rddreg [dreg:$0x0]  }
0x2: {  	s0 =	rddreg [dreg:$0x1];
	_ =	strace $0x8000004D  }
0x3: {  	s1 =	srdreg.scid;
	s4 =	simm.s32 $0x1;
	s9 =	simm.s32 $0x3  }
0x4: {  	s12 =	simm.s32 $0x0;
	s10 =	simm.s32 $0x0;
	s5 =	sshll.u32 s1, $0x4  }
.Ltmp0:
0x5: {  	s1 =	stileid.u32;
	s5 =	sand.u32 $0x10, s5;
	(pc) =	sbr.rel .LBB2_1-.Ltmp0, $4  }
0x6: {  	s2 =	sadd.s32 $0x802600, s7;
	s3 =	sadd.s32 $0x2400, s7;
	s6 =	sor.u32 s1, s5  }
0x7: {  	[sflag:s4] =	ssyncpa.u1 $0x0;
	s5 =	simm.s32 $0x2;
	s6 =	sshll.u32 s6, $0x6  }
0x8: {  	s7 =	sadd.s32 $0x8A2600, s7;
	[sflag:s5] =	ssyncpa.u1 $0x0;
	s8 =	sadd.s32 $0x40, s6  }
0x9: {  	vm0 =	vmmov $0xffff;
	[sflag:s9] =	ssyncpa.u1 $0x0;
	s9 =	simm.s32 $0x40;
	s11 =	smov.u32 s6  }
.LBB2_9:
0xa: {  	p0 =	seq.s32 s10, $0x2  }
.Ltmp1:
0xb: {  	_ = 	snop;
	(pc) =	sbr.rel @p0 .LBB2_11-.Ltmp1, $1  }
0xc: {  	_ =	sdelay $0x3  }
.LBB2_10:
0xd: {  	s12 =	sadd.s32 $0x40, s11  }
0xe: {  	s13 =	smov.u32 s6;
	p0 =	slt.s32 s12, s8  }
0xf: {  	s13 =	smov.u32 @p0 s12  }
0x10: {  	s10 =	sadd.s32 $0x1, s10;
	s12 =	smov.u32 s11;
	s11 =	smov.u32 s13  }
.LBB2_1:
0x11: {  	p0 =	sne.s32 s10, $0x0  }
.Ltmp2:
0x12: {  	_ = 	snop;
	(pc) =	sbr.rel @!p0 .LBB2_2-.Ltmp2, $1  }
0x13: {  	_ =	sdelay $0x3  }
0x14: {  	s13 =	sand.u32 $0x1, s10  }
0x15: {  	p0 =	seq.s32 s13, $0x0  }
.Ltmp3:
0x16: {  	_ = 	snop;
	(pc) =	sbr.rel @p0 .LBB2_9-.Ltmp3, $1  }
0x17: {  	_ =	sdelay $0x3  }
0x18: {  	_ =	swait.ge [sflag:s5], $0x40  }
0x19: {  	[sflag:s5] =	ssyncset.done $0x0  }
0x1a: {  	s13 =	simm.s32 $0x0;
	[sflag:s5] =	ssyncadd.s32 $0xFFFFFFC0  }
0x1b: {  	v0 =	vld.msk [tilespmem:s13+$0x40 ss:$0x1], $0xffff;
	_ =	sdelay $0x4  }
0x1c: {  	vm1 =	vgt.s32 v0, $0x0  }
0x1d: {  	v0 =	vnsel vm1, $0x0, v0  }
0x1e: {  	v0 =	vmin.u32 v0, $0x1FFF  }
0x1f: {  	v0 =	vshll.u32 v0, $0x6;
	_ =	sdelay $0x3  }
0x20: {  	s14 =	simm.s32 $0x10;
	s13 =	simm.s32 $0x8080  }
0x21: {  	[tilespmem:s13], [sflag:$0x1] =	stream.indirect_vreg.gather [hbm:s2], $0x200, v0, vm0, $0x38;
	[tilespmem:$0x10080] =	vst v63  }
0x22: {  	v0 =	vld.msk [tilespmem:s14+$0x40 ss:$0x1], $0xffff;
	s14 =	simm.s32 $0x80  }
.LBB2_5:
0x23: {  	p0 =	sne.s32 s14, $0xC0;
	_ =	sdelay $0x4  }
0x24: {  	vm1 =	vgt.s32 v0, $0x0  }
0x25: {  	v0 =	vnsel vm1, $0x0, v0  }
0x26: {  	v0 =	vmin.u32 v0, $0x1FFF  }
0x27: {  	v0 =	vshll.u32 v0, $0x6;
	_ =	sdelay $0x1  }
.Ltmp4:
0x28: {  	(pc) =	sbr.rel @p0 .LBB2_5-.Ltmp4, $4  }
0x29: {  	_ = 	snop  }
0x2a: {  	s15 =	sshra.s32 s14, $0x2;
	s13 =	sadd.s32 $0x2000, s13  }
0x2b: {  	[tilespmem:s13], [sflag:$0x1] =	stream.indirect_vreg.gather [hbm:s2], $0x200, v0, vm0, $0x38;
	[tilespmem:$0x10080] =	vst v63  }
0x2c: {  	s14 =	sadd.s32 $0x40, s14;
	v0 =	vld.msk [tilespmem:s15+$0x40 ss:$0x1], $0xffff  }
0x2d: {  	_ =	sdelay $0x3  }
0x2e: {  	vm1 =	vgt.s32 v0, $0x0  }
0x2f: {  	v0 =	vnsel vm1, $0x0, v0  }
0x30: {  	v0 =	vmin.u32 v0, $0x1FFF  }
0x31: {  	v0 =	vshll.u32 v0, $0x6;
	_ =	sdelay $0x3  }
0x32: {  	s13 =	sadd.s32 $0x2000, s13  }
0x33: {  	[tilespmem:s13], [sflag:$0x1] =	stream.indirect_vreg.gather [hbm:s2], $0x200, v0, vm0, $0x38;
	[tilespmem:$0x10080] =	vst v63  }
0x34: {  	s12 =	sshll.u32 s12, $0x6;
	s14 =	simm.s32 $0x40;
	_ =	swait.ge [sflag:s4], $0x8000  }
0x35: {  	s15 =	simm.s32 $0x8280;
	s12 =	sadd.s32 s12, s7;
	[sflag:s4] =	ssyncset.done $0x0  }
0x36: {  	s16 =	sadd.s32 $0x0, s12;
	s13 =	simm.s32 $0x8080;
	[sflag:s4] =	ssyncadd.s32 $0xFFFF8000  }
.LBB2_7:
0x37: {  	[hbm:s16] =	stream.linear.scatter [tilespmem:s13], [sflag:$0x3], $0x200, $0x38;
	[tilespmem:$0x10080] =	vst v63  }
0x38: {  	s16 =	smov.u32 s14;
	s13 =	smov.u32 s15;
	p0 =	sne.s32 s14, $0xFC0  }
.Ltmp5:
0x39: {  	s14 =	sadd.s32 $0x40, s14;
	(pc) =	sbr.rel @p0 .LBB2_7-.Ltmp5, $2  }
0x3a: {  	_ =	sdelay $0x2  }
0x3b: {  	s15 =	sadd.s32 $0x200, s15;
	s16 =	sadd.s32 s16, s12  }
.Ltmp6:
0x3c: {  	(pc) =	sbr.rel .LBB2_9-.Ltmp6, $2  }
0x3d: {  	_ =	sdelay $0x2  }
0x3e: {  	[hbm:s16] =	stream.linear.scatter [tilespmem:s13], [sflag:$0x3], $0x200, $0x38;
	[tilespmem:$0x10080] =	vst v63  }
.LBB2_2:
.Ltmp7:
0x3f: {  	(pc) =	sbr.rel .LBB2_10-.Ltmp7, $4  }
0x40: {  	_ = 	snop  }
0x41: {  	s12 =	sshrl.u32 s11, $0x3  }
0x42: {  	s13 =	sand.u32 $0x7, s11;
	s12 =	sadd.s32 s3, s12  }
0x43: {  	[tilespmem:s9], [sflag:$0x2] =	stream.linear.gather [hbm4b:s12+s13], $0x40, $0x38;
	[tilespmem:$0x10080] =	vst v63  }
.LBB2_11:
0x44: {  	s2 =	simm.s32 $0x3  }
0x45: {  	_ =	swait.ge [sflag:s2], $0x8000  }
0x46: {  	[sflag:s2] =	ssyncset.done $0x0  }
0x47: {  	[sflag:s2] =	ssyncadd.s32 $0xFFFF8000  }
0x48: {  	_ =	sfence.sel $0x180000  }
0x49: {  	s3 =	simm.s32 $0x2;
	[bflag:$0x0] =	sbarrier.arrive $0xFFFF  }
0x4a: {  	[sflag:s3] =	ssyncpa.u1 $0x1  }
0x4b: {  	s31 =	simm.s32 $0x1;
	[sflag:s2] =	ssyncpa.u1 $0x1  }
0x4c: {  	[sflag:s31] =	ssyncpa.u1 $0x1  }
0x4d: {  	p0 =	sne.s32 s1, $0x0;
	_ =	strace $0x9000004D  }
0x4e: {  	s0 =	sadd.s32 @!p0 $0x100000, s0;
	[bflag:$0x2] =	sbarrier.arrive $0xFFFF  }
0x4f: {  	[sflag:s0] =	ssyncadd.tile.s32 @!p0 $0x1;
	_ =	shalt  }
.Lfunc_end2:
_tile_overlayer_lowered:
.L_overlay_start_2:
0x50: {  	(tag) =	ssettag $0x2  }
0x51: {  	s0 =	rddreg [dreg:$0x0];
	s2 =	stileid.u32  }
0x52: {  	s1 =	rddreg [dreg:$0x1];
	p0 =	sne.s32 s2, $0x0  }
0x53: {  	s3 =	rddreg [dreg:$0x2];
	[bflag:$0x3] =	sbarrier.arrive $0xFFFF;
	s2 =	simm.s32 @!p0 $0x1C01  }
0x54: {  	[timem:s3], [sflag:s2] =	dma.local @!p0 [hbm:s0], s1  }
0x55: {  	s0 =	simm.s32 @!p0 $0x1  }
0x56: {  	_ =	swait.ge @!p0 [sflag:s0], s1  }
0x57: {  	s1 =	ssub.s32 @!p0 $0x0, s1;
	[sflag:s0] =	ssyncset.done @!p0 $0x0  }
0x58: {  	[sflag:s0] =	ssyncadd.s32 @!p0 s1  }
0x59: {  	[bflag:$0x3] =	sbarrier.arrive $0xFFFF  }
0x5a: {  	_ =	shalt  }

// kernel: kernel.12.cloned.1.call-start
scs
__scs_entry_jumppad:
0x0: {  	(pc) =	sbr.rel $0x88, $3  }
0x1: {  	(tag) =	ssettag $0x0;
	lr =	simm.s32 $0x1  }
0x2: {  	[smem:$0x3F93] =	sst lr;
	_ =	strace $0xD0000000  }
0x3: {  	_ = 	snop  }
0x4: {  	_ = 	snop  }
0x5: {  	_ = 	snop  }
0x6: {  	_ = 	snop  }
0x7: {  	_ = 	snop  }
__scs_overlays_trampoline_lowered:
0x8: {  	[smem:$0x3FA2] =	sst s0  }
0x9: {  	[smem:$0x3FA3] =	sst s1  }
0xa: {  	[smem:$0x3FA4] =	sst s2  }
0xb: {  	[smem:$0x3FA5] =	sst s3  }
0xc: {  	[smem:$0x3FA6] =	sst s4  }
0xd: {  	[smem:$0x3FA7] =	sst s5  }
0xe: {  	[smem:$0x3FA8] =	sst s6  }
0xf: {  	[smem:$0x3FA9] =	sst s7  }
0x10: {  	[smem:$0x3FAA] =	sst s8  }
0x11: {  	[smem:$0x3FAB] =	sst s9;
	s0 =	simm.s32 @!p0 $0x0  }
0x12: {  	s1 =	sld [smem:$0x3F91];
	s0 =	simm.s32 @p0 $0x1  }
0x13: {  	[smem:$0x3FAC] =	sst s0;
	s0 =	simm.s32 @!p1 $0x0  }
0x14: {  	s2 =	sld [smem:$0x3F90];
	s0 =	simm.s32 @p1 $0x1  }
0x15: {  	[smem:$0x3FAD] =	sst s0;
	s0 =	simm.s32 @!p2 $0x0  }
0x16: {  	s3 =	sld [smem:$0x3FDB];
	s0 =	simm.s32 @p2 $0x1  }
0x17: {  	s4 =	simm.s32 $0x1BF5;
	[smem:$0x3FAF] =	sst s0  }
0x18: {  	s0 =	sld [smem:$0x3F92];
	_ =	swait.ge [sflag:s4], $0x0  }
0x19: {  	s7 =	sld [smem:$0x3F93]  }
0x1a: {  	s8 =	sadd.s32 $0xFFFFE003, lr  }
0x1b: {  	s9 =	sadd.s32 $0xFFFFFEF7, lr;
	s5 =	simm.s32 $0xFFFFFFFF;
	p2 =	slt.u32 s8, $0xFFFFF086  }
0x1c: {  	p1 =	slt.u32 s9, $0xF7A;
	s5 =	simm.s32 @!p2 $0x0  }
0x1d: {  	s5 =	simm.s32 @p1 $0x1;
	p0 =	seq.s32 s7, s2  }
0x1e: {  	s7 =	smul.u32 @!p0 $0xF7A, s2;
	p2 =	seq.s32 @!p0 s5, $0x0  }
0x1f: {  	s9 =	smul.u32 $0xF7A, s1;
	s8 =	simm.s32 @!p0 $0x1BF5;
	p2 =	por !p2, p0  }
0x20: {  	[sflag:s8] =	ssyncset.s32 @!p0 $0xFFFFF086;
	s6 =	sadd.s32 @!p0 s3, s7;
	s7 =	simm.s32 @!p0 $0x108  }
0x21: {  	s3 =	sadd.s32 s3, s9;
	s6 =	sadd.s32 @!p0 $0x88, s6;
	s7 =	simm.s32 @p2 $0x1082  }
0x22: {  	[simem:s7], [sflag:s8] =	dma.local @!p0 [hbm:s6], $0xF7A  }
0x23: {  	s9 =	sor.u32 $0xD0000000, s2;
	s6 =	simm.s32 $0x108;
	_ =	swait.ge @!p0 [sflag:s8], $0x0  }
0x24: {  	s3 =	sadd.s32 $0x88, s3;
	s6 =	simm.s32 @!p1 $0x1082;
	[sflag:s4] =	ssyncset.s32 $0xFFFFF086  }
0x25: {  	[simem:s6], [sflag:s4] =	dma.local [hbm:s3], $0xF7A  }
0x26: {  	[smem:$0x3F93] =	sst s1;
	(tag) =	ssettag s2;
	_ =	strace s9  }
0x27: {  	s1 =	sld [smem:$0x3FA3]  }
0x28: {  	s2 =	sld [smem:$0x3FA4]  }
0x29: {  	s4 =	sld [smem:$0x3FA6]  }
0x2a: {  	p0 =	seq.s32 s5, $0x0;
	s5 =	sld [smem:$0x3FA7]  }
0x2b: {  	s6 =	sld [smem:$0x3FA8]  }
0x2c: {  	s7 =	sld [smem:$0x3FA9]  }
0x2d: {  	s3 =	simm.s32 $0x108;
	s8 =	sld [smem:$0x3FAA]  }
0x2e: {  	s3 =	simm.s32 @!p0 $0x1082;
	s9 =	sld [smem:$0x3FAB]  }
0x2f: {  	lr =	sadd.s32 s0, s3;
	s0 =	sld [smem:$0x3FA2]  }
0x30: {  	s3 =	sld [smem:$0x3FA5]  }
0x31: {  	[smem:$0x3FAE] =	sst s10  }
0x32: {  	s10 =	sld [smem:$0x3FAC];
	_ =	sdelay $0x3  }
0x33: {  	p0 =	seq.s32 s10, $0x1;
	s10 =	sld [smem:$0x3FAE];
	_ =	sdelay $0x3  }
0x34: {  	[smem:$0x3FAE] =	sst s10  }
0x35: {  	s10 =	sld [smem:$0x3FAD];
	_ =	sdelay $0x3  }
0x36: {  	p1 =	seq.s32 s10, $0x1;
	s10 =	sld [smem:$0x3FAE];
	_ =	sdelay $0x3  }
0x37: {  	[smem:$0x3FAE] =	sst s10  }
0x38: {  	s10 =	sld [smem:$0x3FAF]  }
0x39: {  	_ = 	snop;
	(pc) =	sbr.ind lr, $3  }
0x3a: {  	_ = 	snop  }
0x3b: {  	_ = 	snop  }
0x3c: {  	p2 =	seq.s32 s10, $0x1;
	s10 =	sld [smem:$0x3FAE]  }
0x3d: {  	_ =	shalt  }
0x3e: {  	_ =	shalt  }
0x3f: {  	_ =	shalt  }
0x40: {  	_ =	shalt  }
0x41: {  	_ =	shalt  }
0x42: {  	_ =	shalt  }
0x43: {  	_ =	shalt  }
0x44: {  	_ =	shalt  }
0x45: {  	_ =	shalt  }
0x46: {  	_ =	shalt  }
0x47: {  	_ =	shalt  }
0x48: {  	_ =	shalt  }
0x49: {  	_ =	shalt  }
0x4a: {  	_ =	shalt  }
0x4b: {  	_ =	shalt  }
0x4c: {  	_ =	shalt  }
0x4d: {  	_ =	shalt  }
0x4e: {  	_ =	shalt  }
0x4f: {  	_ =	shalt  }
0x50: {  	_ =	shalt  }
0x51: {  	_ =	shalt  }
0x52: {  	_ =	shalt  }
0x53: {  	_ =	shalt  }
0x54: {  	_ =	shalt  }
0x55: {  	_ =	shalt  }
0x56: {  	_ =	shalt  }
0x57: {  	_ =	shalt  }
0x58: {  	_ =	shalt  }
0x59: {  	_ =	shalt  }
0x5a: {  	_ =	shalt  }
0x5b: {  	_ =	shalt  }
0x5c: {  	_ =	shalt  }
0x5d: {  	_ =	shalt  }
0x5e: {  	_ =	shalt  }
0x5f: {  	_ =	shalt  }
0x60: {  	_ =	shalt  }
0x61: {  	_ =	shalt  }
0x62: {  	_ =	shalt  }
0x63: {  	_ =	shalt  }
0x64: {  	_ =	shalt  }
0x65: {  	_ =	shalt  }
0x66: {  	_ =	shalt  }
0x67: {  	_ =	shalt  }
0x68: {  	_ =	shalt  }
0x69: {  	_ =	shalt  }
0x6a: {  	_ =	shalt  }
0x6b: {  	_ =	shalt  }
0x6c: {  	_ =	shalt  }
0x6d: {  	_ =	shalt  }
0x6e: {  	_ =	shalt  }
0x6f: {  	_ =	shalt  }
0x70: {  	_ =	shalt  }
0x71: {  	_ =	shalt  }
0x72: {  	_ =	shalt  }
0x73: {  	_ =	shalt  }
0x74: {  	_ =	shalt  }
0x75: {  	_ =	shalt  }
0x76: {  	_ =	shalt  }
0x77: {  	_ =	shalt  }
0x78: {  	_ =	shalt  }
0x79: {  	_ =	shalt  }
0x7a: {  	_ =	shalt  }
0x7b: {  	_ =	shalt  }
0x7c: {  	_ =	shalt  }
0x7d: {  	_ =	shalt  }
0x7e: {  	_ =	shalt  }
0x7f: {  	_ =	shalt  }
0x80: {  	_ =	shalt  }
0x81: {  	_ =	shalt  }
0x82: {  	_ =	shalt  }
0x83: {  	_ =	shalt  }
0x84: {  	_ =	shalt  }
0x85: {  	_ =	shalt  }
0x86: {  	_ =	shalt  }
0x87: {  	_ =	shalt  }
.Lfunc_end0:
.L_simem_size_0:
called_computation.3_lowered:
.L_overlay_start_0:
0x88: {  	s2 =	sld [smem:$0x3FD9]  }
0x89: {  	s3 =	sld [smem:$0x3FFE];
	_ =	sdelay $0x1  }
0x8a: {  	s1 =	srdreg.scid  }
0x8b: {  	s0 =	sand.u32 $0x1, s1  }
0x8c: {  	s15 =	sshll.u32 s0, $0xA;
	s2 =	sadd.s32 s3, s2  }
0x8d: {  	s2 =	sadd.s32 s2, s15  }
0x8e: {  	[smem:$0x3FBA] =	sst s2  }
0x8f: {  	_ = 	snop  }
0x90: {  	s2 =	sld [smem:$0x3FD0];
	_ =	sdelay $0x2  }
0x91: {  	s16 =	simm.s32 $0xB;
	s4 =	simm.s32 $0x10  }
0x92: {  	[smem:s4], [sflag:s16] =	dma.local [hbm:s2], $0x1  }
0x93: {  	_ =	swait.eq [sflag:s16], $0x1  }
0x94: {  	[sflag:s16] =	ssyncset.done $0x0  }
0x95: {  	[sflag:s16] =	ssyncadd.s32 $0xFFFFFFFF  }
0x96: {  	s17 =	sld [smem:$0x11];
	(tm) =	ssettm $0x1  }
0x97: {  	s18 =	sld [smem:$0x3FFB];
	_ =	sdelay $0x3  }
0x98: {  	_ =	strace s18  }
0x99: {  	s2 =	sld [smem:$0x3FFC];
	_ =	sdelay $0x3  }
0x9a: {  	_ =	strace s2  }
0x9b: {  	s2 =	sld [smem:$0x3FFD];
	_ =	sdelay $0x3  }
0x9c: {  	_ =	strace s2  }
0x9d: {  	_ =	strace $0x8FFFFFFF  }
0x9e: {  	s19 =	sld [smem:$0x3FDB];
	_ =	sdelay $0x1  }
0x9f: {  	s20 =	simm.s32 $_scs_section_size  }
0xa0: {  	s5 =	simm.s32 $_size__tile_overlayer_lowered;
	s6 =	simm.s32 $_tile_overlayer_lowered  }
0xa1: {  	s7 =	simm.s32 $0x1BFF;
	s21 =	sshll.u32 s6, $0x1;
	s4 =	sadd.s32 s20, s19  }
0xa2: {  	s22 =	simm.s32 $0x0;
	s5 =	sshll.u32 s5, $0x1;
	s6 =	sadd.s32 s21, s4  }
0xa3: {  	[timem:s22], [sflag:s7] =	dma.local [hbm:s6], s5  }
0xa4: {  	_ =	swait.ge [sflag:s7], s5  }
0xa5: {  	s5 =	ssub.s32 $0x0, s5;
	[sflag:s7] =	ssyncset.done $0x0  }
0xa6: {  	[sflag:s7] =	ssyncadd.s32 s5;
	_ =	sdelay $0x1  }
0xa7: {  	s23 =	simm.s32 $0x1B8B  }
0xa8: {  	_ =	swait.ge [sflag:s23], $0x1  }
0xa9: {  	[sflag:s23] =	ssyncset.done $0x0  }
0xaa: {  	[sflag:s23] =	ssyncadd.s32 $0xFFFFFFFF  }
0xab: {  	s5 =	sld [smem:$0x0]  }
0xac: {  	s6 =	sand.u32 $0xFFFFFFFE, s1  }
0xad: {  	p0 =	sne.s32 s1, s6  }
0xae: {  	s6 =	sshll.u32 @p0 s6, $0xE  }
0xaf: {  	s6 =	sadd.s32 @p0 $0x11B8D, s6;
	s7 =	sshll.u32 @p0 s5, $0x11  }
0xb0: {  	s6 =	sor.u32 @p0 s7, s6  }
0xb1: {  	[sflag:s6] =	ssyncadd.remote.s32 @p0 $0x1;
	_ =	sdelay $0x1  }
0xb2: {  	s6 =	simm.s32 @p0 $0x1B8D  }
0xb3: {  	_ =	swait.eq @p0 [sflag:s6], $0x1  }
0xb4: {  	[sflag:s6] =	ssyncadd.s32 @p0 $0xFFFFFFFF  }
0xb5: {  	s7 =	sshll.u32 @!p0 s1, $0xE  }
0xb6: {  	s7 =	sor.u32 @!p0 $0x4000, s7;
	s6 =	simm.s32 @!p0 $0x1B8D  }
0xb7: {  	s5 =	sshll.u32 @!p0 s5, $0x11;
	s7 =	sadd.s32 @!p0 $0x11B8D, s7;
	_ =	swait.eq @!p0 [sflag:s6], $0x1  }
0xb8: {  	s5 =	sor.u32 @!p0 s5, s7;
	[sflag:s6] =	ssyncadd.s32 @!p0 $0xFFFFFFFF  }
0xb9: {  	s25 =	simm.s32 $0x1B8E;
	s24 =	sld [smem:$0x3FFE];
	[sflag:s5] =	ssyncadd.remote.s32 @!p0 $0x1  }
0xba: {  	s26 =	simm.s32 $execute0_lowered;
	[smem:$0x3FD2] =	sst s25  }
0xbb: {  	s6 =	sshll.u32 s26, $0x1;
	_ =	strace $0x8000004F;
	[dreg:$0x1] =	wrdreg $0xFFFFFFFF  }
0xbc: {  	s28 =	simm.s32 $_size_execute0_lowered;
	s4 =	sadd.s32 s4, s6;
	[dreg:$0x0] =	wrdreg $0x0  }
0xbd: {  	s6 =	sshll.u32 s28, $0x1;
	[dreg:$0x2] =	wrdreg s4  }
0xbe: {  	[dreg:$0x3] =	wrdreg s6  }
0xbf: {  	[dreg:$0x4] =	wrdreg $0xC0  }
0xc0: {  	_ =	task [dreg:s22], $0x5FFFF  }
0xc1: {  	[dreg:$0x1] =	wrdreg $0xFFFFFFFF  }
0xc2: {  	[dreg:$0x0] =	wrdreg $0x60  }
0xc3: {  	[dreg:$0x2] =	wrdreg s17  }
0xc4: {  	[dreg:$0x3] =	wrdreg s24  }
0xc5: {  	[dreg:$0x4] =	wrdreg $0xA  }
0xc6: {  	_ =	task.clear_ibuf [dreg:s22], $0x5FFFF;
	_ =	strace $0x9000004F  }
0xc7: {  	s29 =	simm.s32 $0xA;
	_ =	strace $0x80000051  }
0xc8: {  	_ =	swait.ge [sflag:s29], $0x1  }
0xc9: {  	[sflag:s29] =	ssyncadd.s32 $0xFFFFFFFF  }
0xca: {  	_ =	strace $0x90000051  }
0xcb: {  	_ =	sfence  }
0xcc: {  	s30 =	sld [smem:$0x0];
	_ =	sdelay $0x2  }
0xcd: {  	s31 =	sshll.u32 s1, $0xD;
	s1 =	sshrl.u32 s1, $0x2  }
0xce: {  	s4 =	sand.u32 $0x4000, s31;
	s1 =	sadd.s32 s1, s30  }
0xcf: {  	s0 =	sor.u32 s4, s0;
	s1 =	sshll.u32 s1, $0x11  }
0xd0: {  	s0 =	sor.u32 s1, s0  }
0xd1: {  	s0 =	sadd.s32 $0x8F2B, s0  }
0xd2: {  	[sflag:s0] =	ssyncadd.remote.s32 $0x1  }
0xd3: {  	_ =	sfence.sel $0xFFFF  }
0xd4: {  	[dreg:$0x0] =	wrdreg $0xFFFFFFFF;
	(pc) =	sbr.abs _section_cstart, $3  }
0xd5: {  	[dreg:$0x1] =	wrdreg $0xFFFFFFFF  }
0xd6: {  	_ =	task.clear_ibuf [dreg:s22], $0x2FFFF;
	_ =	strace $0x9FFFFFFF  }
0xd7: {  	(tm) =	ssettm $0x7FFFFFFF  }
tec
execute0_lowered:
.L_overlay_start_1:
0x0: {  	(tag) =	ssettag $0x1  }
0x1: {  	s1 =	srdreg.scid  }
0x2: {  	s13 =	rddreg [dreg:$0x0];
	s0 =	stileid.u32;
	s14 =	sand.u32 $0x1, s1  }
0x3: {  	s8 =	rddreg [dreg:$0x1];
	s3 =	sshll.u32 s0, $0xE;
	s4 =	sshll.u32 s14, $0xD  }
0x4: {  	s2 =	simm.s32 $0x0;
	s1 =	rddreg [dreg:$0x2];
	s15 =	sor.u32 s4, s3  }
0x5: {  	[smem:$0x7FF] =	sst s2;
	s3 =	sshrl.u32 s15, $0x3  }
0x6: {  	_ =	strace $0x80000050;
	s4 =	sadd.s32 s13, s3;
	s3 =	simm.s32 $0x2  }
0x7: {  	[tilespmem:s2], [sflag:$0x2] =	stream.linear.gather [hbm4b:s4+s2], $0x800, $0x38;
	[tilespmem:$0x10800] =	vst v63  }
0x8: {  	_ =	swait.ge [sflag:s3], $0x800  }
0x9: {  	s6 =	simm.s32 $0x800;
	[sflag:s3] =	ssyncset.done $0x0  }
0xa: {  	s7 =	simm.s32 $0x1;
	s5 =	sadd.s32 $0x882600, s8;
	[sflag:s3] =	ssyncadd.s32 $0xFFFFF800  }
0xb: {  	[tilespmem:s6], [sflag:$0x1] =	stream.indirect.gather [hbm4b:s5+s6], $0x20, s2, s6, $0xb8;
	[tilespmem:$0x10800] =	vst v63  }
0xc: {  	_ =	swait.ge [sflag:s7], $0x10000  }
0xd: {  	s16 =	sadd.s32 $0x2600, s8;
	s28 =	sshll.u32 s15, $0x2;
	[sflag:s7] =	ssyncset.done $0x0  }
0xe: {  	s8 =	sadd.s32 s16, s28;
	[sflag:s7] =	ssyncadd.s32 $0xFFFF0000  }
0xf: {  	[hbm4b:s8+s2] =	stream.linear.scatter [tilespmem:s6], [sflag:$0x2], $0x10000, $0x38;
	[tilespmem:$0x10800] =	vst v63  }
0x10: {  	s10 =	sor.u32 $0x800, s15;
	_ =	swait.ge [sflag:s3], $0x10000  }
0x11: {  	s9 =	sshrl.u32 s10, $0x3;
	[sflag:s3] =	ssyncset.done $0x0  }
0x12: {  	s9 =	sadd.s32 s13, s9;
	[sflag:s3] =	ssyncadd.s32 $0xFFFF0000  }
0x13: {  	[tilespmem:s2], [sflag:$0x2] =	stream.linear.gather [hbm4b:s9+s2], $0x800, $0x38;
	[tilespmem:$0x10800] =	vst v63  }
0x14: {  	_ =	swait.ge [sflag:s3], $0x800  }
0x15: {  	[sflag:s3] =	ssyncset.done $0x0  }
0x16: {  	[sflag:s3] =	ssyncadd.s32 $0xFFFFF800  }
0x17: {  	[tilespmem:s6], [sflag:$0x1] =	stream.indirect.gather [hbm4b:s5+s6], $0x20, s2, s6, $0xb8;
	[tilespmem:$0x10800] =	vst v63  }
0x18: {  	_ =	swait.ge [sflag:s7], $0x10000  }
0x19: {  	s10 =	sshll.u32 s10, $0x2;
	[sflag:s7] =	ssyncset.done $0x0  }
0x1a: {  	s10 =	sadd.s32 s16, s10;
	[sflag:s7] =	ssyncadd.s32 $0xFFFF0000  }
0x1b: {  	[hbm4b:s10+s2] =	stream.linear.scatter [tilespmem:s6], [sflag:$0x2], $0x10000, $0x38;
	[tilespmem:$0x10800] =	vst v63  }
0x1c: {  	s12 =	sor.u32 $0x1000, s15;
	_ =	swait.ge [sflag:s3], $0x10000  }
0x1d: {  	s11 =	sshrl.u32 s12, $0x3;
	[sflag:s3] =	ssyncset.done $0x0  }
0x1e: {  	s11 =	sadd.s32 s13, s11;
	[sflag:s3] =	ssyncadd.s32 $0xFFFF0000  }
0x1f: {  	[tilespmem:s2], [sflag:$0x2] =	stream.linear.gather [hbm4b:s11+s2], $0x800, $0x38;
	[tilespmem:$0x10800] =	vst v63  }
0x20: {  	_ =	swait.ge [sflag:s3], $0x800  }
0x21: {  	[sflag:s3] =	ssyncset.done $0x0  }
0x22: {  	[sflag:s3] =	ssyncadd.s32 $0xFFFFF800  }
0x23: {  	[tilespmem:s6], [sflag:$0x1] =	stream.indirect.gather [hbm4b:s5+s6], $0x20, s2, s6, $0xb8;
	[tilespmem:$0x10800] =	vst v63  }
0x24: {  	_ =	swait.ge [sflag:s7], $0x10000  }
0x25: {  	s12 =	sshll.u32 s12, $0x2;
	[sflag:s7] =	ssyncset.done $0x0  }
0x26: {  	s12 =	sadd.s32 s16, s12;
	[sflag:s7] =	ssyncadd.s32 $0xFFFF0000  }
0x27: {  	[hbm4b:s12+s2] =	stream.linear.scatter [tilespmem:s6], [sflag:$0x2], $0x10000, $0x38;
	[tilespmem:$0x10800] =	vst v63  }
0x28: {  	s15 =	sor.u32 $0x1800, s15;
	_ =	swait.ge [sflag:s3], $0x10000  }
0x29: {  	s17 =	sshrl.u32 s15, $0x3;
	[sflag:s3] =	ssyncset.done $0x0  }
0x2a: {  	s14 =	ssub.s32 $0x2, s14;
	s13 =	sadd.s32 s13, s17;
	[sflag:s3] =	ssyncadd.s32 $0xFFFF0000  }
0x2b: {  	[tilespmem:s2], [sflag:$0x2] =	stream.linear.gather [hbm4b:s13+s2], $0x800, $0x38;
	[tilespmem:$0x10800] =	vst v63  }
0x2c: {  	s29 =	sshrl.u32 s14, $0x1;
	_ =	swait.ge [sflag:s3], $0x800  }
0x2d: {  	s17 =	ssub.s32 s14, s29;
	[sflag:s3] =	ssyncset.done $0x0  }
0x2e: {  	s31 =	smax.u32 s17, $0x1;
	[sflag:s3] =	ssyncadd.s32 $0xFFFFF800  }
0x2f: {  	[tilespmem:s6], [sflag:$0x1] =	stream.indirect.gather [hbm4b:s5+s6], $0x20, s2, s6, $0xb8;
	[tilespmem:$0x10800] =	vst v63  }
0x30: {  	p0 =	sne.s32 s31, $0x1;
	_ =	swait.ge [sflag:s7], $0x10000  }
.Ltmp0:
0x31: {  	s30 =	sshll.u32 s15, $0x2;
	[sflag:s7] =	ssyncset.done $0x0;
	(pc) =	sbr.rel @!p0 .LBB2_2-.Ltmp0, $4  }
0x32: {  	s14 =	sadd.s32 s16, s30;
	[sflag:s7] =	ssyncadd.s32 $0xFFFF0000  }
0x33: {  	[hbm4b:s14+s2] =	stream.linear.scatter [tilespmem:s6], [sflag:$0x2], $0x10000, $0x38;
	[tilespmem:$0x10800] =	vst v63  }
0x34: {  	_ =	swait.ge [sflag:s3], $0x10000  }
0x35: {  	s15 =	sadd.s32 $0xFFFFFFFF, s31;
	[sflag:s3] =	ssyncset.done $0x0  }
.LBB2_1:
0x36: {  	p0 =	sne.s32 s15, $0x1;
	s15 =	sadd.s32 $0xFFFFFFFF, s15;
	[sflag:s3] =	ssyncadd.s32 $0xFFFF0000  }
0x37: {  	[tilespmem:s2], [sflag:$0x2] =	stream.linear.gather [hbm4b:s4+s2], $0x800, $0x38;
	[tilespmem:$0x10800] =	vst v63  }
0x38: {  	_ =	swait.ge [sflag:s3], $0x800  }
0x39: {  	[sflag:s3] =	ssyncset.done $0x0  }
0x3a: {  	[sflag:s3] =	ssyncadd.s32 $0xFFFFF800  }
0x3b: {  	[tilespmem:s6], [sflag:$0x1] =	stream.indirect.gather [hbm4b:s5+s6], $0x20, s2, s6, $0xb8;
	[tilespmem:$0x10800] =	vst v63  }
0x3c: {  	_ =	swait.ge [sflag:s7], $0x10000  }
0x3d: {  	[sflag:s7] =	ssyncset.done $0x0  }
0x3e: {  	[sflag:s7] =	ssyncadd.s32 $0xFFFF0000  }
0x3f: {  	[hbm4b:s8+s2] =	stream.linear.scatter [tilespmem:s6], [sflag:$0x2], $0x10000, $0x38;
	[tilespmem:$0x10800] =	vst v63  }
0x40: {  	_ =	swait.ge [sflag:s3], $0x10000  }
0x41: {  	[sflag:s3] =	ssyncset.done $0x0  }
0x42: {  	[sflag:s3] =	ssyncadd.s32 $0xFFFF0000  }
0x43: {  	[tilespmem:s2], [sflag:$0x2] =	stream.linear.gather [hbm4b:s9+s2], $0x800, $0x38;
	[tilespmem:$0x10800] =	vst v63  }
0x44: {  	_ =	swait.ge [sflag:s3], $0x800  }
0x45: {  	[sflag:s3] =	ssyncset.done $0x0  }
0x46: {  	[sflag:s3] =	ssyncadd.s32 $0xFFFFF800  }
0x47: {  	[tilespmem:s6], [sflag:$0x1] =	stream.indirect.gather [hbm4b:s5+s6], $0x20, s2, s6, $0xb8;
	[tilespmem:$0x10800] =	vst v63  }
0x48: {  	_ =	swait.ge [sflag:s7], $0x10000  }
0x49: {  	[sflag:s7] =	ssyncset.done $0x0  }
0x4a: {  	[sflag:s7] =	ssyncadd.s32 $0xFFFF0000  }
0x4b: {  	[hbm4b:s10+s2] =	stream.linear.scatter [tilespmem:s6], [sflag:$0x2], $0x10000, $0x38;
	[tilespmem:$0x10800] =	vst v63  }
0x4c: {  	_ =	swait.ge [sflag:s3], $0x10000  }
0x4d: {  	[sflag:s3] =	ssyncset.done $0x0  }
0x4e: {  	[sflag:s3] =	ssyncadd.s32 $0xFFFF0000  }
0x4f: {  	[tilespmem:s2], [sflag:$0x2] =	stream.linear.gather [hbm4b:s11+s2], $0x800, $0x38;
	[tilespmem:$0x10800] =	vst v63  }
0x50: {  	_ =	swait.ge [sflag:s3], $0x800  }
0x51: {  	[sflag:s3] =	ssyncset.done $0x0  }
0x52: {  	[sflag:s3] =	ssyncadd.s32 $0xFFFFF800  }
0x53: {  	[tilespmem:s6], [sflag:$0x1] =	stream.indirect.gather [hbm4b:s5+s6], $0x20, s2, s6, $0xb8;
	[tilespmem:$0x10800] =	vst v63  }
0x54: {  	_ =	swait.ge [sflag:s7], $0x10000  }
0x55: {  	[sflag:s7] =	ssyncset.done $0x0  }
0x56: {  	[sflag:s7] =	ssyncadd.s32 $0xFFFF0000  }
0x57: {  	[hbm4b:s12+s2] =	stream.linear.scatter [tilespmem:s6], [sflag:$0x2], $0x10000, $0x38;
	[tilespmem:$0x10800] =	vst v63  }
0x58: {  	_ =	swait.ge [sflag:s3], $0x10000  }
0x59: {  	[sflag:s3] =	ssyncset.done $0x0  }
0x5a: {  	[sflag:s3] =	ssyncadd.s32 $0xFFFF0000  }
0x5b: {  	[tilespmem:s2], [sflag:$0x2] =	stream.linear.gather [hbm4b:s13+s2], $0x800, $0x38;
	[tilespmem:$0x10800] =	vst v63  }
0x5c: {  	_ =	swait.ge [sflag:s3], $0x800  }
0x5d: {  	[sflag:s3] =	ssyncset.done $0x0  }
0x5e: {  	[sflag:s3] =	ssyncadd.s32 $0xFFFFF800  }
0x5f: {  	[tilespmem:s6], [sflag:$0x1] =	stream.indirect.gather [hbm4b:s5+s6], $0x20, s2, s6, $0xb8;
	[tilespmem:$0x10800] =	vst v63  }
0x60: {  	_ =	swait.ge [sflag:s7], $0x10000  }
.Ltmp1:
0x61: {  	[sflag:s7] =	ssyncset.done $0x0;
	(pc) =	sbr.rel @p0 .LBB2_1-.Ltmp1, $4  }
0x62: {  	[sflag:s7] =	ssyncadd.s32 $0xFFFF0000  }
0x63: {  	[hbm4b:s14+s2] =	stream.linear.scatter [tilespmem:s6], [sflag:$0x2], $0x10000, $0x38;
	[tilespmem:$0x10800] =	vst v63  }
0x64: {  	_ =	swait.ge [sflag:s3], $0x10000  }
0x65: {  	[sflag:s3] =	ssyncset.done $0x0  }
.LBB2_2:
0x66: {  	[sflag:s3] =	ssyncadd.s32 $0xFFFF0000  }
0x67: {  	_ =	sfence.sel $0x180000  }
0x68: {  	[bflag:$0x0] =	sbarrier.arrive $0xFFFF  }
0x69: {  	p0 =	sne.s32 s0, $0x0;
	_ =	strace $0x90000050  }
0x6a: {  	s0 =	sadd.s32 @!p0 $0x100000, s1;
	[bflag:$0x2] =	sbarrier.arrive $0xFFFF  }
0x6b: {  	[sflag:s0] =	ssyncadd.tile.s32 @!p0 $0x1;
	_ =	shalt  }
.Lfunc_end2:
_tile_overlayer_lowered:
.L_overlay_start_2:
0x6c: {  	(tag) =	ssettag $0x2  }
0x6d: {  	s0 =	rddreg [dreg:$0x0];
	s2 =	stileid.u32  }
0x6e: {  	s1 =	rddreg [dreg:$0x1];
	p0 =	sne.s32 s2, $0x0  }
0x6f: {  	s3 =	rddreg [dreg:$0x2];
	[bflag:$0x3] =	sbarrier.arrive $0xFFFF;
	s2 =	simm.s32 @!p0 $0x1C02  }
0x70: {  	[timem:s3], [sflag:s2] =	dma.local @!p0 [hbm:s0], s1  }
0x71: {  	s0 =	simm.s32 @!p0 $0x2  }
0x72: {  	_ =	swait.ge @!p0 [sflag:s0], s1  }
0x73: {  	s1 =	ssub.s32 @!p0 $0x0, s1;
	[sflag:s0] =	ssyncset.done @!p0 $0x0  }
0x74: {  	[sflag:s0] =	ssyncadd.s32 @!p0 s1  }
0x75: {  	[bflag:$0x3] =	sbarrier.arrive $0xFFFF  }
0x76: {  	_ =	shalt  }

// kernel: kernel.9.cloned.1.call-start
scs
__scs_entry_jumppad:
0x0: {  	(pc) =	sbr.rel $0x88, $3  }
0x1: {  	(tag) =	ssettag $0x0;
	lr =	simm.s32 $0x1  }
0x2: {  	[smem:$0x3F93] =	sst lr;
	_ =	strace $0xD0000000  }
0x3: {  	_ = 	snop  }
0x4: {  	_ = 	snop  }
0x5: {  	_ = 	snop  }
0x6: {  	_ = 	snop  }
0x7: {  	_ = 	snop  }
__scs_overlays_trampoline_lowered:
0x8: {  	[smem:$0x3FA2] =	sst s0  }
0x9: {  	[smem:$0x3FA3] =	sst s1  }
0xa: {  	[smem:$0x3FA4] =	sst s2  }
0xb: {  	[smem:$0x3FA5] =	sst s3  }
0xc: {  	[smem:$0x3FA6] =	sst s4  }
0xd: {  	[smem:$0x3FA7] =	sst s5  }
0xe: {  	[smem:$0x3FA8] =	sst s6  }
0xf: {  	[smem:$0x3FA9] =	sst s7  }
0x10: {  	[smem:$0x3FAA] =	sst s8  }
0x11: {  	[smem:$0x3FAB] =	sst s9;
	s0 =	simm.s32 @!p0 $0x0  }
0x12: {  	s1 =	sld [smem:$0x3F91];
	s0 =	simm.s32 @p0 $0x1  }
0x13: {  	[smem:$0x3FAC] =	sst s0;
	s0 =	simm.s32 @!p1 $0x0  }
0x14: {  	s2 =	sld [smem:$0x3F90];
	s0 =	simm.s32 @p1 $0x1  }
0x15: {  	[smem:$0x3FAD] =	sst s0;
	s0 =	simm.s32 @!p2 $0x0  }
0x16: {  	s3 =	sld [smem:$0x3FDB];
	s0 =	simm.s32 @p2 $0x1  }
0x17: {  	s4 =	simm.s32 $0x1BF5;
	[smem:$0x3FAF] =	sst s0  }
0x18: {  	s0 =	sld [smem:$0x3F92];
	_ =	swait.ge [sflag:s4], $0x0  }
0x19: {  	s7 =	sld [smem:$0x3F93]  }
0x1a: {  	s8 =	sadd.s32 $0xFFFFE003, lr  }
0x1b: {  	s9 =	sadd.s32 $0xFFFFFEF7, lr;
	s5 =	simm.s32 $0xFFFFFFFF;
	p2 =	slt.u32 s8, $0xFFFFF086  }
0x1c: {  	p1 =	slt.u32 s9, $0xF7A;
	s5 =	simm.s32 @!p2 $0x0  }
0x1d: {  	s5 =	simm.s32 @p1 $0x1;
	p0 =	seq.s32 s7, s2  }
0x1e: {  	s7 =	smul.u32 @!p0 $0xF7A, s2;
	p2 =	seq.s32 @!p0 s5, $0x0  }
0x1f: {  	s9 =	smul.u32 $0xF7A, s1;
	s8 =	simm.s32 @!p0 $0x1BF5;
	p2 =	por !p2, p0  }
0x20: {  	[sflag:s8] =	ssyncset.s32 @!p0 $0xFFFFF086;
	s6 =	sadd.s32 @!p0 s3, s7;
	s7 =	simm.s32 @!p0 $0x108  }
0x21: {  	s3 =	sadd.s32 s3, s9;
	s6 =	sadd.s32 @!p0 $0x88, s6;
	s7 =	simm.s32 @p2 $0x1082  }
0x22: {  	[simem:s7], [sflag:s8] =	dma.local @!p0 [hbm:s6], $0xF7A  }
0x23: {  	s9 =	sor.u32 $0xD0000000, s2;
	s6 =	simm.s32 $0x108;
	_ =	swait.ge @!p0 [sflag:s8], $0x0  }
0x24: {  	s3 =	sadd.s32 $0x88, s3;
	s6 =	simm.s32 @!p1 $0x1082;
	[sflag:s4] =	ssyncset.s32 $0xFFFFF086  }
0x25: {  	[simem:s6], [sflag:s4] =	dma.local [hbm:s3], $0xF7A  }
0x26: {  	[smem:$0x3F93] =	sst s1;
	(tag) =	ssettag s2;
	_ =	strace s9  }
0x27: {  	s1 =	sld [smem:$0x3FA3]  }
0x28: {  	s2 =	sld [smem:$0x3FA4]  }
0x29: {  	s4 =	sld [smem:$0x3FA6]  }
0x2a: {  	p0 =	seq.s32 s5, $0x0;
	s5 =	sld [smem:$0x3FA7]  }
0x2b: {  	s6 =	sld [smem:$0x3FA8]  }
0x2c: {  	s7 =	sld [smem:$0x3FA9]  }
0x2d: {  	s3 =	simm.s32 $0x108;
	s8 =	sld [smem:$0x3FAA]  }
0x2e: {  	s3 =	simm.s32 @!p0 $0x1082;
	s9 =	sld [smem:$0x3FAB]  }
0x2f: {  	lr =	sadd.s32 s0, s3;
	s0 =	sld [smem:$0x3FA2]  }
0x30: {  	s3 =	sld [smem:$0x3FA5]  }
0x31: {  	[smem:$0x3FAE] =	sst s10  }
0x32: {  	s10 =	sld [smem:$0x3FAC];
	_ =	sdelay $0x3  }
0x33: {  	p0 =	seq.s32 s10, $0x1;
	s10 =	sld [smem:$0x3FAE];
	_ =	sdelay $0x3  }
0x34: {  	[smem:$0x3FAE] =	sst s10  }
0x35: {  	s10 =	sld [smem:$0x3FAD];
	_ =	sdelay $0x3  }
0x36: {  	p1 =	seq.s32 s10, $0x1;
	s10 =	sld [smem:$0x3FAE];
	_ =	sdelay $0x3  }
0x37: {  	[smem:$0x3FAE] =	sst s10  }
0x38: {  	s10 =	sld [smem:$0x3FAF]  }
0x39: {  	_ = 	snop;
	(pc) =	sbr.ind lr, $3  }
0x3a: {  	_ = 	snop  }
0x3b: {  	_ = 	snop  }
0x3c: {  	p2 =	seq.s32 s10, $0x1;
	s10 =	sld [smem:$0x3FAE]  }
0x3d: {  	_ =	shalt  }
0x3e: {  	_ =	shalt  }
0x3f: {  	_ =	shalt  }
0x40: {  	_ =	shalt  }
0x41: {  	_ =	shalt  }
0x42: {  	_ =	shalt  }
0x43: {  	_ =	shalt  }
0x44: {  	_ =	shalt  }
0x45: {  	_ =	shalt  }
0x46: {  	_ =	shalt  }
0x47: {  	_ =	shalt  }
0x48: {  	_ =	shalt  }
0x49: {  	_ =	shalt  }
0x4a: {  	_ =	shalt  }
0x4b: {  	_ =	shalt  }
0x4c: {  	_ =	shalt  }
0x4d: {  	_ =	shalt  }
0x4e: {  	_ =	shalt  }
0x4f: {  	_ =	shalt  }
0x50: {  	_ =	shalt  }
0x51: {  	_ =	shalt  }
0x52: {  	_ =	shalt  }
0x53: {  	_ =	shalt  }
0x54: {  	_ =	shalt  }
0x55: {  	_ =	shalt  }
0x56: {  	_ =	shalt  }
0x57: {  	_ =	shalt  }
0x58: {  	_ =	shalt  }
0x59: {  	_ =	shalt  }
0x5a: {  	_ =	shalt  }
0x5b: {  	_ =	shalt  }
0x5c: {  	_ =	shalt  }
0x5d: {  	_ =	shalt  }
0x5e: {  	_ =	shalt  }
0x5f: {  	_ =	shalt  }
0x60: {  	_ =	shalt  }
0x61: {  	_ =	shalt  }
0x62: {  	_ =	shalt  }
0x63: {  	_ =	shalt  }
0x64: {  	_ =	shalt  }
0x65: {  	_ =	shalt  }
0x66: {  	_ =	shalt  }
0x67: {  	_ =	shalt  }
0x68: {  	_ =	shalt  }
0x69: {  	_ =	shalt  }
0x6a: {  	_ =	shalt  }
0x6b: {  	_ =	shalt  }
0x6c: {  	_ =	shalt  }
0x6d: {  	_ =	shalt  }
0x6e: {  	_ =	shalt  }
0x6f: {  	_ =	shalt  }
0x70: {  	_ =	shalt  }
0x71: {  	_ =	shalt  }
0x72: {  	_ =	shalt  }
0x73: {  	_ =	shalt  }
0x74: {  	_ =	shalt  }
0x75: {  	_ =	shalt  }
0x76: {  	_ =	shalt  }
0x77: {  	_ =	shalt  }
0x78: {  	_ =	shalt  }
0x79: {  	_ =	shalt  }
0x7a: {  	_ =	shalt  }
0x7b: {  	_ =	shalt  }
0x7c: {  	_ =	shalt  }
0x7d: {  	_ =	shalt  }
0x7e: {  	_ =	shalt  }
0x7f: {  	_ =	shalt  }
0x80: {  	_ =	shalt  }
0x81: {  	_ =	shalt  }
0x82: {  	_ =	shalt  }
0x83: {  	_ =	shalt  }
0x84: {  	_ =	shalt  }
0x85: {  	_ =	shalt  }
0x86: {  	_ =	shalt  }
0x87: {  	_ =	shalt  }
.Lfunc_end0:
.L_simem_size_0:
called_computation.2_lowered:
.L_overlay_start_0:
0x88: {  	s2 =	sld [smem:$0x3FD9]  }
0x89: {  	s3 =	sld [smem:$0x3FFE];
	_ =	sdelay $0x1  }
0x8a: {  	s1 =	srdreg.scid  }
0x8b: {  	s0 =	sand.u32 $0x1, s1  }
0x8c: {  	s14 =	sshll.u32 s0, $0xA;
	s2 =	sadd.s32 s3, s2  }
0x8d: {  	s2 =	sadd.s32 s2, s14  }
0x8e: {  	[smem:$0x3FBA] =	sst s2  }
0x8f: {  	_ = 	snop  }
0x90: {  	s2 =	sld [smem:$0x3FD0];
	_ =	sdelay $0x2  }
0x91: {  	s15 =	simm.s32 $0xB;
	s4 =	simm.s32 $0x10  }
0x92: {  	[smem:s4], [sflag:s15] =	dma.local [hbm:s2], $0x1  }
0x93: {  	_ =	swait.eq [sflag:s15], $0x1  }
0x94: {  	[sflag:s15] =	ssyncset.done $0x0  }
0x95: {  	s16 =	sld [smem:$0x10];
	[sflag:s15] =	ssyncadd.s32 $0xFFFFFFFF  }
0x96: {  	s17 =	sld [smem:$0x11];
	(tm) =	ssettm $0x1  }
0x97: {  	s18 =	sld [smem:$0x3FFB];
	_ =	sdelay $0x3  }
0x98: {  	_ =	strace s18  }
0x99: {  	s4 =	sld [smem:$0x3FFC];
	_ =	sdelay $0x3  }
0x9a: {  	_ =	strace s4  }
0x9b: {  	s4 =	sld [smem:$0x3FFD];
	_ =	sdelay $0x3  }
0x9c: {  	_ =	strace s4  }
0x9d: {  	_ =	strace $0x8FFFFFFF  }
0x9e: {  	s19 =	sld [smem:$0x3FDB];
	_ =	sdelay $0x1  }
0x9f: {  	s5 =	simm.s32 $_scs_section_size  }
0xa0: {  	s6 =	simm.s32 $_size__tile_overlayer_lowered;
	s7 =	simm.s32 $_tile_overlayer_lowered  }
0xa1: {  	s22 =	simm.s32 $0x1BFF;
	s21 =	sshll.u32 s7, $0x1;
	s4 =	sadd.s32 s5, s19  }
0xa2: {  	s8 =	simm.s32 $0x0;
	s20 =	sshll.u32 s6, $0x1;
	s6 =	sadd.s32 s21, s4  }
0xa3: {  	[timem:s8], [sflag:s22] =	dma.local [hbm:s6], s20  }
0xa4: {  	_ =	swait.ge [sflag:s22], s20  }
0xa5: {  	s5 =	ssub.s32 $0x0, s20;
	[sflag:s22] =	ssyncset.done $0x0  }
0xa6: {  	[sflag:s22] =	ssyncadd.s32 s5;
	_ =	sdelay $0x1  }
0xa7: {  	s23 =	simm.s32 $0x1B8B  }
0xa8: {  	_ =	swait.ge [sflag:s23], $0x1  }
0xa9: {  	[sflag:s23] =	ssyncset.done $0x0  }
0xaa: {  	s25 =	simm.s32 $0x1B8E;
	s24 =	sld [smem:$0x3FFE];
	[sflag:s23] =	ssyncadd.s32 $0xFFFFFFFF  }
0xab: {  	s26 =	simm.s32 $execute0_lowered;
	[smem:$0x3FD2] =	sst s25  }
0xac: {  	s6 =	sshll.u32 s26, $0x1;
	_ =	strace $0x80000049;
	[dreg:$0x1] =	wrdreg $0xFFFFFFFF  }
0xad: {  	s28 =	simm.s32 $_size_execute0_lowered;
	s4 =	sadd.s32 s4, s6;
	[dreg:$0x0] =	wrdreg $0x0  }
0xae: {  	s6 =	sshll.u32 s28, $0x1;
	[dreg:$0x2] =	wrdreg s4  }
0xaf: {  	[dreg:$0x3] =	wrdreg s6  }
0xb0: {  	[dreg:$0x4] =	wrdreg $0xC0  }
0xb1: {  	_ =	task [dreg:s8], $0x5FFFF  }
0xb2: {  	[dreg:$0x1] =	wrdreg $0xFFFFFFFF  }
0xb3: {  	[dreg:$0x0] =	wrdreg $0x60  }
0xb4: {  	[dreg:$0x2] =	wrdreg s24  }
0xb5: {  	[dreg:$0x3] =	wrdreg s16  }
0xb6: {  	[dreg:$0x4] =	wrdreg s17  }
0xb7: {  	[dreg:$0x5] =	wrdreg $0xA  }
0xb8: {  	_ =	task.clear_ibuf [dreg:s8], $0x6FFFF;
	_ =	strace $0x90000049  }
0xb9: {  	s29 =	simm.s32 $0xA;
	_ =	strace $0x8000004B  }
0xba: {  	_ =	swait.ge [sflag:s29], $0x1  }
0xbb: {  	[sflag:s29] =	ssyncadd.s32 $0xFFFFFFFF  }
0xbc: {  	_ =	strace $0x9000004B  }
0xbd: {  	_ =	sfence  }
0xbe: {  	s30 =	sld [smem:$0x0];
	_ =	sdelay $0x2  }
0xbf: {  	s31 =	sshll.u32 s1, $0xD;
	s1 =	sshrl.u32 s1, $0x2  }
0xc0: {  	s3 =	sand.u32 $0x4000, s31;
	s1 =	sadd.s32 s1, s30  }
0xc1: {  	s0 =	sor.u32 s3, s0;
	s1 =	sshll.u32 s1, $0x11  }
0xc2: {  	s0 =	sor.u32 s1, s0  }
0xc3: {  	s0 =	sadd.s32 $0x8F2B, s0  }
0xc4: {  	[sflag:s0] =	ssyncadd.remote.s32 $0x1  }
0xc5: {  	_ =	sfence.sel $0xFFFF  }
0xc6: {  	[dreg:$0x0] =	wrdreg $0xFFFFFFFF;
	(pc) =	sbr.abs _section_cstart, $3  }
0xc7: {  	[dreg:$0x1] =	wrdreg $0xFFFFFFFF  }
0xc8: {  	_ =	task.clear_ibuf [dreg:s8], $0x2FFFF;
	_ =	strace $0x9FFFFFFF  }
0xc9: {  	(tm) =	ssettm $0x7FFFFFFF  }
tec
execute0_lowered:
.L_overlay_start_1:
0x0: {  	(tag) =	ssettag $0x1  }
0x1: {  	v0 =	vimm.s32 $0xFEDCBA98;
	v1 =	vimm.s32 $0x76543210  }
0x2: {  	v5 =	vimm.s32 $0x32107654;
	vm0 =	vmmov $0xff;
	vm2 =	vcmask $0x2F20  }
0x3: {  	vm3 =	vcmask $0xF00;
	vm4 =	vcmask $0x700;
	v2 =	vunpack.c.l.s4.s8 v0  }
0x4: {  	vm5 =	vcmask $0x300;
	vm6 =	vcmask $0x2320;
	v3 =	vunpack.c.l.s4.s8 v1  }
0x5: {  	v5 =	vunpack.c.l.s4.s8 v5;
	v4 =	vunpack.c.0.s8.s32 v2;
	v2 =	vimm.s32 $0xBA98FEDC  }
0x6: {  	vm2 =	vmor vm3, vm2;
	vm3 =	vcmask $0x1710;
	v6 =	vunpack.c.l.s4.s8 v2  }
0x7: {  	vm7 =	vcmask $0x3730;
	vm3 =	vmor vm4, vm3;
	v3 =	vunpack.c.0.s8.s32 v3  }
0x8: {  	v5 =	vunpack.c.0.s8.s32 v5;
	v4 =	vand.u32 $0xF, v4;
	v6 =	vunpack.c.0.s8.s32 v6  }
0x9: {  	vm4 =	vcmask $0x2720;
	v3 =	vcombine.low v4, v3;
	v4 =	vimm.s32 $0xDCFE98BA  }
0xa: {  	s4 =	rddreg [dreg:$0x0];
	v5 =	vcombine.low v5, v6;
	v6 =	vunpack.c.l.s4.s8 v4;
	v4 =	vimm.s32 $0x54761032  }
0xb: {  	s0 =	stileid.u32;
	s6 =	rddreg [dreg:$0x1];
	vm4 =	vmor vm3, vm4;
	vm3 =	vcmask $0xB08;
	v7 =	vunpack.c.l.s4.s8 v4  }
0xc: {  	s2 =	rddreg [dreg:$0x2];
	s3 =	simm.s32 $0x0;
	s5 =	srdreg.scid;
	v1 =	vimm.s32 $0x1;
	vm3 =	vmor vm5, vm3;
	vm5 =	vcmask $0x1310  }
0xd: {  	s11 =	simm.s32 $0x400;
	s12 =	simm.s32 $0x100;
	s13 =	simm.s32 $0x1;
	v4 =	vand.u32 $0xF, v5;
	v5 =	vunpack.c.0.s8.s32 v6;
	v6 =	vunpack.c.0.s8.s32 v7  }
0xe: {  	s14 =	simm.s32 $0x2100;
	s15 =	simm.s32 $0x4100;
	s16 =	simm.s32 $0x6180;
	vm3 =	vmor vm3, vm5;
	vm5 =	vcmask $0x1B18;
	v7 =	vimm.s32 $0xEFCDAB89  }
0xf: {  	s17 =	simm.s32 $0x8200;
	s18 =	simm.s32 $0x2;
	s1 =	sshll.u32 s0, $0xB;
	v5 =	vcombine.low v6, v5;
	v6 =	vunpack.c.l.s4.s8 v7;
	v7 =	vimm.s32 $0x67452301  }
0x10: {  	s19 =	simm.s32 $0x0;
	vm1 =	vmneg vm0;
	[smem:$0x7FF] =	sst s3;
	s1 =	sand.u32 $0x6000, s1;
	vm5 =	vmor vm3, vm5;
	v7 =	vunpack.c.l.s4.s8 v7  }
0x11: {  	s5 =	sand.u32 $0x1, s5;
	s7 =	sshll.u32 s0, $0x9;
	s4 =	sadd.s32 $0x2600, s4;
	v0 =	vmov s1;
	v2 =	vlaneseq.u32;
	vm5 =	vmor vm5, vm6  }
.Ltmp0:
0x12: {  	s8 =	sshll.u32 s5, $0x8;
	s9 =	ssub.s32 $0x2, s5;
	vm6 =	vcmask $0x2B28;
	v6 =	vunpack.c.0.s8.s32 v6;
	v7 =	vunpack.c.0.s8.s32 v7;
	(pc) =	sbr.rel .LBB2_1-.Ltmp0, $4  }
0x13: {  	s1 =	rddreg [dreg:$0x3];
	_ =	strace $0x8000004A;
	s5 =	sor.u32 s8, s7;
	vm4 =	vmor vm4, vm7;
	vm5 =	vmor vm5, vm6;
	vm6 =	vcmask $0x3330  }
0x14: {  	s31 =	sshrl.u32 s9, $0x1;
	s8 =	sshrl.u32 s5, $0x3;
	s10 =	sshll.u32 s5, $0xA;
	vm5 =	vmor vm5, vm6;
	vm6 =	vcmask $0x3B38;
	v6 =	vcombine.low v7, v6  }
0x15: {  	s9 =	ssub.s32 s9, s31;
	s6 =	sadd.s32 s6, s8;
	s7 =	sadd.s32 s4, s10;
	vm3 =	vmneg vm2;
	vm5 =	vmor vm5, vm6;
	vm6 =	vmneg vm4  }
0x16: {  	s8 =	smax.u32 s9, $0x1;
	s9 =	simm.s32 $0x3;
	s10 =	simm.s32 $0x80;
	vm7 =	vmneg vm5;
	v5 =	vand.u32 $0xF, v5;
	v6 =	vand.u32 $0xF, v6  }
.LBB2_20:
0x17: {  	s19 =	sadd.s32 $0x1, s19  }
0x18: {  	p0 =	sne.s32 s19, s8  }
.Ltmp1:
0x19: {  	_ = 	snop;
	(pc) =	sbr.rel @!p0 .LBB2_21-.Ltmp1, $1  }
0x1a: {  	_ =	sdelay $0x3  }
.LBB2_1:
0x1b: {  	[tilespmem:s3], [sflag:$0x3] =	stream.linear.gather [hbm4b:s6+s3], $0x100, $0x38;
	[tilespmem:$0x8280] =	vst v63  }
.Ltmp2:
0x1c: {  	_ = 	snop;
	(pc) =	sbr.rel .LBB2_2-.Ltmp2, $4  }
0x1d: {  	_ =	swait.ge [sflag:s9], $0x100  }
0x1e: {  	[sflag:s9] =	ssyncset.done $0x0  }
0x1f: {  	s20 =	simm.s32 $0x0;
	[sflag:s9] =	ssyncadd.s32 $0xFFFFFF00  }
0x20: {  	[tilespmem:s12], [sflag:$0x1] =	stream.strided.gather [hbm4b:s7+s10], $0x2000, s11, s10, $0x38;
	[tilespmem:$0x8280] =	vst v63  }
.LBB2_13:
0x21: {  	v8 =	vimm.s32 $0x0  }
.LBB2_19:
0x22: {  	v7 =	vadd.s32 v0, v7;
	s20 =	sadd.s32 $0x1, s20  }
0x23: {  	s21 =	sshll.u32 s21, $0x2;
	[tilespmem:$0x8200] =	vst v7;
	v7 =	vadd.s32 v0, v8;
	p0 =	sne.s32 s20, $0x80  }
.Ltmp3:
0x24: {  	s21 =	sadd.s32 s2, s21;
	[tilespmem:$0x8210] =	vst v7;
	(pc) =	sbr.rel @!p0 .LBB2_20-.Ltmp3, $4  }
0x25: {  	[hbm4b:s21+s3] =	stream.linear.scatter [tilespmem:s17], [sflag:$0x3], $0x20, $0x38;
	[tilespmem:$0x8280] =	vst v63  }
0x26: {  	_ =	swait.ge [sflag:s9], $0x20  }
0x27: {  	[sflag:s9] =	ssyncset.done $0x0  }
0x28: {  	[sflag:s9] =	ssyncadd.s32 $0xFFFFFFE0  }
.LBB2_2:
0x29: {  	s22 =	sshllo.u32 s20, $0x1  }
0x2a: {  	s21 =	sor.u32 s5, s22;
	s23 =	sshll.u32 s22, $0x4  }
0x2b: {  	_ =	swait.ge [sflag:s13], $0x2000;
	s24 =	sshll.u32 s21, $0xA;
	s23 =	sand.u32 $0x70, s23  }
0x2c: {  	[sflag:s13] =	ssyncset.done $0x0;
	s24 =	sand.u32 $0x7FE000, s24;
	s23 =	sadd.s32 s4, s23  }
0x2d: {  	s31 =	sshll.u32 s20, $0x3;
	[sflag:s13] =	ssyncadd.s32 $0xFFFFE000;
	s23 =	sadd.s32 s24, s23  }
0x2e: {  	[tilespmem:s14], [sflag:$0x2] =	stream.strided.gather [hbm4b:s23+s10], $0x2000, s11, s10, $0x38;
	[tilespmem:$0x8280] =	vst v63  }
0x2f: {  	s23 =	sand.u32 $0x3C0, s31  }
0x30: {  	s23 =	sshrl.u32 s23, $0x2  }
0x31: {  	v7 =	vld [tilespmem:s23+$0x0];
	_ =	sdelay $0x2  }
0x32: {  	s24 =	sshll.u32 s20, $0x1  }
0x33: {  	v8 =	vmov s24  }
0x34: {  	s25 =	simm.s32 $0x70;
	s26 =	simm.s32 $0x140;
	v7 =	vperm.xlane v7, v8;
	v8 =	vimm.s32 $0x0  }
.LBB2_3:
0x35: {  	v9 =	vld [tilespmem:s26+$0xFFFFFFC0];
	_ =	sdelay $0x4  }
0x36: {  	vm8 =	vle.f32 v9, v7  }
0x37: {  	(xrf0) =	vadd.scan.msk.s32 vm8, v1;
	_ =	sdelay $0x5  }
0x38: {  	v10, _, _ =	vpop (xrf0)  }
0x39: {  	v10 =	vadd.s32 v10, v8  }
0x3a: {  	v10 =	vadd.s32 $0xFFFFFFFF, v10;
	_ =	sdelay $0x3  }
0x3b: {  	s28 =	sadd.s32 $0xFFFFFF90, s25  }
0x3c: {  	[tilespmem:v10+s15+$0x0] =	vst.idx.msk vm8, v9;
	v9 =	vor.u32 s28, v2  }
0x3d: {  	[tilespmem:v10+s16+$0x0] =	vst.idx.msk vm8, v9  }
0x3e: {  	v9 =	vld [tilespmem:s26+$0xFFFFFFD0];
	_ =	sdelay $0x4  }
0x3f: {  	vm9 =	vle.f32 v9, v7  }
0x40: {  	(xrf0) =	vadd.scan.msk.s32 vm9, v1;
	_ =	sdelay $0x1  }
0x41: {  	v10 =	vmpcnt.ones.xlane vm8;
	_ =	sdelay $0x3  }
0x42: {  	v8 =	vadd.s32 v8, v10;
	v10, _, _ =	vpop (xrf0)  }
0x43: {  	v10 =	vadd.s32 v10, v8  }
0x44: {  	v10 =	vadd.s32 $0xFFFFFFFF, v10;
	_ =	sdelay $0x3  }
0x45: {  	s29 =	sadd.s32 $0xFFFFFFA0, s25  }
0x46: {  	[tilespmem:v10+s15+$0x0] =	vst.idx.msk vm9, v9;
	v9 =	vor.u32 s29, v2  }
0x47: {  	[tilespmem:v10+s16+$0x0] =	vst.idx.msk vm9, v9  }
0x48: {  	v9 =	vld [tilespmem:s26+$0xFFFFFFE0];
	_ =	sdelay $0x4  }
0x49: {  	vm8 =	vle.f32 v9, v7  }
0x4a: {  	(xrf0) =	vadd.scan.msk.s32 vm8, v1;
	_ =	sdelay $0x1  }
0x4b: {  	v10 =	vmpcnt.ones.xlane vm9;
	_ =	sdelay $0x3  }
0x4c: {  	v8 =	vadd.s32 v8, v10;
	v10, _, _ =	vpop (xrf0)  }
0x4d: {  	v10 =	vadd.s32 v10, v8  }
0x4e: {  	v10 =	vadd.s32 $0xFFFFFFFF, v10;
	_ =	sdelay $0x3  }
0x4f: {  	s30 =	sadd.s32 $0xFFFFFFB0, s25  }
0x50: {  	[tilespmem:v10+s15+$0x0] =	vst.idx.msk vm8, v9;
	v9 =	vor.u32 s30, v2  }
0x51: {  	[tilespmem:v10+s16+$0x0] =	vst.idx.msk vm8, v9  }
0x52: {  	v9 =	vld [tilespmem:s26+$0xFFFFFFF0];
	_ =	sdelay $0x4  }
0x53: {  	vm13 =	vle.f32 v9, v7  }
0x54: {  	(xrf0) =	vadd.scan.msk.s32 vm13, v1;
	_ =	sdelay $0x1  }
0x55: {  	v10 =	vmpcnt.ones.xlane vm8;
	_ =	sdelay $0x3  }
0x56: {  	v8 =	vadd.s32 v8, v10;
	v10, _, _ =	vpop (xrf0)  }
0x57: {  	v10 =	vadd.s32 v10, v8  }
0x58: {  	v10 =	vadd.s32 $0xFFFFFFFF, v10;
	_ =	sdelay $0x3  }
0x59: {  	s31 =	sadd.s32 $0xFFFFFFC0, s25  }
0x5a: {  	[tilespmem:v10+s15+$0x0] =	vst.idx.msk vm13, v9;
	v9 =	vor.u32 s31, v2  }
0x5b: {  	[tilespmem:v10+s16+$0x0] =	vst.idx.msk vm13, v9  }
0x5c: {  	v9 =	vld [tilespmem:s26+$0x0];
	_ =	sdelay $0x4  }
0x5d: {  	vm8 =	vle.f32 v9, v7  }
0x5e: {  	(xrf0) =	vadd.scan.msk.s32 vm8, v1;
	_ =	sdelay $0x1  }
0x5f: {  	v10 =	vmpcnt.ones.xlane vm13;
	_ =	sdelay $0x3  }
0x60: {  	v8 =	vadd.s32 v8, v10;
	v10, _, _ =	vpop (xrf0)  }
0x61: {  	v10 =	vadd.s32 v10, v8  }
0x62: {  	v10 =	vadd.s32 $0xFFFFFFFF, v10;
	_ =	sdelay $0x3  }
0x63: {  	s29 =	sadd.s32 $0xFFFFFFD0, s25  }
0x64: {  	[tilespmem:v10+s15+$0x0] =	vst.idx.msk vm8, v9;
	v9 =	vor.u32 s29, v2  }
0x65: {  	[tilespmem:v10+s16+$0x0] =	vst.idx.msk vm8, v9  }
0x66: {  	v9 =	vld [tilespmem:s26+$0x10];
	_ =	sdelay $0x4  }
0x67: {  	vm14 =	vle.f32 v9, v7  }
0x68: {  	(xrf0) =	vadd.scan.msk.s32 vm14, v1;
	_ =	sdelay $0x1  }
0x69: {  	v10 =	vmpcnt.ones.xlane vm8;
	_ =	sdelay $0x3  }
0x6a: {  	v8 =	vadd.s32 v8, v10;
	v10, _, _ =	vpop (xrf0)  }
0x6b: {  	v10 =	vadd.s32 v10, v8  }
0x6c: {  	v10 =	vadd.s32 $0xFFFFFFFF, v10;
	_ =	sdelay $0x3  }
0x6d: {  	s30 =	sadd.s32 $0xFFFFFFE0, s25  }
0x6e: {  	[tilespmem:v10+s15+$0x0] =	vst.idx.msk vm14, v9;
	v9 =	vor.u32 s30, v2  }
0x6f: {  	[tilespmem:v10+s16+$0x0] =	vst.idx.msk vm14, v9  }
0x70: {  	v9 =	vld [tilespmem:s26+$0x20];
	_ =	sdelay $0x4  }
0x71: {  	vm8 =	vle.f32 v9, v7  }
0x72: {  	(xrf0) =	vadd.scan.msk.s32 vm8, v1;
	_ =	sdelay $0x1  }
0x73: {  	v10 =	vmpcnt.ones.xlane vm14;
	_ =	sdelay $0x3  }
0x74: {  	v8 =	vadd.s32 v8, v10;
	v10, _, _ =	vpop (xrf0)  }
0x75: {  	v10 =	vadd.s32 v10, v8  }
0x76: {  	v10 =	vadd.s32 $0xFFFFFFFF, v10;
	_ =	sdelay $0x3  }
0x77: {  	s31 =	sadd.s32 $0xFFFFFFF0, s25  }
0x78: {  	[tilespmem:v10+s15+$0x0] =	vst.idx.msk vm8, v9;
	v9 =	vor.u32 s31, v2  }
0x79: {  	[tilespmem:v10+s16+$0x0] =	vst.idx.msk vm8, v9  }
0x7a: {  	v9 =	vld [tilespmem:s26+$0x30];
	_ =	sdelay $0x4  }
0x7b: {  	vm15 =	vle.f32 v9, v7  }
0x7c: {  	(xrf0) =	vadd.scan.msk.s32 vm15, v1;
	_ =	sdelay $0x1  }
0x7d: {  	v10 =	vmpcnt.ones.xlane vm8;
	_ =	sdelay $0x3  }
0x7e: {  	v8 =	vadd.s32 v8, v10;
	v10, _, _ =	vpop (xrf0)  }
0x7f: {  	v10 =	vadd.s32 v10, v8  }
0x80: {  	v10 =	vadd.s32 $0xFFFFFFFF, v10  }
0x81: {  	p0 =	sne.s32 s25, $0x1FF0  }
.Ltmp4:
0x82: {  	_ = 	snop;
	(pc) =	sbr.rel @p0 .LBB2_3-.Ltmp4, $4  }
0x83: {  	_ = 	snop  }
0x84: {  	v11 =	vmpcnt.ones.xlane vm15  }
0x85: {  	[tilespmem:v10+s15+$0x0] =	vst.idx.msk vm15, v9;
	v9 =	vor.u32 s25, v2  }
0x86: {  	s26 =	sadd.s32 $0x80, s26;
	v8 =	vadd.s32 v8, v11;
	s25 =	sadd.s32 $0x80, s25;
	[tilespmem:v10+s16+$0x0] =	vst.idx.msk vm15, v9  }
0x87: {  	v7 =	vxor.u32 $0x80000000, v8  }
0x88: {  	(xrf0) =	vmax.scan.msk.u32 $0xffff, v7;
	_ =	sdelay $0x5  }
0x89: {  	v7, _, _ =	vpop (xrf0)  }
0x8a: {  	(v2sf) =	vpush v7, $0xF;
	_ =	sdelay $0xe  }
0x8b: {  	s25 =	spop (v2sf)  }
0x8c: {  	s25 =	sadd.s32 $0x8000000F, s25  }
0x8d: {  	s26 =	sand.u32 $0xF, s25  }
0x8e: {  	s28 =	sshra.s32 s25, $0x1F;
	p0 =	slt.s32 s25, $0x1;
	p1 =	sne.s32 s26, $0x0  }
0x8f: {  	s31 =	sshrl.u32 s28, $0x1C;
	p0 =	por !p0, !p1  }
0x90: {  	s26 =	simm.s32 $0x1;
	s25 =	sadd.s32 s31, s25;
	p0 =	por !p0, !p0  }
0x91: {  	s25 =	sshra.s32 s25, $0x4;
	s26 =	simm.s32 @!p0 $0x0  }
0x92: {  	s28 =	ssub.s32 s25, s26  }
0x93: {  	v7 =	vadd.s32 v2, v8;
	p0 =	slt.s32 s28, $0x1  }
.Ltmp5:
0x94: {  	_ = 	snop;
	(pc) =	sbr.rel @p0 .LBB2_10-.Ltmp5, $3  }
0x95: {  	_ =	sdelay $0x1  }
0x96: {  	v8 =	vimm.f32 $3.000000010e+38;
	s25 =	simm.s32 $0x4100  }
0x97: {  	v10 =	vimm.s32 $0x0;
	v9 =	vimm.s32 $0x0;
	s26 =	simm.s32 $0x6180;
	[tilespmem:v7+s25+$0x0] =	vst.idx.msk $0xffff, v8;
	v7 =	vimm.s32 $0x0  }
0x98: {  	p1 =	sne.s32 s28, $0x1  }
.Ltmp6:
0x99: {  	_ = 	snop;
	(pc) =	sbr.rel @!p1 .LBB2_6-.Ltmp6, $3  }
0x9a: {  	_ =	sdelay $0x1  }
0x9b: {  	v10 =	vld [tilespmem:s25+$0x0]  }
0x9c: {  	v15 =	vld [tilespmem:s26+$0x0];
	s28 =	sadd.s32 $0xFFFFFFFF, s28;
	p0 =	por $0x0, $0x0  }
0x9d: {  	_ =	sdelay $0x3  }
0x9e: {  	(xrf1) =	vsort.dscd.msk.f32 $0xffff, v10, v15;
	_ =	sdelay $0xd  }
0x9f: {  	v9, v10, _ =	vpop (xrf1)  }
0xa0: {  	vm8 =	vle.f32 v8, v9  }
0xa1: {  	v12 =	vsel vm8, v8, v9  }
0xa2: {  	v10 =	vsel vm8, v7, v10;
	vm8 =	vle.f32 v8, v12  }
0xa3: {  	p1 =	sne.s32 s28, $0x1;
	v11 =	vsel vm8, v8, v12;
	v9 =	vsel vm8, v7, v10;
	v14 =	vsel vm8, v12, v8  }
.Ltmp7:
0xa4: {  	v13 =	vsel vm8, v10, v7;
	v16 =	vperm.xlane v11, v3;
	v18 =	vperm.xlane v14, v3;
	(pc) =	sbr.rel @!p1 .LBB2_9-.Ltmp7, $4  }
0xa5: {  	v12 =	vperm.xlane v9, v3;
	v17 =	vperm.xlane v13, v3  }
0xa6: {  	s26 =	sadd.s32 $0x10, s26;
	vm8 =	vlt.f32 v16, v11;
	vm9 =	vlt.f32 v18, v14;
	vm10 =	vgt.f32 v18, v14  }
0xa7: {  	s25 =	sadd.s32 $0x10, s25;
	v15 =	vld [tilespmem:s26+$0x0];
	vm11 =	vgt.f32 v16, v11;
	vm12 =	vmand vm1, vm10;
	vm13 =	vmand vm9, vm0  }
0xa8: {  	s28 =	sadd.s32 $0xFFFFFFFF, s28;
	p0 =	por $0x1, $0x1;
	v10 =	vld [tilespmem:s25+$0x0];
	vm9 =	vmand vm1, vm11;
	vm10 =	vmand vm8, vm0;
	vm8 =	vmor vm13, vm12  }
.LBB2_8:
0xa9: {  	p1 =	sne.s32 s28, $0x1;
	vm9 =	vmor vm10, vm9;
	v14 =	vsel vm8, v18, v14;
	v13 =	vsel vm8, v17, v13  }
0xaa: {  	v11 =	vsel vm9, v16, v11;
	v9 =	vsel vm9, v12, v9;
	v12 =	vperm.xlane v14, v4  }
0xab: {  	v16 =	vperm.xlane v11, v4;
	v17 =	vperm.xlane v9, v4  }
0xac: {  	v18 =	vperm.xlane v13, v4;
	vm8 =	vlt.f32 v12, v14;
	vm9 =	vgt.f32 v12, v14  }
0xad: {  	(xrf1) =	vsort.dscd.msk.f32 $0xffff, v10, v15;
	vm10 =	vlt.f32 v16, v11;
	vm9 =	vmand vm3, vm9;
	vm8 =	vmand vm8, vm2  }
0xae: {  	vm11 =	vgt.f32 v16, v11;
	vm10 =	vmand vm10, vm2;
	vm8 =	vmor vm8, vm9  }
0xaf: {  	vm9 =	vmand vm3, vm11;
	v10 =	vsel vm8, v12, v14;
	v12 =	vsel vm8, v18, v13  }
0xb0: {  	vm8 =	vmor vm10, vm9;
	v13 =	vperm.xlane v10, v5;
	v14 =	vperm.xlane v12, v5  }
0xb1: {  	v11 =	vsel vm8, v16, v11;
	v9 =	vsel vm8, v17, v9  }
0xb2: {  	v15 =	vperm.xlane v11, v5;
	vm8 =	vlt.f32 v13, v10;
	vm9 =	vgt.f32 v13, v10  }
0xb3: {  	v16 =	vperm.xlane v9, v5;
	vm9 =	vmand vm6, vm9;
	vm8 =	vmand vm8, vm4  }
0xb4: {  	vm10 =	vlt.f32 v15, v11;
	vm11 =	vgt.f32 v15, v11;
	vm8 =	vmor vm8, vm9  }
0xb5: {  	vm9 =	vmand vm6, vm11;
	vm10 =	vmand vm10, vm4;
	v10 =	vsel vm8, v13, v10  }
0xb6: {  	vm9 =	vmor vm10, vm9;
	v12 =	vsel vm8, v14, v12;
	v13 =	vperm.xlane v10, v6  }
0xb7: {  	v11 =	vsel vm9, v15, v11;
	v9 =	vsel vm9, v16, v9;
	v14 =	vperm.xlane v12, v6  }
0xb8: {  	v15 =	vperm.xlane v11, v6;
	vm8 =	vlt.f32 v13, v10;
	vm9 =	vgt.f32 v13, v10  }
0xb9: {  	v16 =	vperm.xlane v9, v6;
	vm9 =	vmand vm7, vm9;
	vm8 =	vmand vm8, vm5  }
0xba: {  	vm10 =	vlt.f32 v15, v11;
	vm11 =	vgt.f32 v15, v11;
	vm8 =	vmor vm8, vm9  }
0xbb: {  	vm9 =	vmand vm7, vm11;
	vm10 =	vmand vm10, vm5;
	v17, v18, _ =	vpop (xrf1);
	v10 =	vsel vm8, v13, v10  }
0xbc: {  	vm9 =	vmor vm10, vm9;
	v12 =	vsel vm8, v14, v12;
	vm11 =	vle.f32 v10, v17  }
0xbd: {  	v13 =	vsel vm9, v15, v11;
	v10 =	vsel vm11, v10, v17;
	v12 =	vsel vm11, v12, v18  }
0xbe: {  	v15 =	vsel vm9, v16, v9;
	vm8 =	vle.f32 v13, v10  }
0xbf: {  	v11 =	vsel vm8, v13, v10;
	v9 =	vsel vm8, v15, v12;
	v14 =	vsel vm8, v10, v13  }
.Ltmp8:
0xc0: {  	v13 =	vsel vm8, v12, v15;
	v16 =	vperm.xlane v11, v3;
	v18 =	vperm.xlane v14, v3;
	(pc) =	sbr.rel @p1 .LBB2_8-.Ltmp8, $4  }
0xc1: {  	v12 =	vperm.xlane v9, v3;
	v17 =	vperm.xlane v13, v3  }
0xc2: {  	s25 =	sadd.s32 $0x10, s25;
	vm8 =	vlt.f32 v16, v11;
	vm9 =	vlt.f32 v18, v14;
	vm10 =	vgt.f32 v18, v14  }
0xc3: {  	s26 =	sadd.s32 $0x10, s26;
	vm11 =	vgt.f32 v16, v11;
	v10 =	vld [tilespmem:s25+$0x0];
	vm12 =	vmand vm1, vm10;
	vm13 =	vmand vm9, vm0  }
0xc4: {  	s28 =	sadd.s32 $0xFFFFFFFF, s28;
	vm9 =	vmand vm1, vm11;
	vm10 =	vmand vm8, vm0;
	v15 =	vld [tilespmem:s26+$0x0];
	vm8 =	vmor vm13, vm12  }
.LBB2_9:
0xc5: {  	v14 =	vsel @p0 vm8, v18, v14  }
0xc6: {  	vm9 =	vmor @p0 vm10, vm9;
	v18 =	vperm.xlane @p0 v14, v4  }
0xc7: {  	v11 =	vsel @p0 vm9, v16, v11  }
0xc8: {  	v16 =	vperm.xlane @p0 v11, v4;
	vm10 =	vlt.f32 @p0 v18, v14;
	vm11 =	vgt.f32 @p0 v18, v14  }
0xc9: {  	v13 =	vsel @p0 vm8, v17, v13;
	vm8 =	vmand @p0 vm3, vm11;
	vm10 =	vmand @p0 vm10, vm2  }
0xca: {  	(xrf1) =	vsort.dscd.msk.f32 $0xffff, v10, v15;
	vm11 =	vlt.f32 @p0 v16, v11;
	vm8 =	vmor @p0 vm10, vm8;
	vm10 =	vgt.f32 @p0 v16, v11  }
0xcb: {  	vm11 =	vmand @p0 vm11, vm2;
	vm10 =	vmand @p0 vm3, vm10;
	v10 =	vsel @p0 vm8, v18, v14  }
0xcc: {  	v9 =	vsel @p0 vm9, v12, v9;
	vm9 =	vmor @p0 vm11, vm10;
	v12 =	vperm.xlane @p0 v10, v5  }
0xcd: {  	v15 =	vperm.xlane @p0 v13, v4;
	v14 =	vperm.xlane @p0 v9, v4;
	v11 =	vsel @p0 vm9, v16, v11  }
0xce: {  	v16 =	vperm.xlane @p0 v11, v5;
	vm10 =	vlt.f32 @p0 v12, v10;
	vm11 =	vgt.f32 @p0 v12, v10  }
0xcf: {  	v13 =	vsel @p0 vm8, v15, v13;
	vm8 =	vmand @p0 vm6, vm11;
	vm10 =	vmand @p0 vm10, vm4  }
0xd0: {  	vm11 =	vlt.f32 @p0 v16, v11;
	vm8 =	vmor @p0 vm10, vm8;
	vm10 =	vgt.f32 @p0 v16, v11  }
0xd1: {  	vm10 =	vmand @p0 vm6, vm10;
	vm11 =	vmand @p0 vm11, vm4;
	v10 =	vsel @p0 vm8, v12, v10  }
0xd2: {  	v9 =	vsel @p0 vm9, v14, v9;
	vm9 =	vmor @p0 vm11, vm10;
	v12 =	vperm.xlane @p0 v10, v6  }
0xd3: {  	v14 =	vperm.xlane @p0 v13, v5;
	v15 =	vperm.xlane @p0 v9, v5;
	v11 =	vsel @p0 vm9, v16, v11  }
0xd4: {  	v16 =	vperm.xlane @p0 v11, v6;
	vm10 =	vlt.f32 @p0 v12, v10;
	vm11 =	vgt.f32 @p0 v12, v10  }
0xd5: {  	v13 =	vsel @p0 vm8, v14, v13;
	vm8 =	vmand @p0 vm7, vm11;
	vm10 =	vmand @p0 vm10, vm5  }
0xd6: {  	vm11 =	vlt.f32 @p0 v16, v11;
	vm8 =	vmor @p0 vm10, vm8;
	vm10 =	vgt.f32 @p0 v16, v11  }
0xd7: {  	vm10 =	vmand @p0 vm7, vm10;
	vm11 =	vmand @p0 vm11, vm5;
	v10 =	vsel @p0 vm8, v12, v10  }
0xd8: {  	v9 =	vsel @p0 vm9, v15, v9;
	v56, v55, _ =	vpop (xrf1);
	v10 =	vpsel p0, v10, v8;
	vm9 =	vmor @p0 vm11, vm10  }
0xd9: {  	v15 =	vperm.xlane @p0 v13, v6;
	vm15 =	vle.f32 v10, v56;
	v11 =	vsel @p0 vm9, v16, v11  }
0xda: {  	v16 =	vperm.xlane @p0 v9, v6;
	v10 =	vsel vm15, v10, v56;
	v8 =	vpsel p0, v11, v8  }
0xdb: {  	v11 =	vsel @p0 vm8, v15, v13;
	vm8 =	vle.f32 v8, v10  }
0xdc: {  	v11 =	vpsel p0, v11, v7;
	v9 =	vsel @p0 vm9, v16, v9;
	v12 =	vsel vm8, v10, v8  }
0xdd: {  	v11 =	vsel vm15, v11, v55;
	v9 =	vpsel p0, v9, v7;
	v57 =	vperm.xlane v12, v3  }
0xde: {  	v8 =	vsel vm8, v8, v10;
	v10 =	vsel vm8, v11, v9  }
0xdf: {  	v58 =	vperm.xlane v8, v3;
	vm12 =	vlt.f32 v57, v12;
	vm13 =	vgt.f32 v57, v12  }
0xe0: {  	v59 =	vperm.xlane v10, v3;
	vm10 =	vmand vm1, vm13;
	vm9 =	vmand vm12, vm0  }
0xe1: {  	vm14 =	vlt.f32 v58, v8;
	vm15 =	vgt.f32 v58, v8;
	vm9 =	vmor vm9, vm10  }
0xe2: {  	vm11 =	vmand vm14, vm0;
	vm10 =	vmand vm1, vm15;
	v12 =	vsel vm9, v57, v12  }
0xe3: {  	v9 =	vsel vm8, v9, v11;
	vm8 =	vmor vm11, vm10;
	v11 =	vperm.xlane v12, v4  }
0xe4: {  	v60 =	vperm.xlane v9, v3;
	v10 =	vsel vm9, v59, v10;
	v8 =	vsel vm8, v58, v8  }
0xe5: {  	v14 =	vperm.xlane v8, v4;
	vm12 =	vlt.f32 v11, v12;
	vm13 =	vgt.f32 v11, v12  }
0xe6: {  	v15 =	vperm.xlane v10, v4;
	vm10 =	vmand vm3, vm13;
	vm9 =	vmand vm12, vm2  }
0xe7: {  	vm14 =	vlt.f32 v14, v8;
	vm15 =	vgt.f32 v14, v8;
	vm9 =	vmor vm9, vm10  }
0xe8: {  	vm11 =	vmand vm14, vm2;
	vm10 =	vmand vm3, vm15;
	v11 =	vsel vm9, v11, v12  }
0xe9: {  	v9 =	vsel vm8, v60, v9;
	vm8 =	vmor vm11, vm10;
	v12 =	vperm.xlane v11, v5  }
0xea: {  	v13 =	vperm.xlane v9, v4;
	v10 =	vsel vm9, v15, v10;
	v8 =	vsel vm8, v14, v8  }
0xeb: {  	v61 =	vperm.xlane v10, v5;
	v62 =	vperm.xlane v8, v5;
	vm12 =	vgt.f32 v12, v11  }
0xec: {  	v9 =	vsel vm8, v13, v9;
	vm8 =	vlt.f32 v12, v11;
	vm9 =	vmand vm6, vm12  }
0xed: {  	vm8 =	vmand vm8, vm4;
	vm13 =	vlt.f32 v62, v8;
	vm14 =	vgt.f32 v62, v8  }
0xee: {  	vm8 =	vmor vm8, vm9;
	vm15 =	vmand vm6, vm14;
	vm10 =	vmand vm13, vm4  }
0xef: {  	v13 =	vperm.xlane v9, v5;
	v11 =	vsel vm8, v12, v11;
	vm9 =	vmor vm10, vm15  }
0xf0: {  	v10 =	vsel vm8, v61, v10;
	v12 =	vperm.xlane v11, v6;
	v8 =	vsel vm9, v62, v8  }
0xf1: {  	v13 =	vsel vm9, v13, v9;
	v9 =	vperm.xlane v10, v6;
	v63 =	vperm.xlane v8, v6  }
0xf2: {  	vm8 =	vlt.f32 v12, v11;
	vm12 =	vgt.f32 v12, v11;
	v11 =	vperm.xlane v13, v6  }
0xf3: {  	vm9 =	vmand vm7, vm12;
	vm13 =	vlt.f32 v63, v8;
	vm14 =	vgt.f32 v63, v8  }
0xf4: {  	vm8 =	vmand vm8, vm5;
	vm11 =	vmand vm7, vm14;
	vm10 =	vmand vm13, vm5  }
0xf5: {  	vm8 =	vmor vm8, vm9;
	vm15 =	vmor vm10, vm11  }
0xf6: {  	v9 =	vsel vm8, v9, v10;
	v10 =	vsel vm15, v11, v13  }
.LBB2_10:
0xf7: {  	s24 =	sadd.s32 s5, s24;
	v8 =	vadd.s32 v0, v10  }
0xf8: {  	[tilespmem:$0x8200] =	vst v8;
	v8 =	vadd.s32 v0, v9;
	s24 =	sshll.u32 s24, $0x2  }
0xf9: {  	[tilespmem:$0x8210] =	vst v8;
	s24 =	sadd.s32 s2, s24  }
0xfa: {  	[hbm4b:s24+s3] =	stream.linear.scatter [tilespmem:s17], [sflag:$0x3], $0x20, $0x38;
	[tilespmem:$0x8280] =	vst v63  }
0xfb: {  	p0 =	seq.s32 s20, $0x7F;
	_ =	swait.ge [sflag:s9], $0x20  }
0xfc: {  	s26 =	simm.s32 @!p0 $0x400;
	s24 =	sadd.s32 @!p0 $0x1, s21;
	[sflag:s9] =	ssyncset.done $0x0  }
0xfd: {  	s28 =	simm.s32 @!p0 $0x100;
	s25 =	sshll.u32 @!p0 s24, $0x4;
	[sflag:s9] =	ssyncadd.s32 $0xFFFFFFE0  }
0xfe: {  	s24 =	sshll.u32 @!p0 s24, $0xA;
	s25 =	sand.u32 @!p0 $0x60, s25;
	_ =	swait.ge [sflag:s18], $0x2000  }
0xff: {  	s24 =	sand.u32 @!p0 $0xFFFE000, s24;
	s25 =	sadd.s32 @!p0 s4, s25;
	[sflag:s18] =	ssyncset.done $0x0  }
0x100: {  	s24 =	sadd.s32 @!p0 s24, s25;
	s25 =	simm.s32 @!p0 $0x80;
	[sflag:s18] =	ssyncadd.s32 $0xFFFFE000  }
0x101: {  	[tilespmem:s28], [sflag:$0x1] =	stream.strided.gather @!p0 [hbm4b:s24+s25], $0x2000, s26, s25, $0x38;
	[tilespmem:$0x8280] =	vst v63  }
0x102: {  	v8 =	vld [tilespmem:s23+$0x0];
	_ =	sdelay $0x3  }
0x103: {  	v9 =	vmov s22  }
0x104: {  	s22 =	simm.s32 $0x70;
	s23 =	simm.s32 $0x2170;
	v8 =	vperm.xlane v8, v9  }
.LBB2_11:
0x105: {  	v9 =	vld [tilespmem:s23+$0xFFFFFF90];
	_ =	sdelay $0x4  }
0x106: {  	vm8 =	vle.f32 v9, v8  }
0x107: {  	(xrf0) =	vadd.scan.msk.s32 vm8, v1;
	_ =	sdelay $0x5  }
0x108: {  	v10, _, _ =	vpop (xrf0)  }
0x109: {  	v10 =	vadd.s32 v10, v7  }
0x10a: {  	v10 =	vadd.s32 $0xFFFFFFFF, v10;
	_ =	sdelay $0x3  }
0x10b: {  	s24 =	sadd.s32 $0xFFFFFF90, s22  }
0x10c: {  	[tilespmem:v10+s15+$0x0] =	vst.idx.msk vm8, v9;
	v9 =	vor.u32 s24, v2  }
0x10d: {  	[tilespmem:v10+s16+$0x0] =	vst.idx.msk vm8, v9  }
0x10e: {  	v9 =	vld [tilespmem:s23+$0xFFFFFFA0];
	_ =	sdelay $0x4  }
0x10f: {  	vm9 =	vle.f32 v9, v8  }
0x110: {  	(xrf0) =	vadd.scan.msk.s32 vm9, v1;
	_ =	sdelay $0x1  }
0x111: {  	v10 =	vmpcnt.ones.xlane vm8;
	_ =	sdelay $0x3  }
0x112: {  	v7 =	vadd.s32 v7, v10;
	v10, _, _ =	vpop (xrf0)  }
0x113: {  	v10 =	vadd.s32 v10, v7  }
0x114: {  	v10 =	vadd.s32 $0xFFFFFFFF, v10;
	_ =	sdelay $0x3  }
0x115: {  	s25 =	sadd.s32 $0xFFFFFFA0, s22  }
0x116: {  	[tilespmem:v10+s15+$0x0] =	vst.idx.msk vm9, v9;
	v9 =	vor.u32 s25, v2  }
0x117: {  	[tilespmem:v10+s16+$0x0] =	vst.idx.msk vm9, v9  }
0x118: {  	v9 =	vld [tilespmem:s23+$0xFFFFFFB0];
	_ =	sdelay $0x4  }
0x119: {  	vm8 =	vle.f32 v9, v8  }
0x11a: {  	(xrf0) =	vadd.scan.msk.s32 vm8, v1;
	_ =	sdelay $0x1  }
0x11b: {  	v10 =	vmpcnt.ones.xlane vm9;
	_ =	sdelay $0x3  }
0x11c: {  	v7 =	vadd.s32 v7, v10;
	v10, _, _ =	vpop (xrf0)  }
0x11d: {  	v10 =	vadd.s32 v10, v7  }
0x11e: {  	v10 =	vadd.s32 $0xFFFFFFFF, v10;
	_ =	sdelay $0x3  }
0x11f: {  	s26 =	sadd.s32 $0xFFFFFFB0, s22  }
0x120: {  	[tilespmem:v10+s15+$0x0] =	vst.idx.msk vm8, v9;
	v9 =	vor.u32 s26, v2  }
0x121: {  	[tilespmem:v10+s16+$0x0] =	vst.idx.msk vm8, v9  }
0x122: {  	v9 =	vld [tilespmem:s23+$0xFFFFFFC0];
	_ =	sdelay $0x4  }
0x123: {  	vm13 =	vle.f32 v9, v8  }
0x124: {  	(xrf0) =	vadd.scan.msk.s32 vm13, v1;
	_ =	sdelay $0x1  }
0x125: {  	v10 =	vmpcnt.ones.xlane vm8;
	_ =	sdelay $0x3  }
0x126: {  	v7 =	vadd.s32 v7, v10;
	v10, _, _ =	vpop (xrf0)  }
0x127: {  	v10 =	vadd.s32 v10, v7  }
0x128: {  	v10 =	vadd.s32 $0xFFFFFFFF, v10;
	_ =	sdelay $0x3  }
0x129: {  	s28 =	sadd.s32 $0xFFFFFFC0, s22  }
0x12a: {  	[tilespmem:v10+s15+$0x0] =	vst.idx.msk vm13, v9;
	v9 =	vor.u32 s28, v2  }
0x12b: {  	[tilespmem:v10+s16+$0x0] =	vst.idx.msk vm13, v9  }
0x12c: {  	v9 =	vld [tilespmem:s23+$0xFFFFFFD0];
	_ =	sdelay $0x4  }
0x12d: {  	vm8 =	vle.f32 v9, v8  }
0x12e: {  	(xrf0) =	vadd.scan.msk.s32 vm8, v1;
	_ =	sdelay $0x1  }
0x12f: {  	v10 =	vmpcnt.ones.xlane vm13;
	_ =	sdelay $0x3  }
0x130: {  	v7 =	vadd.s32 v7, v10;
	v10, _, _ =	vpop (xrf0)  }
0x131: {  	v10 =	vadd.s32 v10, v7  }
0x132: {  	v10 =	vadd.s32 $0xFFFFFFFF, v10;
	_ =	sdelay $0x3  }
0x133: {  	s29 =	sadd.s32 $0xFFFFFFD0, s22  }
0x134: {  	[tilespmem:v10+s15+$0x0] =	vst.idx.msk vm8, v9;
	v9 =	vor.u32 s29, v2  }
0x135: {  	[tilespmem:v10+s16+$0x0] =	vst.idx.msk vm8, v9  }
0x136: {  	v9 =	vld [tilespmem:s23+$0xFFFFFFE0];
	_ =	sdelay $0x4  }
0x137: {  	vm14 =	vle.f32 v9, v8  }
0x138: {  	(xrf0) =	vadd.scan.msk.s32 vm14, v1;
	_ =	sdelay $0x1  }
0x139: {  	v10 =	vmpcnt.ones.xlane vm8;
	_ =	sdelay $0x3  }
0x13a: {  	v7 =	vadd.s32 v7, v10;
	v10, _, _ =	vpop (xrf0)  }
0x13b: {  	v10 =	vadd.s32 v10, v7  }
0x13c: {  	v10 =	vadd.s32 $0xFFFFFFFF, v10;
	_ =	sdelay $0x3  }
0x13d: {  	s30 =	sadd.s32 $0xFFFFFFE0, s22  }
0x13e: {  	[tilespmem:v10+s15+$0x0] =	vst.idx.msk vm14, v9;
	v9 =	vor.u32 s30, v2  }
0x13f: {  	[tilespmem:v10+s16+$0x0] =	vst.idx.msk vm14, v9  }
0x140: {  	v9 =	vld [tilespmem:s23+$0xFFFFFFF0];
	_ =	sdelay $0x4  }
0x141: {  	vm8 =	vle.f32 v9, v8  }
0x142: {  	(xrf0) =	vadd.scan.msk.s32 vm8, v1;
	_ =	sdelay $0x1  }
0x143: {  	v10 =	vmpcnt.ones.xlane vm14;
	_ =	sdelay $0x3  }
0x144: {  	v7 =	vadd.s32 v7, v10;
	v10, _, _ =	vpop (xrf0)  }
0x145: {  	v10 =	vadd.s32 v10, v7  }
0x146: {  	v10 =	vadd.s32 $0xFFFFFFFF, v10;
	_ =	sdelay $0x3  }
0x147: {  	s31 =	sadd.s32 $0xFFFFFFF0, s22  }
0x148: {  	[tilespmem:v10+s15+$0x0] =	vst.idx.msk vm8, v9;
	v9 =	vor.u32 s31, v2  }
0x149: {  	[tilespmem:v10+s16+$0x0] =	vst.idx.msk vm8, v9  }
0x14a: {  	v9 =	vld [tilespmem:s23+$0x0];
	_ =	sdelay $0x4  }
0x14b: {  	vm15 =	vle.f32 v9, v8  }
0x14c: {  	(xrf0) =	vadd.scan.msk.s32 vm15, v1;
	_ =	sdelay $0x1  }
0x14d: {  	v10 =	vmpcnt.ones.xlane vm8;
	_ =	sdelay $0x3  }
0x14e: {  	v7 =	vadd.s32 v7, v10;
	v10, _, _ =	vpop (xrf0)  }
0x14f: {  	v10 =	vadd.s32 v10, v7  }
0x150: {  	v10 =	vadd.s32 $0xFFFFFFFF, v10  }
0x151: {  	p0 =	sne.s32 s22, $0x1FF0  }
.Ltmp9:
0x152: {  	_ = 	snop;
	(pc) =	sbr.rel @p0 .LBB2_11-.Ltmp9, $4  }
0x153: {  	_ = 	snop  }
0x154: {  	v11 =	vmpcnt.ones.xlane vm15  }
0x155: {  	[tilespmem:v10+s15+$0x0] =	vst.idx.msk vm15, v9;
	v9 =	vor.u32 s22, v2  }
0x156: {  	s23 =	sadd.s32 $0x80, s23;
	v7 =	vadd.s32 v7, v11;
	s22 =	sadd.s32 $0x80, s22;
	[tilespmem:v10+s16+$0x0] =	vst.idx.msk vm15, v9  }
0x157: {  	v8 =	vxor.u32 $0x80000000, v7  }
0x158: {  	(xrf0) =	vmax.scan.msk.u32 $0xffff, v8;
	_ =	sdelay $0x5  }
0x159: {  	v8, _, _ =	vpop (xrf0)  }
0x15a: {  	(v2sf) =	vpush v8, $0xF;
	_ =	sdelay $0xe  }
0x15b: {  	s22 =	spop (v2sf)  }
0x15c: {  	s22 =	sadd.s32 $0x8000000F, s22  }
0x15d: {  	s23 =	sand.u32 $0xF, s22  }
0x15e: {  	s24 =	sshra.s32 s22, $0x1F;
	p0 =	slt.s32 s22, $0x1;
	p1 =	sne.s32 s23, $0x0  }
0x15f: {  	s31 =	sshrl.u32 s24, $0x1C;
	p0 =	por !p0, !p1  }
0x160: {  	s23 =	simm.s32 $0x1;
	s22 =	sadd.s32 s31, s22;
	p0 =	por !p0, !p0  }
0x161: {  	s22 =	sshra.s32 s22, $0x4;
	s23 =	simm.s32 @!p0 $0x0  }
0x162: {  	s24 =	ssub.s32 s22, s23  }
0x163: {  	v7 =	vadd.s32 v2, v7;
	p0 =	slt.s32 s24, $0x1  }
.Ltmp10:
0x164: {  	_ = 	snop;
	(pc) =	sbr.rel @p0 .LBB2_13-.Ltmp10, $3  }
0x165: {  	_ =	sdelay $0x1  }
0x166: {  	v8 =	vimm.f32 $3.000000010e+38;
	s22 =	simm.s32 $0x4100  }
0x167: {  	s23 =	simm.s32 $0x6180;
	[tilespmem:v7+s22+$0x0] =	vst.idx.msk $0xffff, v8;
	v7 =	vimm.s32 $0x0  }
0x168: {  	p1 =	sne.s32 s24, $0x1  }
.Ltmp11:
0x169: {  	_ = 	snop;
	(pc) =	sbr.rel @!p1 .LBB2_15-.Ltmp11, $3  }
0x16a: {  	_ =	sdelay $0x1  }
0x16b: {  	v10 =	vld [tilespmem:s22+$0x0]  }
0x16c: {  	v15 =	vld [tilespmem:s23+$0x0];
	s24 =	sadd.s32 $0xFFFFFFFF, s24;
	p0 =	por $0x0, $0x0  }
0x16d: {  	_ =	sdelay $0x3  }
0x16e: {  	(xrf1) =	vsort.dscd.msk.f32 $0xffff, v10, v15;
	_ =	sdelay $0xd  }
0x16f: {  	v9, v10, _ =	vpop (xrf1)  }
0x170: {  	vm8 =	vle.f32 v8, v9  }
0x171: {  	v12 =	vsel vm8, v8, v9  }
0x172: {  	v10 =	vsel vm8, v7, v10;
	vm8 =	vle.f32 v8, v12  }
0x173: {  	p1 =	sne.s32 s24, $0x1;
	v11 =	vsel vm8, v8, v12;
	v9 =	vsel vm8, v7, v10;
	v14 =	vsel vm8, v12, v8  }
.Ltmp12:
0x174: {  	v13 =	vsel vm8, v10, v7;
	v16 =	vperm.xlane v11, v3;
	v18 =	vperm.xlane v14, v3;
	(pc) =	sbr.rel @!p1 .LBB2_18-.Ltmp12, $4  }
0x175: {  	v12 =	vperm.xlane v9, v3;
	v17 =	vperm.xlane v13, v3  }
0x176: {  	s23 =	sadd.s32 $0x10, s23;
	vm8 =	vlt.f32 v16, v11;
	vm9 =	vlt.f32 v18, v14;
	vm10 =	vgt.f32 v18, v14  }
0x177: {  	s22 =	sadd.s32 $0x10, s22;
	v15 =	vld [tilespmem:s23+$0x0];
	vm11 =	vgt.f32 v16, v11;
	vm12 =	vmand vm1, vm10;
	vm13 =	vmand vm9, vm0  }
0x178: {  	s24 =	sadd.s32 $0xFFFFFFFF, s24;
	p0 =	por $0x1, $0x1;
	v10 =	vld [tilespmem:s22+$0x0];
	vm9 =	vmand vm1, vm11;
	vm10 =	vmand vm8, vm0;
	vm8 =	vmor vm13, vm12  }
.LBB2_17:
0x179: {  	p1 =	sne.s32 s24, $0x1;
	vm9 =	vmor vm10, vm9;
	v14 =	vsel vm8, v18, v14;
	v13 =	vsel vm8, v17, v13  }
0x17a: {  	v11 =	vsel vm9, v16, v11;
	v9 =	vsel vm9, v12, v9;
	v12 =	vperm.xlane v14, v4  }
0x17b: {  	v16 =	vperm.xlane v11, v4;
	v17 =	vperm.xlane v9, v4  }
0x17c: {  	v18 =	vperm.xlane v13, v4;
	vm8 =	vlt.f32 v12, v14;
	vm9 =	vgt.f32 v12, v14  }
0x17d: {  	(xrf1) =	vsort.dscd.msk.f32 $0xffff, v10, v15;
	vm10 =	vlt.f32 v16, v11;
	vm9 =	vmand vm3, vm9;
	vm8 =	vmand vm8, vm2  }
0x17e: {  	vm11 =	vgt.f32 v16, v11;
	vm10 =	vmand vm10, vm2;
	vm8 =	vmor vm8, vm9  }
0x17f: {  	vm9 =	vmand vm3, vm11;
	v10 =	vsel vm8, v12, v14;
	v12 =	vsel vm8, v18, v13  }
0x180: {  	vm8 =	vmor vm10, vm9;
	v13 =	vperm.xlane v10, v5;
	v14 =	vperm.xlane v12, v5  }
0x181: {  	v11 =	vsel vm8, v16, v11;
	v9 =	vsel vm8, v17, v9  }
0x182: {  	v15 =	vperm.xlane v11, v5;
	vm8 =	vlt.f32 v13, v10;
	vm9 =	vgt.f32 v13, v10  }
0x183: {  	v16 =	vperm.xlane v9, v5;
	vm9 =	vmand vm6, vm9;
	vm8 =	vmand vm8, vm4  }
0x184: {  	vm10 =	vlt.f32 v15, v11;
	vm11 =	vgt.f32 v15, v11;
	vm8 =	vmor vm8, vm9  }
0x185: {  	vm9 =	vmand vm6, vm11;
	vm10 =	vmand vm10, vm4;
	v10 =	vsel vm8, v13, v10  }
0x186: {  	vm9 =	vmor vm10, vm9;
	v12 =	vsel vm8, v14, v12;
	v13 =	vperm.xlane v10, v6  }
0x187: {  	v11 =	vsel vm9, v15, v11;
	v9 =	vsel vm9, v16, v9;
	v14 =	vperm.xlane v12, v6  }
0x188: {  	v15 =	vperm.xlane v11, v6;
	vm8 =	vlt.f32 v13, v10;
	vm9 =	vgt.f32 v13, v10  }
0x189: {  	v16 =	vperm.xlane v9, v6;
	vm9 =	vmand vm7, vm9;
	vm8 =	vmand vm8, vm5  }
0x18a: {  	vm10 =	vlt.f32 v15, v11;
	vm11 =	vgt.f32 v15, v11;
	vm8 =	vmor vm8, vm9  }
0x18b: {  	vm9 =	vmand vm7, vm11;
	vm10 =	vmand vm10, vm5;
	v17, v18, _ =	vpop (xrf1);
	v10 =	vsel vm8, v13, v10  }
0x18c: {  	vm9 =	vmor vm10, vm9;
	v12 =	vsel vm8, v14, v12;
	vm11 =	vle.f32 v10, v17  }
0x18d: {  	v13 =	vsel vm9, v15, v11;
	v10 =	vsel vm11, v10, v17;
	v12 =	vsel vm11, v12, v18  }
0x18e: {  	v15 =	vsel vm9, v16, v9;
	vm8 =	vle.f32 v13, v10  }
0x18f: {  	v11 =	vsel vm8, v13, v10;
	v9 =	vsel vm8, v15, v12;
	v14 =	vsel vm8, v10, v13  }
.Ltmp13:
0x190: {  	v13 =	vsel vm8, v12, v15;
	v16 =	vperm.xlane v11, v3;
	v18 =	vperm.xlane v14, v3;
	(pc) =	sbr.rel @p1 .LBB2_17-.Ltmp13, $4  }
0x191: {  	v12 =	vperm.xlane v9, v3;
	v17 =	vperm.xlane v13, v3  }
0x192: {  	s22 =	sadd.s32 $0x10, s22;
	vm8 =	vlt.f32 v16, v11;
	vm9 =	vlt.f32 v18, v14;
	vm10 =	vgt.f32 v18, v14  }
0x193: {  	s23 =	sadd.s32 $0x10, s23;
	vm11 =	vgt.f32 v16, v11;
	v10 =	vld [tilespmem:s22+$0x0];
	vm12 =	vmand vm1, vm10;
	vm13 =	vmand vm9, vm0  }
0x194: {  	s24 =	sadd.s32 $0xFFFFFFFF, s24;
	vm9 =	vmand vm1, vm11;
	vm10 =	vmand vm8, vm0;
	v15 =	vld [tilespmem:s23+$0x0];
	vm8 =	vmor vm13, vm12  }
.LBB2_18:
0x195: {  	v14 =	vsel @p0 vm8, v18, v14  }
0x196: {  	vm9 =	vmor @p0 vm10, vm9;
	v18 =	vperm.xlane @p0 v14, v4  }
0x197: {  	v11 =	vsel @p0 vm9, v16, v11  }
0x198: {  	v16 =	vperm.xlane @p0 v11, v4;
	vm10 =	vlt.f32 @p0 v18, v14;
	vm11 =	vgt.f32 @p0 v18, v14  }
0x199: {  	v13 =	vsel @p0 vm8, v17, v13;
	vm8 =	vmand @p0 vm3, vm11;
	vm10 =	vmand @p0 vm10, vm2  }
0x19a: {  	(xrf1) =	vsort.dscd.msk.f32 $0xffff, v10, v15;
	vm11 =	vlt.f32 @p0 v16, v11;
	vm8 =	vmor @p0 vm10, vm8;
	vm10 =	vgt.f32 @p0 v16, v11  }
0x19b: {  	vm11 =	vmand @p0 vm11, vm2;
	vm10 =	vmand @p0 vm3, vm10;
	v10 =	vsel @p0 vm8, v18, v14  }
0x19c: {  	v9 =	vsel @p0 vm9, v12, v9;
	vm9 =	vmor @p0 vm11, vm10;
	v12 =	vperm.xlane @p0 v10, v5  }
0x19d: {  	v15 =	vperm.xlane @p0 v13, v4;
	v14 =	vperm.xlane @p0 v9, v4;
	v11 =	vsel @p0 vm9, v16, v11  }
0x19e: {  	v16 =	vperm.xlane @p0 v11, v5;
	vm10 =	vlt.f32 @p0 v12, v10;
	vm11 =	vgt.f32 @p0 v12, v10  }
0x19f: {  	v13 =	vsel @p0 vm8, v15, v13;
	vm8 =	vmand @p0 vm6, vm11;
	vm10 =	vmand @p0 vm10, vm4  }
0x1a0: {  	vm11 =	vlt.f32 @p0 v16, v11;
	vm8 =	vmor @p0 vm10, vm8;
	vm10 =	vgt.f32 @p0 v16, v11  }
0x1a1: {  	vm10 =	vmand @p0 vm6, vm10;
	vm11 =	vmand @p0 vm11, vm4;
	v10 =	vsel @p0 vm8, v12, v10  }
0x1a2: {  	v9 =	vsel @p0 vm9, v14, v9;
	vm9 =	vmor @p0 vm11, vm10;
	v12 =	vperm.xlane @p0 v10, v6  }
0x1a3: {  	v14 =	vperm.xlane @p0 v13, v5;
	v15 =	vperm.xlane @p0 v9, v5;
	v11 =	vsel @p0 vm9, v16, v11  }
0x1a4: {  	v16 =	vperm.xlane @p0 v11, v6;
	vm10 =	vlt.f32 @p0 v12, v10;
	vm11 =	vgt.f32 @p0 v12, v10  }
0x1a5: {  	v13 =	vsel @p0 vm8, v14, v13;
	vm8 =	vmand @p0 vm7, vm11;
	vm10 =	vmand @p0 vm10, vm5  }
0x1a6: {  	vm11 =	vlt.f32 @p0 v16, v11;
	vm8 =	vmor @p0 vm10, vm8;
	vm10 =	vgt.f32 @p0 v16, v11  }
0x1a7: {  	vm10 =	vmand @p0 vm7, vm10;
	vm11 =	vmand @p0 vm11, vm5;
	v10 =	vsel @p0 vm8, v12, v10  }
0x1a8: {  	v9 =	vsel @p0 vm9, v15, v9;
	v56, v55, _ =	vpop (xrf1);
	v10 =	vpsel p0, v10, v8;
	vm9 =	vmor @p0 vm11, vm10  }
0x1a9: {  	v15 =	vperm.xlane @p0 v13, v6;
	vm15 =	vle.f32 v10, v56;
	v11 =	vsel @p0 vm9, v16, v11  }
0x1aa: {  	v16 =	vperm.xlane @p0 v9, v6;
	v10 =	vsel vm15, v10, v56;
	v8 =	vpsel p0, v11, v8  }
0x1ab: {  	v11 =	vsel @p0 vm8, v15, v13;
	vm8 =	vle.f32 v8, v10  }
0x1ac: {  	v11 =	vpsel p0, v11, v7;
	v9 =	vsel @p0 vm9, v16, v9;
	v12 =	vsel vm8, v10, v8  }
0x1ad: {  	v11 =	vsel vm15, v11, v55;
	v7 =	vpsel p0, v9, v7;
	v9 =	vperm.xlane v12, v3  }
0x1ae: {  	v8 =	vsel vm8, v8, v10;
	v10 =	vsel vm8, v11, v7  }
0x1af: {  	v57 =	vperm.xlane v8, v3;
	vm12 =	vlt.f32 v9, v12;
	vm13 =	vgt.f32 v9, v12  }
0x1b0: {  	v58 =	vperm.xlane v10, v3;
	vm10 =	vmand vm1, vm13;
	vm9 =	vmand vm12, vm0  }
0x1b1: {  	vm14 =	vlt.f32 v57, v8;
	vm15 =	vgt.f32 v57, v8;
	vm9 =	vmor vm9, vm10  }
0x1b2: {  	vm11 =	vmand vm14, vm0;
	vm10 =	vmand vm1, vm15;
	v9 =	vsel vm9, v9, v12  }
0x1b3: {  	v7 =	vsel vm8, v7, v11;
	vm8 =	vmor vm11, vm10;
	v11 =	vperm.xlane v9, v4  }
0x1b4: {  	v59 =	vperm.xlane v7, v3;
	v10 =	vsel vm9, v58, v10;
	v8 =	vsel vm8, v57, v8  }
0x1b5: {  	v13 =	vperm.xlane v8, v4;
	vm12 =	vlt.f32 v11, v9;
	vm13 =	vgt.f32 v11, v9  }
0x1b6: {  	v14 =	vperm.xlane v10, v4;
	vm10 =	vmand vm3, vm13;
	vm9 =	vmand vm12, vm2  }
0x1b7: {  	vm14 =	vlt.f32 v13, v8;
	vm15 =	vgt.f32 v13, v8;
	vm9 =	vmor vm9, vm10  }
0x1b8: {  	vm11 =	vmand vm14, vm2;
	vm10 =	vmand vm3, vm15;
	v9 =	vsel vm9, v11, v9  }
0x1b9: {  	v7 =	vsel vm8, v59, v7;
	vm8 =	vmor vm11, vm10;
	v11 =	vperm.xlane v9, v5  }
0x1ba: {  	v12 =	vperm.xlane v7, v4;
	v10 =	vsel vm9, v14, v10;
	v8 =	vsel vm8, v13, v8  }
0x1bb: {  	v60 =	vperm.xlane v10, v5;
	v61 =	vperm.xlane v8, v5;
	vm12 =	vgt.f32 v11, v9  }
0x1bc: {  	v7 =	vsel vm8, v12, v7;
	vm8 =	vlt.f32 v11, v9;
	vm9 =	vmand vm6, vm12  }
0x1bd: {  	vm8 =	vmand vm8, vm4;
	vm13 =	vlt.f32 v61, v8;
	vm14 =	vgt.f32 v61, v8  }
0x1be: {  	vm8 =	vmor vm8, vm9;
	vm15 =	vmand vm6, vm14;
	vm10 =	vmand vm13, vm4  }
0x1bf: {  	v12 =	vperm.xlane v7, v5;
	v9 =	vsel vm8, v11, v9;
	vm9 =	vmor vm10, vm15  }
0x1c0: {  	v10 =	vsel vm8, v60, v10;
	v11 =	vperm.xlane v9, v6;
	v8 =	vsel vm9, v61, v8  }
0x1c1: {  	v7 =	vsel vm9, v12, v7;
	v62 =	vperm.xlane v10, v6;
	v63 =	vperm.xlane v8, v6  }
.Ltmp14:
0x1c2: {  	vm8 =	vlt.f32 v11, v9;
	vm12 =	vgt.f32 v11, v9;
	v9 =	vperm.xlane v7, v6;
	(pc) =	sbr.rel .LBB2_19-.Ltmp14, $4  }
0x1c3: {  	vm9 =	vmand vm7, vm12;
	vm13 =	vlt.f32 v63, v8;
	vm14 =	vgt.f32 v63, v8  }
0x1c4: {  	vm8 =	vmand vm8, vm5;
	vm11 =	vmand vm7, vm14;
	vm10 =	vmand vm13, vm5  }
0x1c5: {  	vm8 =	vmor vm8, vm9;
	vm15 =	vmor vm10, vm11  }
0x1c6: {  	v8 =	vsel vm8, v62, v10;
	v7 =	vsel vm15, v9, v7  }
.LBB2_6:
.Ltmp15:
0x1c7: {  	(pc) =	sbr.rel .LBB2_9-.Ltmp15, $2  }
0x1c8: {  	_ =	sdelay $0x2  }
0x1c9: {  	_ = 	snop  }
.LBB2_15:
.Ltmp16:
0x1ca: {  	(pc) =	sbr.rel .LBB2_18-.Ltmp16, $2  }
0x1cb: {  	_ =	sdelay $0x2  }
0x1cc: {  	_ = 	snop  }
.LBB2_21:
0x1cd: {  	_ =	sfence.sel $0x180000  }
0x1ce: {  	[bflag:$0x0] =	sbarrier.arrive $0xFFFF  }
0x1cf: {  	p0 =	sne.s32 s0, $0x0;
	_ =	strace $0x9000004A  }
0x1d0: {  	s0 =	sadd.s32 @!p0 $0x100000, s1;
	[bflag:$0x2] =	sbarrier.arrive $0xFFFF  }
0x1d1: {  	[sflag:s0] =	ssyncadd.tile.s32 @!p0 $0x1;
	_ =	shalt  }
.Lfunc_end2:
_tile_overlayer_lowered:
.L_overlay_start_2:
0x1d2: {  	(tag) =	ssettag $0x2  }
0x1d3: {  	s0 =	rddreg [dreg:$0x0];
	s2 =	stileid.u32  }
0x1d4: {  	s1 =	rddreg [dreg:$0x1];
	p0 =	sne.s32 s2, $0x0  }
0x1d5: {  	s3 =	rddreg [dreg:$0x2];
	[bflag:$0x3] =	sbarrier.arrive $0xFFFF;
	s2 =	simm.s32 @!p0 $0x1C03  }
0x1d6: {  	[timem:s3], [sflag:s2] =	dma.local @!p0 [hbm:s0], s1  }
0x1d7: {  	s0 =	simm.s32 @!p0 $0x3  }
0x1d8: {  	_ =	swait.ge @!p0 [sflag:s0], s1  }
0x1d9: {  	s1 =	ssub.s32 @!p0 $0x0, s1;
	[sflag:s0] =	ssyncset.done @!p0 $0x0  }
0x1da: {  	[sflag:s0] =	ssyncadd.s32 @!p0 s1  }
0x1db: {  	[bflag:$0x3] =	sbarrier.arrive $0xFFFF  }
0x1dc: {  	_ =	shalt  }

</sc_bundles>
